<compile_context>
chip_gen: v7x
topology: tpu7x:2x2x1
jax: 0.10.2.dev20260603
libtpu: 0.0.44.dev20260713+nightly
codegen_flags: <defaults>
</compile_context>

<pallas_src>
import functools

import jax
import jax.numpy as jnp
from jax import lax
from jax.experimental import pallas as pl
from jax.experimental.pallas import tpu as pltpu
from jax.experimental.pallas import tpu_sc as plsc

N = 10000
NPAD = 10112
E = 320000
CH = 128
HC = 64
OCH = 32
HW = 8
EC = 128
NCHUNK = E // EC
NW = 32
NSUB = 16
RPS = NPAD // NSUB
TMAX = 80
NB = 1264
G = NPAD // NB

_sc_mesh = plsc.VectorSubcoreMesh(core_axis_name="c", subcore_axis_name="s")


@functools.partial(
    pl.kernel,
    out_type=jax.ShapeDtypeStruct((2, NPAD, HW), jnp.float32),
    mesh=_sc_mesh,
    scratch_types=[
        pltpu.VMEM((2, EC), jnp.int32),
        pltpu.VMEM((EC, HW), jnp.float32),
        pltpu.VMEM((RPS, HW), jnp.float32),
        pltpu.VMEM_SHARED((NPAD, HW), jnp.float32),
        pltpu.SemaphoreType.DMA,
        pltpu.SemaphoreType.DMA,
    ],
    compiler_params=pltpu.CompilerParams(use_tc_tiling_on_sc=False),
)
def _hist_kernel(echunks, ones_hbm, zh_hbm, out, ibuf, ones_v, zb, hist_sh,
                 sem0, sem1):
    cid = lax.axis_index("c")
    sid = lax.axis_index("s")
    wid = cid * NSUB + sid
    sems = (sem0, sem1)

    pltpu.sync_copy(ones_hbm, ones_v)
    pltpu.sync_copy(zh_hbm, zb)
    pltpu.sync_copy(zb, hist_sh.at[pl.ds(sid * RPS, RPS)])
    plsc.subcore_barrier()

    def start(t, b):
        c = wid + t * NW

        @pl.when(c < NCHUNK)
        def _():
            pltpu.async_copy(echunks.at[c, 1], ibuf.at[b], sems[b])

    def finish(t, b):
        c = wid + t * NW

        @pl.when(c < NCHUNK)
        def _():
            pltpu.make_async_copy(echunks.at[c, 1], ibuf.at[b], sems[b]).wait()
            pltpu.sync_copy(ones_v, hist_sh.at[ibuf.at[b]], add=True)

    start(0, 0)

    def step2(i, carry):
        t = i * 2
        start(t + 1, 1)
        finish(t, 0)
        start(t + 2, 0)
        finish(t + 1, 1)
        return carry

    lax.fori_loop(0, TMAX // 2, step2, 0)

    plsc.subcore_barrier()
    pltpu.sync_copy(hist_sh.at[pl.ds(sid * RPS, RPS)], zb)
    pltpu.sync_copy(zb, out.at[cid, pl.ds(sid * RPS, RPS)])



@functools.partial(
    pl.kernel,
    out_type=(
        jax.ShapeDtypeStruct((2, NPAD, HC), jnp.float32),
        jax.ShapeDtypeStruct((2, NPAD, HC), jnp.float32),
    ),
    mesh=_sc_mesh,
    scratch_types=[
        pltpu.VMEM((TMAX, 2, EC), jnp.int32),
        pltpu.VMEM((4, EC, HC), jnp.float32),
        pltpu.VMEM_SHARED((NPAD, HC), jnp.float32),
        pltpu.SemaphoreType.DMA,
        pltpu.SemaphoreType.DMA,
        pltpu.SemaphoreType.DMA,
        pltpu.SemaphoreType.DMA,
        pltpu.SemaphoreType.DMA,
        pltpu.SemaphoreType.DMA,
        pltpu.SemaphoreType.DMA,
        pltpu.SemaphoreType.DMA,
        pltpu.SemaphoreType.DMA,
    ],
    compiler_params=pltpu.CompilerParams(use_tc_tiling_on_sc=False),
)
def _agg_kernel(hscA, hscB, echunks, zrows, outA, outB, ibuf, rows, acc,
                isem, gs0, gs1, gs2, gs3, ss0, ss1, ss2, ss3):
    cid = lax.axis_index("c")
    sid = lax.axis_index("s")
    wid = cid * NSUB + sid
    gsems = (gs0, gs1, gs2, gs3)
    ssems = (ss0, ss1, ss2, ss3)

    def pre_start(j):
        @pl.when(wid + j * NW < NCHUNK)
        def _():
            pltpu.async_copy(echunks.at[wid + j * NW], ibuf.at[j], isem)

    def pre_drain(j):
        @pl.when(wid + j * NW < NCHUNK)
        def _():
            pltpu.make_async_copy(echunks.at[wid + j * NW], ibuf.at[j],
                                  isem).wait()

    def pre_step(j, carry):
        pre_start(j)

        @pl.when(j >= 8)
        def _():
            pre_drain(j - 8)

        return carry

    lax.fori_loop(0, TMAX, pre_step, 0)

    def pre_tail(j, carry):
        pre_drain(j)
        return carry

    lax.fori_loop(TMAX - 8, TMAX, pre_tail, 0)

    for h, (hsrc, out) in enumerate(((hscA, outA), (hscB, outB))):

        def g_start(t, b, hsrc=hsrc):
            @pl.when((t >= 4) & ((t - 4) * NW + wid < NCHUNK))
            def _():
                pltpu.make_async_copy(rows.at[b], acc.at[ibuf.at[t - 4, 1]],
                                      ssems[b]).wait()

            @pl.when(t * NW + wid < NCHUNK)
            def _():
                pltpu.async_copy(hsrc.at[ibuf.at[t, 0]], rows.at[b], gsems[b])

        def g_fin(t, b, hsrc=hsrc):
            @pl.when(t * NW + wid < NCHUNK)
            def _():
                pltpu.make_async_copy(hsrc.at[ibuf.at[t, 0]], rows.at[b],
                                      gsems[b]).wait()
                pltpu.async_copy(rows.at[b], acc.at[ibuf.at[t, 1]], ssems[b],
                                 add=True)

        pltpu.sync_copy(zrows, acc.at[pl.ds(sid * RPS, RPS)])
        plsc.subcore_barrier()

        for b in range(4):
            g_start(b, b)

        def step4(i, carry, g_start=g_start, g_fin=g_fin):
            t = i * 4
            for b in range(4):
                g_fin(t + b, b)
            for b in range(4):
                g_start(t + 4 + b, b)
            return carry

        lax.fori_loop(0, TMAX // 4, step4, 0)

        plsc.subcore_barrier()
        pltpu.sync_copy(acc.at[pl.ds(sid * RPS, RPS)],
                        out.at[cid, pl.ds(sid * RPS, RPS)])
        plsc.subcore_barrier()


def _tc1_body(hist_ref, x_ref, w0_ref, dis_ref, hA_ref, hB_ref):
    hsum = hist_ref[0] + hist_ref[1]
    deg = hsum[:, 0:1] + 1.0
    dis = lax.rsqrt(deg)
    dis_ref[...] = dis
    h = jnp.dot(x_ref[...], w0_ref[...], preferred_element_type=jnp.float32)
    h = h * dis
    hA_ref[...] = h[:, :HC]
    hB_ref[...] = h[:, HC:]


_tc1 = pl.pallas_call(
    _tc1_body,
    grid=(G,),
    in_specs=[
        pl.BlockSpec((2, NB, HW), lambda i: (0, i, 0)),
        pl.BlockSpec((NB, CH), lambda i: (i, 0)),
        pl.BlockSpec((CH, CH), lambda i: (0, 0)),
    ],
    out_specs=[
        pl.BlockSpec((NB, 1), lambda i: (i, 0)),
        pl.BlockSpec((NB, HC), lambda i: (i, 0)),
        pl.BlockSpec((NB, HC), lambda i: (i, 0)),
    ],
    out_shape=[
        jax.ShapeDtypeStruct((NPAD, 1), jnp.float32),
        jax.ShapeDtypeStruct((NPAD, HC), jnp.float32),
        jax.ShapeDtypeStruct((NPAD, HC), jnp.float32),
    ],
)


def _tc2_body(aggA_ref, aggB_ref, hA_ref, hB_ref, dis_ref, b_ref, w_ref,
              fl_ref, oA_ref, oB_ref):
    sA = aggA_ref[0] + aggA_ref[1] + hA_ref[...]
    sB = aggB_ref[0] + aggB_ref[1] + hB_ref[...]
    s = jnp.concatenate([sA, sB], axis=1)
    act = jnp.maximum(dis_ref[...] * s + b_ref[...], 0.0)
    h = jnp.dot(act, w_ref[...], preferred_element_type=jnp.float32)
    scale = jnp.where(fl_ref[...] > 0.0, dis_ref[...], 1.0)
    h = h * scale
    oA_ref[...] = h[:, :HC]
    oB_ref[...] = h[:, HC:]


_tc2 = pl.pallas_call(
    _tc2_body,
    grid=(G,),
    in_specs=[
        pl.BlockSpec((2, NB, HC), lambda i: (0, i, 0)),
        pl.BlockSpec((2, NB, HC), lambda i: (0, i, 0)),
        pl.BlockSpec((NB, HC), lambda i: (i, 0)),
        pl.BlockSpec((NB, HC), lambda i: (i, 0)),
        pl.BlockSpec((NB, 1), lambda i: (i, 0)),
        pl.BlockSpec((1, CH), lambda i: (0, 0)),
        pl.BlockSpec((CH, CH), lambda i: (0, 0)),
        pl.BlockSpec((1, 1), lambda i: (0, 0)),
    ],
    out_specs=[
        pl.BlockSpec((NB, HC), lambda i: (i, 0)),
        pl.BlockSpec((NB, HC), lambda i: (i, 0)),
    ],
    out_shape=[
        jax.ShapeDtypeStruct((NPAD, HC), jnp.float32),
        jax.ShapeDtypeStruct((NPAD, HC), jnp.float32),
    ],
)


def _tc4_body(aA_ref, aB_ref, wc1_ref, bc1_ref, wc2_ref, bc2_ref, out_ref):
    act = jnp.concatenate([aA_ref[...], aB_ref[...]], axis=1)
    c = jnp.dot(act, wc1_ref[...], preferred_element_type=jnp.float32)
    c = jnp.maximum(c + bc1_ref[...], 0.0)
    logits = jnp.dot(c, wc2_ref[...], preferred_element_type=jnp.float32)
    out_ref[...] = jax.nn.sigmoid(logits + bc2_ref[...])


_tc4 = pl.pallas_call(
    _tc4_body,
    grid=(G,),
    in_specs=[
        pl.BlockSpec((NB, HC), lambda i: (i, 0)),
        pl.BlockSpec((NB, HC), lambda i: (i, 0)),
        pl.BlockSpec((CH, CH), lambda i: (0, 0)),
        pl.BlockSpec((1, CH), lambda i: (0, 0)),
        pl.BlockSpec((CH, OCH), lambda i: (0, 0)),
        pl.BlockSpec((1, OCH), lambda i: (0, 0)),
    ],
    out_specs=pl.BlockSpec((NB, OCH), lambda i: (i, 0)),
    out_shape=jax.ShapeDtypeStruct((NPAD, OCH), jnp.float32),
)


def kernel(x, edge_index, batch, W0, b0, W1, b1, W2, b2, Wc1, bc1, Wc2, bc2):
    ei = edge_index.astype(jnp.int32)
    echunks = ei.reshape(2, NCHUNK, EC).transpose(1, 0, 2)
    ones_h = jnp.ones((EC, HW), jnp.float32)
    zh = jnp.zeros((RPS, HW), jnp.float32)
    xp = jnp.zeros((NPAD, CH), jnp.float32).at[:N].set(x)

    hist = _hist_kernel(echunks, ones_h, zh)
    dis, hA, hB = _tc1(hist, xp, W0)

    Wstack = jnp.stack([W1, W2, jnp.eye(CH, dtype=jnp.float32)])
    bstack = jnp.stack([b0.reshape(1, CH), b1.reshape(1, CH),
                        b2.reshape(1, CH)])
    flstack = jnp.array([[[1.0]], [[1.0]], [[-1.0]]], jnp.float32)
    zrows = jnp.zeros((RPS, HC), jnp.float32)

    def layer(l, carry):
        chA, chB = carry
        aggA, aggB = _agg_kernel(chA, chB, echunks, zrows)
        oA, oB = _tc2(aggA, aggB, chA, chB, dis, bstack[l], Wstack[l],
                      flstack[l])
        return (oA, oB)

    actA, actB = lax.fori_loop(0, 3, layer, (hA, hB))
    out = _tc4(actA, actB, Wc1, bc1.reshape(1, CH), Wc2,
               bc2.reshape(1, OCH))
    return out[:N]

# --- scband reference (transcript-rebuilt; emitter-appended) ---
"""Pipeline reference for scband-cadgrouping-gnn-10067403342134 (READ-ONLY COPY).

The authoritative reference and input builder live on the scoring server;
editing this copy changes nothing except your own understanding.
"""

import jax, jax.numpy as jnp
import numpy as np

N_NODES = 10000
N_EDGES = 320000
IN_CH = 128
HID_CH = 128
OUT_CH = 32


def gcn_conv(x, src, dst, W, b, num_nodes):
    # PyG-style GCNConv: linear transform, add self-loops, sym-normalized aggregation, bias
    h = x @ W
    loop = jnp.arange(num_nodes, dtype=src.dtype)
    src_sl = jnp.concatenate([src, loop])
    dst_sl = jnp.concatenate([dst, loop])
    deg = jnp.zeros((num_nodes,), dtype=h.dtype).at[dst_sl].add(1.0)
    deg_inv_sqrt = jnp.where(deg > 0, deg ** -0.5, 0.0)
    norm = deg_inv_sqrt[src_sl] * deg_inv_sqrt[dst_sl]
    msg = h[src_sl] * norm[:, None]
    out = jax.ops.segment_sum(msg, dst_sl, num_segments=num_nodes)
    return out + b


def setup_inputs(seed: int = 0) -> dict:
    key = jax.random.key(seed)
    ks = jax.random.split(key, 16)
    x = jax.random.normal(ks[0], (N_NODES, IN_CH), dtype=jnp.float32)
    edge_index = jax.random.randint(ks[1], (2, N_EDGES), 0, N_NODES, dtype=jnp.int64 if jax.config.jax_enable_x64 else jnp.int32)
    batch = jnp.sort(jax.random.randint(ks[2], (N_NODES,), 0, 16))

    def glorot(k, fan_in, fan_out):
        s = (6.0 / (fan_in + fan_out)) ** 0.5
        return jax.random.uniform(k, (fan_in, fan_out), minval=-s, maxval=s, dtype=jnp.float32)

    W0 = glorot(ks[3], IN_CH, HID_CH); b0 = jnp.zeros((HID_CH,), jnp.float32)
    W1 = glorot(ks[4], HID_CH, HID_CH); b1 = jnp.zeros((HID_CH,), jnp.float32)
    W2 = glorot(ks[5], HID_CH, HID_CH); b2 = jnp.zeros((HID_CH,), jnp.float32)
    Wc1 = glorot(ks[6], HID_CH, HID_CH); bc1 = jnp.zeros((HID_CH,), jnp.float32)
    Wc2 = glorot(ks[7], HID_CH, OUT_CH); bc2 = jnp.zeros((OUT_CH,), jnp.float32)
    return {"x": x, "edge_index": edge_index, "batch": batch,
            "W0": W0, "b0": b0, "W1": W1, "b1": b1, "W2": W2, "b2": b2,
            "Wc1": Wc1, "bc1": bc1, "Wc2": Wc2, "bc2": bc2}


def reference(x, edge_index, batch, W0, b0, W1, b1, W2, b2, Wc1, bc1, Wc2, bc2):
    num_nodes = x.shape[0]
    src, dst = edge_index[0], edge_index[1]
    h = jax.nn.relu(gcn_conv(x, src, dst, W0, b0, num_nodes))
    h = jax.nn.relu(gcn_conv(h, src, dst, W1, b1, num_nodes))
    h = jax.nn.relu(gcn_conv(h, src, dst, W2, b2, num_nodes))
    # classifier (dropout is identity in eval mode)
    h = jax.nn.relu(h @ Wc1 + bc1)
    logits = h @ Wc2 + bc2
    return jax.nn.sigmoid(logits)

if __name__ == "__main__":
    import jax
    _d = setup_inputs()
    print(jax.jit(kernel)(*tuple(_d.values())))

</pallas_src>

<mosaic_0001>
#map = affine_map<(d0, d1) -> (0, 0, 0)>
#map1 = affine_map<(d0, d1) -> (0, 0)>
module attributes {stable_mosaic.version = 14 : i64} {
  func.func @_hist_kernel(%arg0: i32, %arg1: i32, %arg2: memref<2500x2x128xi32, #tpu.memory_space<hbm>>, %arg3: memref<128x8xf32, #tpu.memory_space<hbm>>, %arg4: memref<632x8xf32, #tpu.memory_space<hbm>>, %arg5: memref<2x10112x8xf32, #tpu.memory_space<hbm>>, %arg6: memref<2x128xi32, #tpu.memory_space<vmem>>, %arg7: memref<128x8xf32, #tpu.memory_space<vmem>>, %arg8: memref<632x8xf32, #tpu.memory_space<vmem>>, %arg9: memref<10112x8xf32, #tpu.memory_space<vmem_shared>>, %arg10: memref<!tpu.dma_semaphore, #tpu.memory_space<semaphore_mem>>, %arg11: memref<!tpu.dma_semaphore, #tpu.memory_space<semaphore_mem>>) attributes {dimension_semantics = [#tpu.dimension_semantics<core_parallel>, #tpu.dimension_semantics<subcore_parallel>], iteration_bounds = array<i64: 2, 16>, scalar_prefetch = 0 : i64, scratch_operands = 6 : i64, tpu.core_type = #tpu.core_type<sc_vector_subcore>, window_params = [{transform_indices = #map}, {transform_indices = #map1}, {transform_indices = #map1}, {transform_indices = #map}]} {
    %mul3A = arith.constant 16 : i32
    %mul3A_0 = arith.muli %arg0, %mul3A : i32
    %add3A = arith.addi %mul3A_0, %arg1 : i32
    "tpu.region"() ({
      %run_scoped3A = tpu.sem_alloc : memref<!tpu.dma_semaphore, #tpu.memory_space<semaphore_mem>>
      tpu.enqueue_dma source(%arg3 : memref<128x8xf32, #tpu.memory_space<hbm>>) target(%arg7 : memref<128x8xf32, #tpu.memory_space<vmem>>) target_semaphore(%run_scoped3A : memref<!tpu.dma_semaphore, #tpu.memory_space<semaphore_mem>>)
      tpu.wait_dma2 semaphore(%run_scoped3A : memref<!tpu.dma_semaphore, #tpu.memory_space<semaphore_mem>>) src(%arg3 : memref<128x8xf32, #tpu.memory_space<hbm>>) dst(%arg7 : memref<128x8xf32, #tpu.memory_space<vmem>>)
      tpu.yield
    }) : () -> ()
    "tpu.region"() ({
      %run_scoped3A = tpu.sem_alloc : memref<!tpu.dma_semaphore, #tpu.memory_space<semaphore_mem>>
      tpu.enqueue_dma source(%arg4 : memref<632x8xf32, #tpu.memory_space<hbm>>) target(%arg8 : memref<632x8xf32, #tpu.memory_space<vmem>>) target_semaphore(%run_scoped3A : memref<!tpu.dma_semaphore, #tpu.memory_space<semaphore_mem>>)
      tpu.wait_dma2 semaphore(%run_scoped3A : memref<!tpu.dma_semaphore, #tpu.memory_space<semaphore_mem>>) src(%arg4 : memref<632x8xf32, #tpu.memory_space<hbm>>) dst(%arg8 : memref<632x8xf32, #tpu.memory_space<vmem>>)
      tpu.yield
    }) : () -> ()
    %mul3A_1 = arith.constant 632 : i32
    %mul3A_2 = arith.muli %arg1, %mul3A_1 : i32
    "tpu.region"() ({
      %run_scoped3A = tpu.sem_alloc : memref<!tpu.dma_semaphore, #tpu.memory_space<semaphore_mem>>
      %dma_start3A = arith.constant 0 : i32
      %dma_start3A_17 = tpu.memref_slice %arg9[%mul3A_2, %dma_start3A] : memref<10112x8xf32, #tpu.memory_space<vmem_shared>> -> memref<632x8xf32, #tpu.memory_space<vmem_shared>>
      %dma_start3A_18 = arith.constant 0 : i32
      %dma_start3A_19 = tpu.memref_slice %arg9[%mul3A_2, %dma_start3A_18] : memref<10112x8xf32, #tpu.memory_space<vmem_shared>> -> memref<632x8xf32, #tpu.memory_space<vmem_shared>>
      tpu.enqueue_dma source(%arg8 : memref<632x8xf32, #tpu.memory_space<vmem>>) target(%dma_start3A_19 : memref<632x8xf32, #tpu.memory_space<vmem_shared>>) target_semaphore(%run_scoped3A : memref<!tpu.dma_semaphore, #tpu.memory_space<semaphore_mem>>)
      %dma_wait3A = arith.constant 0 : i32
      %dma_wait3A_20 = tpu.memref_slice %arg9[%mul3A_2, %dma_wait3A] : memref<10112x8xf32, #tpu.memory_space<vmem_shared>> -> memref<632x8xf32, #tpu.memory_space<vmem_shared>>
      %dma_wait3A_21 = arith.constant 0 : i32
      %dma_wait3A_22 = tpu.memref_slice %arg9[%mul3A_2, %dma_wait3A_21] : memref<10112x8xf32, #tpu.memory_space<vmem_shared>> -> memref<632x8xf32, #tpu.memory_space<vmem_shared>>
      tpu.wait_dma2 semaphore(%run_scoped3A : memref<!tpu.dma_semaphore, #tpu.memory_space<semaphore_mem>>) src(%arg8 : memref<632x8xf32, #tpu.memory_space<vmem>>) dst(%dma_wait3A_22 : memref<632x8xf32, #tpu.memory_space<vmem_shared>>)
      tpu.yield
    }) : () -> ()
    %barrier3A = arith.constant 0 : index
    tpu.barrier barrier_id(%barrier3A)
    %add3A_3 = arith.constant 0 : i32
    %add3A_4 = arith.addi %add3A, %add3A_3 : i32
    %lt3A = arith.constant 2500 : i32
    %lt3A_5 = arith.cmpi slt, %add3A_4, %lt3A : i32
    %convert_element_type3A = arith.extui %lt3A_5 : i1 to i32
    %cond3A = arith.constant 0 : i32
    %cond3A_6 = arith.cmpi ne, %convert_element_type3A, %cond3A : i32
    scf.if %cond3A_6 {
      %dma_start3A = arith.constant 1 : i32
      %dma_start3A_17 = arith.constant 0 : i32
      %dma_start3A_18 = arith.constant 0 : i32
      %dma_start3A_19 = tpu.memref_slice %arg6[%dma_start3A_17, %dma_start3A_18] : memref<2x128xi32, #tpu.memory_space<vmem>> -> memref<1x128xi32, #tpu.memory_space<vmem>>
      %dma_start3A_20 = tpu.memref_squeeze %dma_start3A_19 : memref<1x128xi32, #tpu.memory_space<vmem>> -> memref<128xi32, #tpu.memory_space<vmem>>
      %dma_start3A_21 = arith.constant 0 : i32
      %dma_start3A_22 = tpu.memref_slice %arg2[%add3A_4, %dma_start3A, %dma_start3A_21] : memref<2500x2x128xi32, #tpu.memory_space<hbm>> -> memref<1x1x128xi32, #tpu.memory_space<hbm>>
      %dma_start3A_23 = tpu.memref_squeeze %dma_start3A_22 : memref<1x1x128xi32, #tpu.memory_space<hbm>> -> memref<128xi32, #tpu.memory_space<hbm>>
      %dma_start3A_24 = arith.constant 0 : i32
      %dma_start3A_25 = tpu.memref_slice %arg6[%dma_start3A_17, %dma_start3A_24] : memref<2x128xi32, #tpu.memory_space<vmem>> -> memref<1x128xi32, #tpu.memory_space<vmem>>
      %dma_start3A_26 = tpu.memref_squeeze %dma_start3A_25 : memref<1x128xi32, #tpu.memory_space<vmem>> -> memref<128xi32, #tpu.memory_space<vmem>>
      %dma_start3A_27 = arith.constant 0 : i32
      %dma_start3A_28 = tpu.memref_slice %arg2[%add3A_4, %dma_start3A, %dma_start3A_27] : memref<2500x2x128xi32, #tpu.memory_space<hbm>> -> memref<1x1x128xi32, #tpu.memory_space<hbm>>
      %dma_start3A_29 = tpu.memref_squeeze %dma_start3A_28 : memref<1x1x128xi32, #tpu.memory_space<hbm>> -> memref<128xi32, #tpu.memory_space<hbm>>
      tpu.enqueue_dma source(%dma_start3A_29 : memref<128xi32, #tpu.memory_space<hbm>>) target(%dma_start3A_26 : memref<128xi32, #tpu.memory_space<vmem>>) target_semaphore(%arg10 : memref<!tpu.dma_semaphore, #tpu.memory_space<semaphore_mem>>)
    } else {
    }
    %scan3A = arith.constant 0 : i32
    %scan3A_7 = arith.constant 0 : i32
    %scan3A_8 = arith.constant 40 : i32
    %scan3A_9 = arith.addi %scan3A_7, %scan3A_8 : i32
    %scan3A_10 = arith.constant 1 : i32
    scf.for %scan3A_17 = %scan3A_7 to %scan3A_9 step %scan3A_10  : i32 {
      %mul3A_18 = arith.constant 2 : i32
      %mul3A_19 = arith.muli %scan3A_17, %mul3A_18 : i32
      %add3A_20 = arith.constant 1 : i32
      %add3A_21 = arith.addi %mul3A_19, %add3A_20 : i32
      %mul3A_22 = arith.constant 32 : i32
      %mul3A_23 = arith.muli %add3A_21, %mul3A_22 : i32
      %add3A_24 = arith.addi %add3A, %mul3A_23 : i32
      %lt3A_25 = arith.constant 2500 : i32
      %lt3A_26 = arith.cmpi slt, %add3A_24, %lt3A_25 : i32
      %convert_element_type3A_27 = arith.extui %lt3A_26 : i1 to i32
      %cond3A_28 = arith.constant 0 : i32
      %cond3A_29 = arith.cmpi ne, %convert_element_type3A_27, %cond3A_28 : i32
      scf.if %cond3A_29 {
        %dma_start3A = arith.constant 1 : i32
        %dma_start3A_58 = arith.constant 1 : i32
        %dma_start3A_59 = arith.constant 0 : i32
        %dma_start3A_60 = tpu.memref_slice %arg6[%dma_start3A_58, %dma_start3A_59] : memref<2x128xi32, #tpu.memory_space<vmem>> -> memref<1x128xi32, #tpu.memory_space<vmem>>
        %dma_start3A_61 = tpu.memref_squeeze %dma_start3A_60 : memref<1x128xi32, #tpu.memory_space<vmem>> -> memref<128xi32, #tpu.memory_space<vmem>>
        %dma_start3A_62 = arith.constant 0 : i32
        %dma_start3A_63 = tpu.memref_slice %arg2[%add3A_24, %dma_start3A, %dma_start3A_62] : memref<2500x2x128xi32, #tpu.memory_space<hbm>> -> memref<1x1x128xi32, #tpu.memory_space<hbm>>
        %dma_start3A_64 = tpu.memref_squeeze %dma_start3A_63 : memref<1x1x128xi32, #tpu.memory_space<hbm>> -> memref<128xi32, #tpu.memory_space<hbm>>
        %dma_start3A_65 = arith.constant 0 : i32
        %dma_start3A_66 = tpu.memref_slice %arg6[%dma_start3A_58, %dma_start3A_65] : memref<2x128xi32, #tpu.memory_space<vmem>> -> memref<1x128xi32, #tpu.memory_space<vmem>>
        %dma_start3A_67 = tpu.memref_squeeze %dma_start3A_66 : memref<1x128xi32, #tpu.memory_space<vmem>> -> memref<128xi32, #tpu.memory_space<vmem>>
        %dma_start3A_68 = arith.constant 0 : i32
        %dma_start3A_69 = tpu.memref_slice %arg2[%add3A_24, %dma_start3A, %dma_start3A_68] : memref<2500x2x128xi32, #tpu.memory_space<hbm>> -> memref<1x1x128xi32, #tpu.memory_space<hbm>>
        %dma_start3A_70 = tpu.memref_squeeze %dma_start3A_69 : memref<1x1x128xi32, #tpu.memory_space<hbm>> -> memref<128xi32, #tpu.memory_space<hbm>>
        tpu.enqueue_dma source(%dma_start3A_70 : memref<128xi32, #tpu.memory_space<hbm>>) target(%dma_start3A_67 : memref<128xi32, #tpu.memory_space<vmem>>) target_semaphore(%arg11 : memref<!tpu.dma_semaphore, #tpu.memory_space<semaphore_mem>>)
      } else {
      }
      %mul3A_30 = arith.constant 32 : i32
      %mul3A_31 = arith.muli %mul3A_19, %mul3A_30 : i32
      %add3A_32 = arith.addi %add3A, %mul3A_31 : i32
      %lt3A_33 = arith.constant 2500 : i32
      %lt3A_34 = arith.cmpi slt, %add3A_32, %lt3A_33 : i32
      %convert_element_type3A_35 = arith.extui %lt3A_34 : i1 to i32
      %cond3A_36 = arith.constant 0 : i32
      %cond3A_37 = arith.cmpi ne, %convert_element_type3A_35, %cond3A_36 : i32
      scf.if %cond3A_37 {
        %dma_wait3A = arith.constant 1 : i32
        %dma_wait3A_58 = arith.constant 0 : i32
        %dma_wait3A_59 = arith.constant 0 : i32
        %dma_wait3A_60 = tpu.memref_slice %arg6[%dma_wait3A_58, %dma_wait3A_59] : memref<2x128xi32, #tpu.memory_space<vmem>> -> memref<1x128xi32, #tpu.memory_space<vmem>>
        %dma_wait3A_61 = tpu.memref_squeeze %dma_wait3A_60 : memref<1x128xi32, #tpu.memory_space<vmem>> -> memref<128xi32, #tpu.memory_space<vmem>>
        %dma_wait3A_62 = arith.constant 0 : i32
        %dma_wait3A_63 = tpu.memref_slice %arg2[%add3A_32, %dma_wait3A, %dma_wait3A_62] : memref<2500x2x128xi32, #tpu.memory_space<hbm>> -> memref<1x1x128xi32, #tpu.memory_space<hbm>>
        %dma_wait3A_64 = tpu.memref_squeeze %dma_wait3A_63 : memref<1x1x128xi32, #tpu.memory_space<hbm>> -> memref<128xi32, #tpu.memory_space<hbm>>
        %dma_wait3A_65 = arith.constant 0 : i32
        %dma_wait3A_66 = tpu.memref_slice %arg6[%dma_wait3A_58, %dma_wait3A_65] : memref<2x128xi32, #tpu.memory_space<vmem>> -> memref<1x128xi32, #tpu.memory_space<vmem>>
        %dma_wait3A_67 = tpu.memref_squeeze %dma_wait3A_66 : memref<1x128xi32, #tpu.memory_space<vmem>> -> memref<128xi32, #tpu.memory_space<vmem>>
        %dma_wait3A_68 = arith.constant 0 : i32
        %dma_wait3A_69 = tpu.memref_slice %arg2[%add3A_32, %dma_wait3A, %dma_wait3A_68] : memref<2500x2x128xi32, #tpu.memory_space<hbm>> -> memref<1x1x128xi32, #tpu.memory_space<hbm>>
        %dma_wait3A_70 = tpu.memref_squeeze %dma_wait3A_69 : memref<1x1x128xi32, #tpu.memory_space<hbm>> -> memref<128xi32, #tpu.memory_space<hbm>>
        tpu.wait_dma2 semaphore(%arg10 : memref<!tpu.dma_semaphore, #tpu.memory_space<semaphore_mem>>) src(%dma_wait3A_70 : memref<128xi32, #tpu.memory_space<hbm>>) dst(%dma_wait3A_67 : memref<128xi32, #tpu.memory_space<vmem>>)
        %run_scoped3A = arith.constant 0 : i32
        "tpu.region"() ({
          %run_scoped3A_71 = tpu.sem_alloc : memref<!tpu.dma_semaphore, #tpu.memory_space<semaphore_mem>>
          %dma_start3A = arith.constant 0 : i32
          %dma_start3A_72 = tpu.memref_slice %arg6[%run_scoped3A, %dma_start3A] : memref<2x128xi32, #tpu.memory_space<vmem>> -> memref<1x128xi32, #tpu.memory_space<vmem>>
          %dma_start3A_73 = tpu.memref_squeeze %dma_start3A_72 : memref<1x128xi32, #tpu.memory_space<vmem>> -> memref<128xi32, #tpu.memory_space<vmem>>
          %dma_start3A_74 = arith.constant 0 : i32
          %dma_start3A_75 = arith.constant 0 : i32
          %dma_start3A_76 = tpu.memref_slice %arg9[%dma_start3A_74, %dma_start3A_75] : memref<10112x8xf32, #tpu.memory_space<vmem_shared>> -> memref<10112x8xf32, #tpu.memory_space<vmem_shared>>
          tpu.enqueue_indirect_dma source(%arg7 : memref<128x8xf32, #tpu.memory_space<vmem>>) target(%dma_start3A_76 : memref<10112x8xf32, #tpu.memory_space<vmem_shared>>) offsets(%dma_start3A_73 : memref<128xi32, #tpu.memory_space<vmem>>) semaphore(%run_scoped3A_71 : memref<!tpu.dma_semaphore, #tpu.memory_space<semaphore_mem>>) {add = true}
          %dma_wait3A_77 = arith.constant 0 : i32
          %dma_wait3A_78 = tpu.memref_slice %arg6[%run_scoped3A, %dma_wait3A_77] : memref<2x128xi32, #tpu.memory_space<vmem>> -> memref<1x128xi32, #tpu.memory_space<vmem>>
          %dma_wait3A_79 = tpu.memref_squeeze %dma_wait3A_78 : memref<1x128xi32, #tpu.memory_space<vmem>> -> memref<128xi32, #tpu.memory_space<vmem>>
          %dma_wait3A_80 = arith.constant 0 : i32
          %dma_wait3A_81 = arith.constant 0 : i32
          %dma_wait3A_82 = tpu.memref_slice %arg9[%dma_wait3A_80, %dma_wait3A_81] : memref<10112x8xf32, #tpu.memory_space<vmem_shared>> -> memref<10112x8xf32, #tpu.memory_space<vmem_shared>>
          tpu.wait_indirect_dma semaphore(%run_scoped3A_71 : memref<!tpu.dma_semaphore, #tpu.memory_space<semaphore_mem>>) src(%arg7 : memref<128x8xf32, #tpu.memory_space<vmem>>) dst(%dma_wait3A_82 : memref<10112x8xf32, #tpu.memory_space<vmem_shared>>)
          tpu.yield
        }) : () -> ()
      } else {
      }
      %add3A_38 = arith.constant 2 : i32
      %add3A_39 = arith.addi %mul3A_19, %add3A_38 : i32
      %mul3A_40 = arith.constant 32 : i32
      %mul3A_41 = arith.muli %add3A_39, %mul3A_40 : i32
      %add3A_42 = arith.addi %add3A, %mul3A_41 : i32
      %lt3A_43 = arith.constant 2500 : i32
      %lt3A_44 = arith.cmpi slt, %add3A_42, %lt3A_43 : i32
      %convert_element_type3A_45 = arith.extui %lt3A_44 : i1 to i32
      %cond3A_46 = arith.constant 0 : i32
      %cond3A_47 = arith.cmpi ne, %convert_element_type3A_45, %cond3A_46 : i32
      scf.if %cond3A_47 {
        %dma_start3A = arith.constant 1 : i32
        %dma_start3A_58 = arith.constant 0 : i32
        %dma_start3A_59 = arith.constant 0 : i32
        %dma_start3A_60 = tpu.memref_slice %arg6[%dma_start3A_58, %dma_start3A_59] : memref<2x128xi32, #tpu.memory_space<vmem>> -> memref<1x128xi32, #tpu.memory_space<vmem>>
        %dma_start3A_61 = tpu.memref_squeeze %dma_start3A_60 : memref<1x128xi32, #tpu.memory_space<vmem>> -> memref<128xi32, #tpu.memory_space<vmem>>
        %dma_start3A_62 = arith.constant 0 : i32
        %dma_start3A_63 = tpu.memref_slice %arg2[%add3A_42, %dma_start3A, %dma_start3A_62] : memref<2500x2x128xi32, #tpu.memory_space<hbm>> -> memref<1x1x128xi32, #tpu.memory_space<hbm>>
        %dma_start3A_64 = tpu.memref_squeeze %dma_start3A_63 : memref<1x1x128xi32, #tpu.memory_space<hbm>> -> memref<128xi32, #tpu.memory_space<hbm>>
        %dma_start3A_65 = arith.constant 0 : i32
        %dma_start3A_66 = tpu.memref_slice %arg6[%dma_start3A_58, %dma_start3A_65] : memref<2x128xi32, #tpu.memory_space<vmem>> -> memref<1x128xi32, #tpu.memory_space<vmem>>
        %dma_start3A_67 = tpu.memref_squeeze %dma_start3A_66 : memref<1x128xi32, #tpu.memory_space<vmem>> -> memref<128xi32, #tpu.memory_space<vmem>>
        %dma_start3A_68 = arith.constant 0 : i32
        %dma_start3A_69 = tpu.memref_slice %arg2[%add3A_42, %dma_start3A, %dma_start3A_68] : memref<2500x2x128xi32, #tpu.memory_space<hbm>> -> memref<1x1x128xi32, #tpu.memory_space<hbm>>
        %dma_start3A_70 = tpu.memref_squeeze %dma_start3A_69 : memref<1x1x128xi32, #tpu.memory_space<hbm>> -> memref<128xi32, #tpu.memory_space<hbm>>
        tpu.enqueue_dma source(%dma_start3A_70 : memref<128xi32, #tpu.memory_space<hbm>>) target(%dma_start3A_67 : memref<128xi32, #tpu.memory_space<vmem>>) target_semaphore(%arg10 : memref<!tpu.dma_semaphore, #tpu.memory_space<semaphore_mem>>)
      } else {
      }
      %add3A_48 = arith.constant 1 : i32
      %add3A_49 = arith.addi %mul3A_19, %add3A_48 : i32
      %mul3A_50 = arith.constant 32 : i32
      %mul3A_51 = arith.muli %add3A_49, %mul3A_50 : i32
      %add3A_52 = arith.addi %add3A, %mul3A_51 : i32
      %lt3A_53 = arith.constant 2500 : i32
      %lt3A_54 = arith.cmpi slt, %add3A_52, %lt3A_53 : i32
      %convert_element_type3A_55 = arith.extui %lt3A_54 : i1 to i32
      %cond3A_56 = arith.constant 0 : i32
      %cond3A_57 = arith.cmpi ne, %convert_element_type3A_55, %cond3A_56 : i32
      scf.if %cond3A_57 {
        %dma_wait3A = arith.constant 1 : i32
        %dma_wait3A_58 = arith.constant 1 : i32
        %dma_wait3A_59 = arith.constant 0 : i32
        %dma_wait3A_60 = tpu.memref_slice %arg6[%dma_wait3A_58, %dma_wait3A_59] : memref<2x128xi32, #tpu.memory_space<vmem>> -> memref<1x128xi32, #tpu.memory_space<vmem>>
        %dma_wait3A_61 = tpu.memref_squeeze %dma_wait3A_60 : memref<1x128xi32, #tpu.memory_space<vmem>> -> memref<128xi32, #tpu.memory_space<vmem>>
        %dma_wait3A_62 = arith.constant 0 : i32
        %dma_wait3A_63 = tpu.memref_slice %arg2[%add3A_52, %dma_wait3A, %dma_wait3A_62] : memref<2500x2x128xi32, #tpu.memory_space<hbm>> -> memref<1x1x128xi32, #tpu.memory_space<hbm>>
        %dma_wait3A_64 = tpu.memref_squeeze %dma_wait3A_63 : memref<1x1x128xi32, #tpu.memory_space<hbm>> -> memref<128xi32, #tpu.memory_space<hbm>>
        %dma_wait3A_65 = arith.constant 0 : i32
        %dma_wait3A_66 = tpu.memref_slice %arg6[%dma_wait3A_58, %dma_wait3A_65] : memref<2x128xi32, #tpu.memory_space<vmem>> -> memref<1x128xi32, #tpu.memory_space<vmem>>
        %dma_wait3A_67 = tpu.memref_squeeze %dma_wait3A_66 : memref<1x128xi32, #tpu.memory_space<vmem>> -> memref<128xi32, #tpu.memory_space<vmem>>
        %dma_wait3A_68 = arith.constant 0 : i32
        %dma_wait3A_69 = tpu.memref_slice %arg2[%add3A_52, %dma_wait3A, %dma_wait3A_68] : memref<2500x2x128xi32, #tpu.memory_space<hbm>> -> memref<1x1x128xi32, #tpu.memory_space<hbm>>
        %dma_wait3A_70 = tpu.memref_squeeze %dma_wait3A_69 : memref<1x1x128xi32, #tpu.memory_space<hbm>> -> memref<128xi32, #tpu.memory_space<hbm>>
        tpu.wait_dma2 semaphore(%arg11 : memref<!tpu.dma_semaphore, #tpu.memory_space<semaphore_mem>>) src(%dma_wait3A_70 : memref<128xi32, #tpu.memory_space<hbm>>) dst(%dma_wait3A_67 : memref<128xi32, #tpu.memory_space<vmem>>)
        %run_scoped3A = arith.constant 1 : i32
        "tpu.region"() ({
          %run_scoped3A_71 = tpu.sem_alloc : memref<!tpu.dma_semaphore, #tpu.memory_space<semaphore_mem>>
          %dma_start3A = arith.constant 0 : i32
          %dma_start3A_72 = tpu.memref_slice %arg6[%run_scoped3A, %dma_start3A] : memref<2x128xi32, #tpu.memory_space<vmem>> -> memref<1x128xi32, #tpu.memory_space<vmem>>
          %dma_start3A_73 = tpu.memref_squeeze %dma_start3A_72 : memref<1x128xi32, #tpu.memory_space<vmem>> -> memref<128xi32, #tpu.memory_space<vmem>>
          %dma_start3A_74 = arith.constant 0 : i32
          %dma_start3A_75 = arith.constant 0 : i32
          %dma_start3A_76 = tpu.memref_slice %arg9[%dma_start3A_74, %dma_start3A_75] : memref<10112x8xf32, #tpu.memory_space<vmem_shared>> -> memref<10112x8xf32, #tpu.memory_space<vmem_shared>>
          tpu.enqueue_indirect_dma source(%arg7 : memref<128x8xf32, #tpu.memory_space<vmem>>) target(%dma_start3A_76 : memref<10112x8xf32, #tpu.memory_space<vmem_shared>>) offsets(%dma_start3A_73 : memref<128xi32, #tpu.memory_space<vmem>>) semaphore(%run_scoped3A_71 : memref<!tpu.dma_semaphore, #tpu.memory_space<semaphore_mem>>) {add = true}
          %dma_wait3A_77 = arith.constant 0 : i32
          %dma_wait3A_78 = tpu.memref_slice %arg6[%run_scoped3A, %dma_wait3A_77] : memref<2x128xi32, #tpu.memory_space<vmem>> -> memref<1x128xi32, #tpu.memory_space<vmem>>
          %dma_wait3A_79 = tpu.memref_squeeze %dma_wait3A_78 : memref<1x128xi32, #tpu.memory_space<vmem>> -> memref<128xi32, #tpu.memory_space<vmem>>
          %dma_wait3A_80 = arith.constant 0 : i32
          %dma_wait3A_81 = arith.constant 0 : i32
          %dma_wait3A_82 = tpu.memref_slice %arg9[%dma_wait3A_80, %dma_wait3A_81] : memref<10112x8xf32, #tpu.memory_space<vmem_shared>> -> memref<10112x8xf32, #tpu.memory_space<vmem_shared>>
          tpu.wait_indirect_dma semaphore(%run_scoped3A_71 : memref<!tpu.dma_semaphore, #tpu.memory_space<semaphore_mem>>) src(%arg7 : memref<128x8xf32, #tpu.memory_space<vmem>>) dst(%dma_wait3A_82 : memref<10112x8xf32, #tpu.memory_space<vmem_shared>>)
          tpu.yield
        }) : () -> ()
      } else {
      }
    }
    %scan3A_11 = arith.constant 40 : i32
    %barrier3A_12 = arith.constant 0 : index
    tpu.barrier barrier_id(%barrier3A_12)
    %mul3A_13 = arith.constant 632 : i32
    %mul3A_14 = arith.muli %arg1, %mul3A_13 : i32
    "tpu.region"() ({
      %run_scoped3A = tpu.sem_alloc : memref<!tpu.dma_semaphore, #tpu.memory_space<semaphore_mem>>
      %dma_start3A = arith.constant 0 : i32
      %dma_start3A_17 = tpu.memref_slice %arg9[%mul3A_14, %dma_start3A] : memref<10112x8xf32, #tpu.memory_space<vmem_shared>> -> memref<632x8xf32, #tpu.memory_space<vmem_shared>>
      %dma_start3A_18 = arith.constant 0 : i32
      %dma_start3A_19 = tpu.memref_slice %arg9[%mul3A_14, %dma_start3A_18] : memref<10112x8xf32, #tpu.memory_space<vmem_shared>> -> memref<632x8xf32, #tpu.memory_space<vmem_shared>>
      tpu.enqueue_dma source(%dma_start3A_19 : memref<632x8xf32, #tpu.memory_space<vmem_shared>>) target(%arg8 : memref<632x8xf32, #tpu.memory_space<vmem>>) target_semaphore(%run_scoped3A : memref<!tpu.dma_semaphore, #tpu.memory_space<semaphore_mem>>)
      %dma_wait3A = arith.constant 0 : i32
      %dma_wait3A_20 = tpu.memref_slice %arg9[%mul3A_14, %dma_wait3A] : memref<10112x8xf32, #tpu.memory_space<vmem_shared>> -> memref<632x8xf32, #tpu.memory_space<vmem_shared>>
      %dma_wait3A_21 = arith.constant 0 : i32
      %dma_wait3A_22 = tpu.memref_slice %arg9[%mul3A_14, %dma_wait3A_21] : memref<10112x8xf32, #tpu.memory_space<vmem_shared>> -> memref<632x8xf32, #tpu.memory_space<vmem_shared>>
      tpu.wait_dma2 semaphore(%run_scoped3A : memref<!tpu.dma_semaphore, #tpu.memory_space<semaphore_mem>>) src(%dma_wait3A_22 : memref<632x8xf32, #tpu.memory_space<vmem_shared>>) dst(%arg8 : memref<632x8xf32, #tpu.memory_space<vmem>>)
      tpu.yield
    }) : () -> ()
    %mul3A_15 = arith.constant 632 : i32
    %mul3A_16 = arith.muli %arg1, %mul3A_15 : i32
    "tpu.region"() ({
      %run_scoped3A = tpu.sem_alloc : memref<!tpu.dma_semaphore, #tpu.memory_space<semaphore_mem>>
      %dma_start3A = arith.constant 0 : i32
      %dma_start3A_17 = tpu.memref_slice %arg5[%arg0, %mul3A_16, %dma_start3A] : memref<2x10112x8xf32, #tpu.memory_space<hbm>> -> memref<1x632x8xf32, #tpu.memory_space<hbm>>
      %dma_start3A_18 = tpu.memref_squeeze %dma_start3A_17 : memref<1x632x8xf32, #tpu.memory_space<hbm>> -> memref<632x8xf32, #tpu.memory_space<hbm>>
      %dma_start3A_19 = arith.constant 0 : i32
      %dma_start3A_20 = tpu.memref_slice %arg5[%arg0, %mul3A_16, %dma_start3A_19] : memref<2x10112x8xf32, #tpu.memory_space<hbm>> -> memref<1x632x8xf32, #tpu.memory_space<hbm>>
      %dma_start3A_21 = tpu.memref_squeeze %dma_start3A_20 : memref<1x632x8xf32, #tpu.memory_space<hbm>> -> memref<632x8xf32, #tpu.memory_space<hbm>>
      tpu.enqueue_dma source(%arg8 : memref<632x8xf32, #tpu.memory_space<vmem>>) target(%dma_start3A_21 : memref<632x8xf32, #tpu.memory_space<hbm>>) target_semaphore(%run_scoped3A : memref<!tpu.dma_semaphore, #tpu.memory_space<semaphore_mem>>)
      %dma_wait3A = arith.constant 0 : i32
      %dma_wait3A_22 = tpu.memref_slice %arg5[%arg0, %mul3A_16, %dma_wait3A] : memref<2x10112x8xf32, #tpu.memory_space<hbm>> -> memref<1x632x8xf32, #tpu.memory_space<hbm>>
      %dma_wait3A_23 = tpu.memref_squeeze %dma_wait3A_22 : memref<1x632x8xf32, #tpu.memory_space<hbm>> -> memref<632x8xf32, #tpu.memory_space<hbm>>
      %dma_wait3A_24 = arith.constant 0 : i32
      %dma_wait3A_25 = tpu.memref_slice %arg5[%arg0, %mul3A_16, %dma_wait3A_24] : memref<2x10112x8xf32, #tpu.memory_space<hbm>> -> memref<1x632x8xf32, #tpu.memory_space<hbm>>
      %dma_wait3A_26 = tpu.memref_squeeze %dma_wait3A_25 : memref<1x632x8xf32, #tpu.memory_space<hbm>> -> memref<632x8xf32, #tpu.memory_space<hbm>>
      tpu.wait_dma2 semaphore(%run_scoped3A : memref<!tpu.dma_semaphore, #tpu.memory_space<semaphore_mem>>) src(%arg8 : memref<632x8xf32, #tpu.memory_space<vmem>>) dst(%dma_wait3A_26 : memref<632x8xf32, #tpu.memory_space<hbm>>)
      tpu.yield
    }) : () -> ()
    return
  }
}

#map = affine_map<(d0, d1) -> (0, 0)>
#map1 = affine_map<(d0, d1) -> (0, 0, 0)>
module attributes {stable_mosaic.version = 14 : i64} {
  func.func @_agg_kernel(%arg0: i32, %arg1: i32, %arg2: memref<10112x64xf32, #tpu.memory_space<hbm>>, %arg3: memref<10112x64xf32, #tpu.memory_space<hbm>>, %arg4: memref<2500x2x128xi32, #tpu.memory_space<hbm>>, %arg5: memref<632x64xf32, #tpu.memory_space<hbm>>, %arg6: memref<2x10112x64xf32, #tpu.memory_space<hbm>>, %arg7: memref<2x10112x64xf32, #tpu.memory_space<hbm>>, %arg8: memref<80x2x128xi32, #tpu.memory_space<vmem>>, %arg9: memref<4x128x64xf32, #tpu.memory_space<vmem>>, %arg10: memref<10112x64xf32, #tpu.memory_space<vmem_shared>>, %arg11: memref<!tpu.dma_semaphore, #tpu.memory_space<semaphore_mem>>, %arg12: memref<!tpu.dma_semaphore, #tpu.memory_space<semaphore_mem>>, %arg13: memref<!tpu.dma_semaphore, #tpu.memory_space<semaphore_mem>>, %arg14: memref<!tpu.dma_semaphore, #tpu.memory_space<semaphore_mem>>, %arg15: memref<!tpu.dma_semaphore, #tpu.memory_space<semaphore_mem>>, %arg16: memref<!tpu.dma_semaphore, #tpu.memory_space<semaphore_mem>>, %arg17: memref<!tpu.dma_semaphore, #tpu.memory_space<semaphore_mem>>, %arg18: memref<!tpu.dma_semaphore, #tpu.memory_space<semaphore_mem>>, %arg19: memref<!tpu.dma_semaphore, #tpu.memory_space<semaphore_mem>>) attributes {dimension_semantics = [#tpu.dimension_semantics<core_parallel>, #tpu.dimension_semantics<subcore_parallel>], iteration_bounds = array<i64: 2, 16>, scalar_prefetch = 0 : i64, scratch_operands = 12 : i64, tpu.core_type = #tpu.core_type<sc_vector_subcore>, window_params = [{transform_indices = #map}, {transform_indices = #map}, {transform_indices = #map1}, {transform_indices = #map}, {transform_indices = #map1}, {transform_indices = #map1}]} {
    %mul3A = arith.constant 16 : i32
    %mul3A_0 = arith.muli %arg0, %mul3A : i32
    %add3A = arith.addi %mul3A_0, %arg1 : i32
    %scan3A = arith.constant 0 : i32
    %scan3A_1 = arith.constant 0 : i32
    %scan3A_2 = arith.constant 80 : i32
    %scan3A_3 = arith.addi %scan3A_1, %scan3A_2 : i32
    %scan3A_4 = arith.constant 1 : i32
    scf.for %scan3A_165 = %scan3A_1 to %scan3A_3 step %scan3A_4  : i32 {
      %mul3A_166 = arith.constant 32 : i32
      %mul3A_167 = arith.muli %scan3A_165, %mul3A_166 : i32
      %add3A_168 = arith.addi %add3A, %mul3A_167 : i32
      %lt3A_169 = arith.constant 2500 : i32
      %lt3A_170 = arith.cmpi slt, %add3A_168, %lt3A_169 : i32
      %convert_element_type3A_171 = arith.extui %lt3A_170 : i1 to i32
      %cond3A_172 = arith.constant 0 : i32
      %cond3A_173 = arith.cmpi ne, %convert_element_type3A_171, %cond3A_172 : i32
      scf.if %cond3A_173 {
        %mul3A_178 = arith.constant 32 : i32
        %mul3A_179 = arith.muli %scan3A_165, %mul3A_178 : i32
        %add3A_180 = arith.addi %add3A, %mul3A_179 : i32
        %dma_start3A = arith.constant 0 : i32
        %dma_start3A_181 = arith.constant 0 : i32
        %dma_start3A_182 = tpu.memref_slice %arg8[%scan3A_165, %dma_start3A, %dma_start3A_181] : memref<80x2x128xi32, #tpu.memory_space<vmem>> -> memref<1x2x128xi32, #tpu.memory_space<vmem>>
        %dma_start3A_183 = tpu.memref_squeeze %dma_start3A_182 : memref<1x2x128xi32, #tpu.memory_space<vmem>> -> memref<2x128xi32, #tpu.memory_space<vmem>>
        %dma_start3A_184 = arith.constant 0 : i32
        %dma_start3A_185 = arith.constant 0 : i32
        %dma_start3A_186 = tpu.memref_slice %arg4[%add3A_180, %dma_start3A_184, %dma_start3A_185] : memref<2500x2x128xi32, #tpu.memory_space<hbm>> -> memref<1x2x128xi32, #tpu.memory_space<hbm>>
        %dma_start3A_187 = tpu.memref_squeeze %dma_start3A_186 : memref<1x2x128xi32, #tpu.memory_space<hbm>> -> memref<2x128xi32, #tpu.memory_space<hbm>>
        %dma_start3A_188 = arith.constant 0 : i32
        %dma_start3A_189 = arith.constant 0 : i32
        %dma_start3A_190 = tpu.memref_slice %arg8[%scan3A_165, %dma_start3A_188, %dma_start3A_189] : memref<80x2x128xi32, #tpu.memory_space<vmem>> -> memref<1x2x128xi32, #tpu.memory_space<vmem>>
        %dma_start3A_191 = tpu.memref_squeeze %dma_start3A_190 : memref<1x2x128xi32, #tpu.memory_space<vmem>> -> memref<2x128xi32, #tpu.memory_space<vmem>>
        %dma_start3A_192 = arith.constant 0 : i32
        %dma_start3A_193 = arith.constant 0 : i32
        %dma_start3A_194 = tpu.memref_slice %arg4[%add3A_180, %dma_start3A_192, %dma_start3A_193] : memref<2500x2x128xi32, #tpu.memory_space<hbm>> -> memref<1x2x128xi32, #tpu.memory_space<hbm>>
        %dma_start3A_195 = tpu.memref_squeeze %dma_start3A_194 : memref<1x2x128xi32, #tpu.memory_space<hbm>> -> memref<2x128xi32, #tpu.memory_space<hbm>>
        tpu.enqueue_dma source(%dma_start3A_195 : memref<2x128xi32, #tpu.memory_space<hbm>>) target(%dma_start3A_191 : memref<2x128xi32, #tpu.memory_space<vmem>>) target_semaphore(%arg11 : memref<!tpu.dma_semaphore, #tpu.memory_space<semaphore_mem>>)
      } else {
      }
      %ge3A = arith.constant 8 : i32
      %ge3A_174 = arith.cmpi sge, %scan3A_165, %ge3A : i32
      %convert_element_type3A_175 = arith.extui %ge3A_174 : i1 to i32
      %cond3A_176 = arith.constant 0 : i32
      %cond3A_177 = arith.cmpi ne, %convert_element_type3A_175, %cond3A_176 : i32
      scf.if %cond3A_177 {
        %sub3A = arith.constant 8 : i32
        %sub3A_178 = arith.subi %scan3A_165, %sub3A : i32
        %mul3A_179 = arith.constant 32 : i32
        %mul3A_180 = arith.muli %sub3A_178, %mul3A_179 : i32
        %add3A_181 = arith.addi %add3A, %mul3A_180 : i32
        %lt3A_182 = arith.constant 2500 : i32
        %lt3A_183 = arith.cmpi slt, %add3A_181, %lt3A_182 : i32
        %convert_element_type3A_184 = arith.extui %lt3A_183 : i1 to i32
        %cond3A_185 = arith.constant 0 : i32
        %cond3A_186 = arith.cmpi ne, %convert_element_type3A_184, %cond3A_185 : i32
        scf.if %cond3A_186 {
          %mul3A_187 = arith.constant 32 : i32
          %mul3A_188 = arith.muli %sub3A_178, %mul3A_187 : i32
          %add3A_189 = arith.addi %add3A, %mul3A_188 : i32
          %dma_wait3A = arith.constant 0 : i32
          %dma_wait3A_190 = arith.constant 0 : i32
          %dma_wait3A_191 = tpu.memref_slice %arg8[%sub3A_178, %dma_wait3A, %dma_wait3A_190] : memref<80x2x128xi32, #tpu.memory_space<vmem>> -> memref<1x2x128xi32, #tpu.memory_space<vmem>>
          %dma_wait3A_192 = tpu.memref_squeeze %dma_wait3A_191 : memref<1x2x128xi32, #tpu.memory_space<vmem>> -> memref<2x128xi32, #tpu.memory_space<vmem>>
          %dma_wait3A_193 = arith.constant 0 : i32
          %dma_wait3A_194 = arith.constant 0 : i32
          %dma_wait3A_195 = tpu.memref_slice %arg4[%add3A_189, %dma_wait3A_193, %dma_wait3A_194] : memref<2500x2x128xi32, #tpu.memory_space<hbm>> -> memref<1x2x128xi32, #tpu.memory_space<hbm>>
          %dma_wait3A_196 = tpu.memref_squeeze %dma_wait3A_195 : memref<1x2x128xi32, #tpu.memory_space<hbm>> -> memref<2x128xi32, #tpu.memory_space<hbm>>
          %dma_wait3A_197 = arith.constant 0 : i32
          %dma_wait3A_198 = arith.constant 0 : i32
          %dma_wait3A_199 = tpu.memref_slice %arg8[%sub3A_178, %dma_wait3A_197, %dma_wait3A_198] : memref<80x2x128xi32, #tpu.memory_space<vmem>> -> memref<1x2x128xi32, #tpu.memory_space<vmem>>
          %dma_wait3A_200 = tpu.memref_squeeze %dma_wait3A_199 : memref<1x2x128xi32, #tpu.memory_space<vmem>> -> memref<2x128xi32, #tpu.memory_space<vmem>>
          %dma_wait3A_201 = arith.constant 0 : i32
          %dma_wait3A_202 = arith.constant 0 : i32
          %dma_wait3A_203 = tpu.memref_slice %arg4[%add3A_189, %dma_wait3A_201, %dma_wait3A_202] : memref<2500x2x128xi32, #tpu.memory_space<hbm>> -> memref<1x2x128xi32, #tpu.memory_space<hbm>>
          %dma_wait3A_204 = tpu.memref_squeeze %dma_wait3A_203 : memref<1x2x128xi32, #tpu.memory_space<hbm>> -> memref<2x128xi32, #tpu.memory_space<hbm>>
          tpu.wait_dma2 semaphore(%arg11 : memref<!tpu.dma_semaphore, #tpu.memory_space<semaphore_mem>>) src(%dma_wait3A_204 : memref<2x128xi32, #tpu.memory_space<hbm>>) dst(%dma_wait3A_200 : memref<2x128xi32, #tpu.memory_space<vmem>>)
        } else {
        }
      } else {
      }
    }
    %scan3A_5 = arith.constant 80 : i32
    %scan3A_6 = arith.constant 0 : i32
    %scan3A_7 = arith.constant 72 : i32
    %scan3A_8 = arith.constant 8 : i32
    %scan3A_9 = arith.addi %scan3A_7, %scan3A_8 : i32
    %scan3A_10 = arith.constant 1 : i32
    scf.for %scan3A_165 = %scan3A_7 to %scan3A_9 step %scan3A_10  : i32 {
      %mul3A_166 = arith.constant 32 : i32
      %mul3A_167 = arith.muli %scan3A_165, %mul3A_166 : i32
      %add3A_168 = arith.addi %add3A, %mul3A_167 : i32
      %lt3A_169 = arith.constant 2500 : i32
      %lt3A_170 = arith.cmpi slt, %add3A_168, %lt3A_169 : i32
      %convert_element_type3A_171 = arith.extui %lt3A_170 : i1 to i32
      %cond3A_172 = arith.constant 0 : i32
      %cond3A_173 = arith.cmpi ne, %convert_element_type3A_171, %cond3A_172 : i32
      scf.if %cond3A_173 {
        %mul3A_174 = arith.constant 32 : i32
        %mul3A_175 = arith.muli %scan3A_165, %mul3A_174 : i32
        %add3A_176 = arith.addi %add3A, %mul3A_175 : i32
        %dma_wait3A = arith.constant 0 : i32
        %dma_wait3A_177 = arith.constant 0 : i32
        %dma_wait3A_178 = tpu.memref_slice %arg8[%scan3A_165, %dma_wait3A, %dma_wait3A_177] : memref<80x2x128xi32, #tpu.memory_space<vmem>> -> memref<1x2x128xi32, #tpu.memory_space<vmem>>
        %dma_wait3A_179 = tpu.memref_squeeze %dma_wait3A_178 : memref<1x2x128xi32, #tpu.memory_space<vmem>> -> memref<2x128xi32, #tpu.memory_space<vmem>>
        %dma_wait3A_180 = arith.constant 0 : i32
        %dma_wait3A_181 = arith.constant 0 : i32
        %dma_wait3A_182 = tpu.memref_slice %arg4[%add3A_176, %dma_wait3A_180, %dma_wait3A_181] : memref<2500x2x128xi32, #tpu.memory_space<hbm>> -> memref<1x2x128xi32, #tpu.memory_space<hbm>>
        %dma_wait3A_183 = tpu.memref_squeeze %dma_wait3A_182 : memref<1x2x128xi32, #tpu.memory_space<hbm>> -> memref<2x128xi32, #tpu.memory_space<hbm>>
        %dma_wait3A_184 = arith.constant 0 : i32
        %dma_wait3A_185 = arith.constant 0 : i32
        %dma_wait3A_186 = tpu.memref_slice %arg8[%scan3A_165, %dma_wait3A_184, %dma_wait3A_185] : memref<80x2x128xi32, #tpu.memory_space<vmem>> -> memref<1x2x128xi32, #tpu.memory_space<vmem>>
        %dma_wait3A_187 = tpu.memref_squeeze %dma_wait3A_186 : memref<1x2x128xi32, #tpu.memory_space<vmem>> -> memref<2x128xi32, #tpu.memory_space<vmem>>
        %dma_wait3A_188 = arith.constant 0 : i32
        %dma_wait3A_189 = arith.constant 0 : i32
        %dma_wait3A_190 = tpu.memref_slice %arg4[%add3A_176, %dma_wait3A_188, %dma_wait3A_189] : memref<2500x2x128xi32, #tpu.memory_space<hbm>> -> memref<1x2x128xi32, #tpu.memory_space<hbm>>
        %dma_wait3A_191 = tpu.memref_squeeze %dma_wait3A_190 : memref<1x2x128xi32, #tpu.memory_space<hbm>> -> memref<2x128xi32, #tpu.memory_space<hbm>>
        tpu.wait_dma2 semaphore(%arg11 : memref<!tpu.dma_semaphore, #tpu.memory_space<semaphore_mem>>) src(%dma_wait3A_191 : memref<2x128xi32, #tpu.memory_space<hbm>>) dst(%dma_wait3A_187 : memref<2x128xi32, #tpu.memory_space<vmem>>)
      } else {
      }
    }
    %scan3A_11 = arith.constant 8 : i32
    %mul3A_12 = arith.constant 632 : i32
    %mul3A_13 = arith.muli %arg1, %mul3A_12 : i32
    "tpu.region"() ({
      %run_scoped3A = tpu.sem_alloc : memref<!tpu.dma_semaphore, #tpu.memory_space<semaphore_mem>>
      %dma_start3A = arith.constant 0 : i32
      %dma_start3A_165 = tpu.memref_slice %arg10[%mul3A_13, %dma_start3A] : memref<10112x64xf32, #tpu.memory_space<vmem_shared>> -> memref<632x64xf32, #tpu.memory_space<vmem_shared>>
      tpu.enqueue_dma source(%arg5 : memref<632x64xf32, #tpu.memory_space<hbm>>) target(%dma_start3A_165 : memref<632x64xf32, #tpu.memory_space<vmem_shared>>) target_semaphore(%run_scoped3A : memref<!tpu.dma_semaphore, #tpu.memory_space<semaphore_mem>>)
      %dma_wait3A = arith.constant 0 : i32
      %dma_wait3A_166 = tpu.memref_slice %arg10[%mul3A_13, %dma_wait3A] : memref<10112x64xf32, #tpu.memory_space<vmem_shared>> -> memref<632x64xf32, #tpu.memory_space<vmem_shared>>
      tpu.wait_dma2 semaphore(%run_scoped3A : memref<!tpu.dma_semaphore, #tpu.memory_space<semaphore_mem>>) src(%arg5 : memref<632x64xf32, #tpu.memory_space<hbm>>) dst(%dma_wait3A_166 : memref<632x64xf32, #tpu.memory_space<vmem_shared>>)
      tpu.yield
    }) : () -> ()
    %barrier3A = arith.constant 0 : index
    tpu.barrier barrier_id(%barrier3A)
    %add3A_14 = arith.constant -128 : i32
    %add3A_15 = arith.addi %add3A_14, %add3A : i32
    %lt3A = arith.constant 2500 : i32
    %lt3A_16 = arith.cmpi slt, %add3A_15, %lt3A : i32
    %and3A = arith.constant false
    %and3A_17 = arith.andi %and3A, %lt3A_16 : i1
    %convert_element_type3A = arith.extui %and3A_17 : i1 to i32
    %cond3A = arith.constant 0 : i32
    %cond3A_18 = arith.cmpi ne, %convert_element_type3A, %cond3A : i32
    scf.if %cond3A_18 {
      %dma_wait3A = arith.constant 0 : i32
      %dma_wait3A_165 = arith.constant -4 : i32
      %dma_wait3A_166 = arith.constant 1 : i32
      %dma_wait3A_167 = arith.constant 0 : i32
      %dma_wait3A_168 = arith.constant 0 : i32
      %dma_wait3A_169 = tpu.memref_slice %arg9[%dma_wait3A, %dma_wait3A_167, %dma_wait3A_168] : memref<4x128x64xf32, #tpu.memory_space<vmem>> -> memref<1x128x64xf32, #tpu.memory_space<vmem>>
      %dma_wait3A_170 = tpu.memref_squeeze %dma_wait3A_169 : memref<1x128x64xf32, #tpu.memory_space<vmem>> -> memref<128x64xf32, #tpu.memory_space<vmem>>
      %dma_wait3A_171 = arith.constant 0 : i32
      %dma_wait3A_172 = tpu.memref_slice %arg8[%dma_wait3A_165, %dma_wait3A_166, %dma_wait3A_171] : memref<80x2x128xi32, #tpu.memory_space<vmem>> -> memref<1x1x128xi32, #tpu.memory_space<vmem>>
      %dma_wait3A_173 = tpu.memref_squeeze %dma_wait3A_172 : memref<1x1x128xi32, #tpu.memory_space<vmem>> -> memref<128xi32, #tpu.memory_space<vmem>>
      %dma_wait3A_174 = arith.constant 0 : i32
      %dma_wait3A_175 = arith.constant 0 : i32
      %dma_wait3A_176 = tpu.memref_slice %arg10[%dma_wait3A_174, %dma_wait3A_175] : memref<10112x64xf32, #tpu.memory_space<vmem_shared>> -> memref<10112x64xf32, #tpu.memory_space<vmem_shared>>
      tpu.wait_indirect_dma semaphore(%arg16 : memref<!tpu.dma_semaphore, #tpu.memory_space<semaphore_mem>>) src(%dma_wait3A_170 : memref<128x64xf32, #tpu.memory_space<vmem>>) dst(%dma_wait3A_176 : memref<10112x64xf32, #tpu.memory_space<vmem_shared>>)
    } else {
    }
    %add3A_19 = arith.constant 0 : i32
    %add3A_20 = arith.addi %add3A_19, %add3A : i32
    %lt3A_21 = arith.constant 2500 : i32
    %lt3A_22 = arith.cmpi slt, %add3A_20, %lt3A_21 : i32
    %convert_element_type3A_23 = arith.extui %lt3A_22 : i1 to i32
    %cond3A_24 = arith.constant 0 : i32
    %cond3A_25 = arith.cmpi ne, %convert_element_type3A_23, %cond3A_24 : i32
    scf.if %cond3A_25 {
      %dma_start3A = arith.constant 0 : i32
      %dma_start3A_165 = arith.constant 0 : i32
      %dma_start3A_166 = arith.constant 0 : i32
      %dma_start3A_167 = arith.constant 0 : i32
      %dma_start3A_168 = arith.constant 0 : i32
      %dma_start3A_169 = tpu.memref_slice %arg9[%dma_start3A_166, %dma_start3A_167, %dma_start3A_168] : memref<4x128x64xf32, #tpu.memory_space<vmem>> -> memref<1x128x64xf32, #tpu.memory_space<vmem>>
      %dma_start3A_170 = tpu.memref_squeeze %dma_start3A_169 : memref<1x128x64xf32, #tpu.memory_space<vmem>> -> memref<128x64xf32, #tpu.memory_space<vmem>>
      %dma_start3A_171 = arith.constant 0 : i32
      %dma_start3A_172 = tpu.memref_slice %arg8[%dma_start3A, %dma_start3A_165, %dma_start3A_171] : memref<80x2x128xi32, #tpu.memory_space<vmem>> -> memref<1x1x128xi32, #tpu.memory_space<vmem>>
      %dma_start3A_173 = tpu.memref_squeeze %dma_start3A_172 : memref<1x1x128xi32, #tpu.memory_space<vmem>> -> memref<128xi32, #tpu.memory_space<vmem>>
      %dma_start3A_174 = arith.constant 0 : i32
      %dma_start3A_175 = arith.constant 0 : i32
      %dma_start3A_176 = tpu.memref_slice %arg2[%dma_start3A_174, %dma_start3A_175] : memref<10112x64xf32, #tpu.memory_space<hbm>> -> memref<10112x64xf32, #tpu.memory_space<hbm>>
      tpu.enqueue_indirect_dma source(%dma_start3A_176 : memref<10112x64xf32, #tpu.memory_space<hbm>>) target(%dma_start3A_170 : memref<128x64xf32, #tpu.memory_space<vmem>>) offsets(%dma_start3A_173 : memref<128xi32, #tpu.memory_space<vmem>>) semaphore(%arg12 : memref<!tpu.dma_semaphore, #tpu.memory_space<semaphore_mem>>)
    } else {
    }
    %add3A_26 = arith.constant -96 : i32
    %add3A_27 = arith.addi %add3A_26, %add3A : i32
    %lt3A_28 = arith.constant 2500 : i32
    %lt3A_29 = arith.cmpi slt, %add3A_27, %lt3A_28 : i32
    %and3A_30 = arith.constant false
    %and3A_31 = arith.andi %and3A_30, %lt3A_29 : i1
    %convert_element_type3A_32 = arith.extui %and3A_31 : i1 to i32
    %cond3A_33 = arith.constant 0 : i32
    %cond3A_34 = arith.cmpi ne, %convert_element_type3A_32, %cond3A_33 : i32
    scf.if %cond3A_34 {
      %dma_wait3A = arith.constant 1 : i32
      %dma_wait3A_165 = arith.constant -3 : i32
      %dma_wait3A_166 = arith.constant 1 : i32
      %dma_wait3A_167 = arith.constant 0 : i32
      %dma_wait3A_168 = arith.constant 0 : i32
      %dma_wait3A_169 = tpu.memref_slice %arg9[%dma_wait3A, %dma_wait3A_167, %dma_wait3A_168] : memref<4x128x64xf32, #tpu.memory_space<vmem>> -> memref<1x128x64xf32, #tpu.memory_space<vmem>>
      %dma_wait3A_170 = tpu.memref_squeeze %dma_wait3A_169 : memref<1x128x64xf32, #tpu.memory_space<vmem>> -> memref<128x64xf32, #tpu.memory_space<vmem>>
      %dma_wait3A_171 = arith.constant 0 : i32
      %dma_wait3A_172 = tpu.memref_slice %arg8[%dma_wait3A_165, %dma_wait3A_166, %dma_wait3A_171] : memref<80x2x128xi32, #tpu.memory_space<vmem>> -> memref<1x1x128xi32, #tpu.memory_space<vmem>>
      %dma_wait3A_173 = tpu.memref_squeeze %dma_wait3A_172 : memref<1x1x128xi32, #tpu.memory_space<vmem>> -> memref<128xi32, #tpu.memory_space<vmem>>
      %dma_wait3A_174 = arith.constant 0 : i32
      %dma_wait3A_175 = arith.constant 0 : i32
      %dma_wait3A_176 = tpu.memref_slice %arg10[%dma_wait3A_174, %dma_wait3A_175] : memref<10112x64xf32, #tpu.memory_space<vmem_shared>> -> memref<10112x64xf32, #tpu.memory_space<vmem_shared>>
      tpu.wait_indirect_dma semaphore(%arg17 : memref<!tpu.dma_semaphore, #tpu.memory_space<semaphore_mem>>) src(%dma_wait3A_170 : memref<128x64xf32, #tpu.memory_space<vmem>>) dst(%dma_wait3A_176 : memref<10112x64xf32, #tpu.memory_space<vmem_shared>>)
    } else {
    }
    %add3A_35 = arith.constant 32 : i32
    %add3A_36 = arith.addi %add3A_35, %add3A : i32
    %lt3A_37 = arith.constant 2500 : i32
    %lt3A_38 = arith.cmpi slt, %add3A_36, %lt3A_37 : i32
    %convert_element_type3A_39 = arith.extui %lt3A_38 : i1 to i32
    %cond3A_40 = arith.constant 0 : i32
    %cond3A_41 = arith.cmpi ne, %convert_element_type3A_39, %cond3A_40 : i32
    scf.if %cond3A_41 {
      %dma_start3A = arith.constant 1 : i32
      %dma_start3A_165 = arith.constant 0 : i32
      %dma_start3A_166 = arith.constant 1 : i32
      %dma_start3A_167 = arith.constant 0 : i32
      %dma_start3A_168 = arith.constant 0 : i32
      %dma_start3A_169 = tpu.memref_slice %arg9[%dma_start3A_166, %dma_start3A_167, %dma_start3A_168] : memref<4x128x64xf32, #tpu.memory_space<vmem>> -> memref<1x128x64xf32, #tpu.memory_space<vmem>>
      %dma_start3A_170 = tpu.memref_squeeze %dma_start3A_169 : memref<1x128x64xf32, #tpu.memory_space<vmem>> -> memref<128x64xf32, #tpu.memory_space<vmem>>
      %dma_start3A_171 = arith.constant 0 : i32
      %dma_start3A_172 = tpu.memref_slice %arg8[%dma_start3A, %dma_start3A_165, %dma_start3A_171] : memref<80x2x128xi32, #tpu.memory_space<vmem>> -> memref<1x1x128xi32, #tpu.memory_space<vmem>>
      %dma_start3A_173 = tpu.memref_squeeze %dma_start3A_172 : memref<1x1x128xi32, #tpu.memory_space<vmem>> -> memref<128xi32, #tpu.memory_space<vmem>>
      %dma_start3A_174 = arith.constant 0 : i32
      %dma_start3A_175 = arith.constant 0 : i32
      %dma_start3A_176 = tpu.memref_slice %arg2[%dma_start3A_174, %dma_start3A_175] : memref<10112x64xf32, #tpu.memory_space<hbm>> -> memref<10112x64xf32, #tpu.memory_space<hbm>>
      tpu.enqueue_indirect_dma source(%dma_start3A_176 : memref<10112x64xf32, #tpu.memory_space<hbm>>) target(%dma_start3A_170 : memref<128x64xf32, #tpu.memory_space<vmem>>) offsets(%dma_start3A_173 : memref<128xi32, #tpu.memory_space<vmem>>) semaphore(%arg13 : memref<!tpu.dma_semaphore, #tpu.memory_space<semaphore_mem>>)
    } else {
    }
    %add3A_42 = arith.constant -64 : i32
    %add3A_43 = arith.addi %add3A_42, %add3A : i32
    %lt3A_44 = arith.constant 2500 : i32
    %lt3A_45 = arith.cmpi slt, %add3A_43, %lt3A_44 : i32
    %and3A_46 = arith.constant false
    %and3A_47 = arith.andi %and3A_46, %lt3A_45 : i1
    %convert_element_type3A_48 = arith.extui %and3A_47 : i1 to i32
    %cond3A_49 = arith.constant 0 : i32
    %cond3A_50 = arith.cmpi ne, %convert_element_type3A_48, %cond3A_49 : i32
    scf.if %cond3A_50 {
      %dma_wait3A = arith.constant 2 : i32
      %dma_wait3A_165 = arith.constant -2 : i32
      %dma_wait3A_166 = arith.constant 1 : i32
      %dma_wait3A_167 = arith.constant 0 : i32
      %dma_wait3A_168 = arith.constant 0 : i32
      %dma_wait3A_169 = tpu.memref_slice %arg9[%dma_wait3A, %dma_wait3A_167, %dma_wait3A_168] : memref<4x128x64xf32, #tpu.memory_space<vmem>> -> memref<1x128x64xf32, #tpu.memory_space<vmem>>
      %dma_wait3A_170 = tpu.memref_squeeze %dma_wait3A_169 : memref<1x128x64xf32, #tpu.memory_space<vmem>> -> memref<128x64xf32, #tpu.memory_space<vmem>>
      %dma_wait3A_171 = arith.constant 0 : i32
      %dma_wait3A_172 = tpu.memref_slice %arg8[%dma_wait3A_165, %dma_wait3A_166, %dma_wait3A_171] : memref<80x2x128xi32, #tpu.memory_space<vmem>> -> memref<1x1x128xi32, #tpu.memory_space<vmem>>
      %dma_wait3A_173 = tpu.memref_squeeze %dma_wait3A_172 : memref<1x1x128xi32, #tpu.memory_space<vmem>> -> memref<128xi32, #tpu.memory_space<vmem>>
      %dma_wait3A_174 = arith.constant 0 : i32
      %dma_wait3A_175 = arith.constant 0 : i32
      %dma_wait3A_176 = tpu.memref_slice %arg10[%dma_wait3A_174, %dma_wait3A_175] : memref<10112x64xf32, #tpu.memory_space<vmem_shared>> -> memref<10112x64xf32, #tpu.memory_space<vmem_shared>>
      tpu.wait_indirect_dma semaphore(%arg18 : memref<!tpu.dma_semaphore, #tpu.memory_space<semaphore_mem>>) src(%dma_wait3A_170 : memref<128x64xf32, #tpu.memory_space<vmem>>) dst(%dma_wait3A_176 : memref<10112x64xf32, #tpu.memory_space<vmem_shared>>)
    } else {
    }
    %add3A_51 = arith.constant 64 : i32
    %add3A_52 = arith.addi %add3A_51, %add3A : i32
    %lt3A_53 = arith.constant 2500 : i32
    %lt3A_54 = arith.cmpi slt, %add3A_52, %lt3A_53 : i32
    %convert_element_type3A_55 = arith.extui %lt3A_54 : i1 to i32
    %cond3A_56 = arith.constant 0 : i32
    %cond3A_57 = arith.cmpi ne, %convert_element_type3A_55, %cond3A_56 : i32
    scf.if %cond3A_57 {
      %dma_start3A = arith.constant 2 : i32
      %dma_start3A_165 = arith.constant 0 : i32
      %dma_start3A_166 = arith.constant 2 : i32
      %dma_start3A_167 = arith.constant 0 : i32
      %dma_start3A_168 = arith.constant 0 : i32
      %dma_start3A_169 = tpu.memref_slice %arg9[%dma_start3A_166, %dma_start3A_167, %dma_start3A_168] : memref<4x128x64xf32, #tpu.memory_space<vmem>> -> memref<1x128x64xf32, #tpu.memory_space<vmem>>
      %dma_start3A_170 = tpu.memref_squeeze %dma_start3A_169 : memref<1x128x64xf32, #tpu.memory_space<vmem>> -> memref<128x64xf32, #tpu.memory_space<vmem>>
      %dma_start3A_171 = arith.constant 0 : i32
      %dma_start3A_172 = tpu.memref_slice %arg8[%dma_start3A, %dma_start3A_165, %dma_start3A_171] : memref<80x2x128xi32, #tpu.memory_space<vmem>> -> memref<1x1x128xi32, #tpu.memory_space<vmem>>
      %dma_start3A_173 = tpu.memref_squeeze %dma_start3A_172 : memref<1x1x128xi32, #tpu.memory_space<vmem>> -> memref<128xi32, #tpu.memory_space<vmem>>
      %dma_start3A_174 = arith.constant 0 : i32
      %dma_start3A_175 = arith.constant 0 : i32
      %dma_start3A_176 = tpu.memref_slice %arg2[%dma_start3A_174, %dma_start3A_175] : memref<10112x64xf32, #tpu.memory_space<hbm>> -> memref<10112x64xf32, #tpu.memory_space<hbm>>
      tpu.enqueue_indirect_dma source(%dma_start3A_176 : memref<10112x64xf32, #tpu.memory_space<hbm>>) target(%dma_start3A_170 : memref<128x64xf32, #tpu.memory_space<vmem>>) offsets(%dma_start3A_173 : memref<128xi32, #tpu.memory_space<vmem>>) semaphore(%arg14 : memref<!tpu.dma_semaphore, #tpu.memory_space<semaphore_mem>>)
    } else {
    }
    %add3A_58 = arith.constant -32 : i32
    %add3A_59 = arith.addi %add3A_58, %add3A : i32
    %lt3A_60 = arith.constant 2500 : i32
    %lt3A_61 = arith.cmpi slt, %add3A_59, %lt3A_60 : i32
    %and3A_62 = arith.constant false
    %and3A_63 = arith.andi %and3A_62, %lt3A_61 : i1
    %convert_element_type3A_64 = arith.extui %and3A_63 : i1 to i32
    %cond3A_65 = arith.constant 0 : i32
    %cond3A_66 = arith.cmpi ne, %convert_element_type3A_64, %cond3A_65 : i32
    scf.if %cond3A_66 {
      %dma_wait3A = arith.constant 3 : i32
      %dma_wait3A_165 = arith.constant -1 : i32
      %dma_wait3A_166 = arith.constant 1 : i32
      %dma_wait3A_167 = arith.constant 0 : i32
      %dma_wait3A_168 = arith.constant 0 : i32
      %dma_wait3A_169 = tpu.memref_slice %arg9[%dma_wait3A, %dma_wait3A_167, %dma_wait3A_168] : memref<4x128x64xf32, #tpu.memory_space<vmem>> -> memref<1x128x64xf32, #tpu.memory_space<vmem>>
      %dma_wait3A_170 = tpu.memref_squeeze %dma_wait3A_169 : memref<1x128x64xf32, #tpu.memory_space<vmem>> -> memref<128x64xf32, #tpu.memory_space<vmem>>
      %dma_wait3A_171 = arith.constant 0 : i32
      %dma_wait3A_172 = tpu.memref_slice %arg8[%dma_wait3A_165, %dma_wait3A_166, %dma_wait3A_171] : memref<80x2x128xi32, #tpu.memory_space<vmem>> -> memref<1x1x128xi32, #tpu.memory_space<vmem>>
      %dma_wait3A_173 = tpu.memref_squeeze %dma_wait3A_172 : memref<1x1x128xi32, #tpu.memory_space<vmem>> -> memref<128xi32, #tpu.memory_space<vmem>>
      %dma_wait3A_174 = arith.constant 0 : i32
      %dma_wait3A_175 = arith.constant 0 : i32
      %dma_wait3A_176 = tpu.memref_slice %arg10[%dma_wait3A_174, %dma_wait3A_175] : memref<10112x64xf32, #tpu.memory_space<vmem_shared>> -> memref<10112x64xf32, #tpu.memory_space<vmem_shared>>
      tpu.wait_indirect_dma semaphore(%arg19 : memref<!tpu.dma_semaphore, #tpu.memory_space<semaphore_mem>>) src(%dma_wait3A_170 : memref<128x64xf32, #tpu.memory_space<vmem>>) dst(%dma_wait3A_176 : memref<10112x64xf32, #tpu.memory_space<vmem_shared>>)
    } else {
    }
    %add3A_67 = arith.constant 96 : i32
    %add3A_68 = arith.addi %add3A_67, %add3A : i32
    %lt3A_69 = arith.constant 2500 : i32
    %lt3A_70 = arith.cmpi slt, %add3A_68, %lt3A_69 : i32
    %convert_element_type3A_71 = arith.extui %lt3A_70 : i1 to i32
    %cond3A_72 = arith.constant 0 : i32
    %cond3A_73 = arith.cmpi ne, %convert_element_type3A_71, %cond3A_72 : i32
    scf.if %cond3A_73 {
      %dma_start3A = arith.constant 3 : i32
      %dma_start3A_165 = arith.constant 0 : i32
      %dma_start3A_166 = arith.constant 3 : i32
      %dma_start3A_167 = arith.constant 0 : i32
      %dma_start3A_168 = arith.constant 0 : i32
      %dma_start3A_169 = tpu.memref_slice %arg9[%dma_start3A_166, %dma_start3A_167, %dma_start3A_168] : memref<4x128x64xf32, #tpu.memory_space<vmem>> -> memref<1x128x64xf32, #tpu.memory_space<vmem>>
      %dma_start3A_170 = tpu.memref_squeeze %dma_start3A_169 : memref<1x128x64xf32, #tpu.memory_space<vmem>> -> memref<128x64xf32, #tpu.memory_space<vmem>>
      %dma_start3A_171 = arith.constant 0 : i32
      %dma_start3A_172 = tpu.memref_slice %arg8[%dma_start3A, %dma_start3A_165, %dma_start3A_171] : memref<80x2x128xi32, #tpu.memory_space<vmem>> -> memref<1x1x128xi32, #tpu.memory_space<vmem>>
      %dma_start3A_173 = tpu.memref_squeeze %dma_start3A_172 : memref<1x1x128xi32, #tpu.memory_space<vmem>> -> memref<128xi32, #tpu.memory_space<vmem>>
      %dma_start3A_174 = arith.constant 0 : i32
      %dma_start3A_175 = arith.constant 0 : i32
      %dma_start3A_176 = tpu.memref_slice %arg2[%dma_start3A_174, %dma_start3A_175] : memref<10112x64xf32, #tpu.memory_space<hbm>> -> memref<10112x64xf32, #tpu.memory_space<hbm>>
      tpu.enqueue_indirect_dma source(%dma_start3A_176 : memref<10112x64xf32, #tpu.memory_space<hbm>>) target(%dma_start3A_170 : memref<128x64xf32, #tpu.memory_space<vmem>>) offsets(%dma_start3A_173 : memref<128xi32, #tpu.memory_space<vmem>>) semaphore(%arg15 : memref<!tpu.dma_semaphore, #tpu.memory_space<semaphore_mem>>)
    } else {
    }
    %scan3A_74 = arith.constant 0 : i32
    %scan3A_75 = arith.constant 0 : i32
    %scan3A_76 = arith.constant 20 : i32
    %scan3A_77 = arith.addi %scan3A_75, %scan3A_76 : i32
    %scan3A_78 = arith.constant 1 : i32
    scf.for %scan3A_165 = %scan3A_75 to %scan3A_77 step %scan3A_78  : i32 {
      %mul3A_166 = arith.constant 4 : i32
      %mul3A_167 = arith.muli %scan3A_165, %mul3A_166 : i32
      %add3A_168 = arith.constant 0 : i32
      %add3A_169 = arith.addi %mul3A_167, %add3A_168 : i32
      %mul3A_170 = arith.constant 32 : i32
      %mul3A_171 = arith.muli %add3A_169, %mul3A_170 : i32
      %add3A_172 = arith.addi %mul3A_171, %add3A : i32
      %lt3A_173 = arith.constant 2500 : i32
      %lt3A_174 = arith.cmpi slt, %add3A_172, %lt3A_173 : i32
      %convert_element_type3A_175 = arith.extui %lt3A_174 : i1 to i32
      %cond3A_176 = arith.constant 0 : i32
      %cond3A_177 = arith.cmpi ne, %convert_element_type3A_175, %cond3A_176 : i32
      scf.if %cond3A_177 {
        %dma_wait3A = arith.constant 0 : i32
        %dma_wait3A_306 = arith.constant 0 : i32
        %dma_wait3A_307 = arith.constant 0 : i32
        %dma_wait3A_308 = arith.constant 0 : i32
        %dma_wait3A_309 = tpu.memref_slice %arg9[%dma_wait3A_306, %dma_wait3A_307, %dma_wait3A_308] : memref<4x128x64xf32, #tpu.memory_space<vmem>> -> memref<1x128x64xf32, #tpu.memory_space<vmem>>
        %dma_wait3A_310 = tpu.memref_squeeze %dma_wait3A_309 : memref<1x128x64xf32, #tpu.memory_space<vmem>> -> memref<128x64xf32, #tpu.memory_space<vmem>>
        %dma_wait3A_311 = arith.constant 0 : i32
        %dma_wait3A_312 = tpu.memref_slice %arg8[%add3A_169, %dma_wait3A, %dma_wait3A_311] : memref<80x2x128xi32, #tpu.memory_space<vmem>> -> memref<1x1x128xi32, #tpu.memory_space<vmem>>
        %dma_wait3A_313 = tpu.memref_squeeze %dma_wait3A_312 : memref<1x1x128xi32, #tpu.memory_space<vmem>> -> memref<128xi32, #tpu.memory_space<vmem>>
        %dma_wait3A_314 = arith.constant 0 : i32
        %dma_wait3A_315 = arith.constant 0 : i32
        %dma_wait3A_316 = tpu.memref_slice %arg2[%dma_wait3A_314, %dma_wait3A_315] : memref<10112x64xf32, #tpu.memory_space<hbm>> -> memref<10112x64xf32, #tpu.memory_space<hbm>>
        tpu.wait_indirect_dma semaphore(%arg12 : memref<!tpu.dma_semaphore, #tpu.memory_space<semaphore_mem>>) src(%dma_wait3A_316 : memref<10112x64xf32, #tpu.memory_space<hbm>>) dst(%dma_wait3A_310 : memref<128x64xf32, #tpu.memory_space<vmem>>)
        %dma_start3A = arith.constant 0 : i32
        %dma_start3A_317 = arith.constant 1 : i32
        %dma_start3A_318 = arith.constant 0 : i32
        %dma_start3A_319 = arith.constant 0 : i32
        %dma_start3A_320 = tpu.memref_slice %arg9[%dma_start3A, %dma_start3A_318, %dma_start3A_319] : memref<4x128x64xf32, #tpu.memory_space<vmem>> -> memref<1x128x64xf32, #tpu.memory_space<vmem>>
        %dma_start3A_321 = tpu.memref_squeeze %dma_start3A_320 : memref<1x128x64xf32, #tpu.memory_space<vmem>> -> memref<128x64xf32, #tpu.memory_space<vmem>>
        %dma_start3A_322 = arith.constant 0 : i32
        %dma_start3A_323 = tpu.memref_slice %arg8[%add3A_169, %dma_start3A_317, %dma_start3A_322] : memref<80x2x128xi32, #tpu.memory_space<vmem>> -> memref<1x1x128xi32, #tpu.memory_space<vmem>>
        %dma_start3A_324 = tpu.memref_squeeze %dma_start3A_323 : memref<1x1x128xi32, #tpu.memory_space<vmem>> -> memref<128xi32, #tpu.memory_space<vmem>>
        %dma_start3A_325 = arith.constant 0 : i32
        %dma_start3A_326 = arith.constant 0 : i32
        %dma_start3A_327 = tpu.memref_slice %arg10[%dma_start3A_325, %dma_start3A_326] : memref<10112x64xf32, #tpu.memory_space<vmem_shared>> -> memref<10112x64xf32, #tpu.memory_space<vmem_shared>>
        tpu.enqueue_indirect_dma source(%dma_start3A_321 : memref<128x64xf32, #tpu.memory_space<vmem>>) target(%dma_start3A_327 : memref<10112x64xf32, #tpu.memory_space<vmem_shared>>) offsets(%dma_start3A_324 : memref<128xi32, #tpu.memory_space<vmem>>) semaphore(%arg16 : memref<!tpu.dma_semaphore, #tpu.memory_space<semaphore_mem>>) {add = true}
      } else {
      }
      %add3A_178 = arith.constant 1 : i32
      %add3A_179 = arith.addi %mul3A_167, %add3A_178 : i32
      %mul3A_180 = arith.constant 32 : i32
      %mul3A_181 = arith.muli %add3A_179, %mul3A_180 : i32
      %add3A_182 = arith.addi %mul3A_181, %add3A : i32
      %lt3A_183 = arith.constant 2500 : i32
      %lt3A_184 = arith.cmpi slt, %add3A_182, %lt3A_183 : i32
      %convert_element_type3A_185 = arith.extui %lt3A_184 : i1 to i32
      %cond3A_186 = arith.constant 0 : i32
      %cond3A_187 = arith.cmpi ne, %convert_element_type3A_185, %cond3A_186 : i32
      scf.if %cond3A_187 {
        %dma_wait3A = arith.constant 0 : i32
        %dma_wait3A_306 = arith.constant 1 : i32
        %dma_wait3A_307 = arith.constant 0 : i32
        %dma_wait3A_308 = arith.constant 0 : i32
        %dma_wait3A_309 = tpu.memref_slice %arg9[%dma_wait3A_306, %dma_wait3A_307, %dma_wait3A_308] : memref<4x128x64xf32, #tpu.memory_space<vmem>> -> memref<1x128x64xf32, #tpu.memory_space<vmem>>
        %dma_wait3A_310 = tpu.memref_squeeze %dma_wait3A_309 : memref<1x128x64xf32, #tpu.memory_space<vmem>> -> memref<128x64xf32, #tpu.memory_space<vmem>>
        %dma_wait3A_311 = arith.constant 0 : i32
        %dma_wait3A_312 = tpu.memref_slice %arg8[%add3A_179, %dma_wait3A, %dma_wait3A_311] : memref<80x2x128xi32, #tpu.memory_space<vmem>> -> memref<1x1x128xi32, #tpu.memory_space<vmem>>
        %dma_wait3A_313 = tpu.memref_squeeze %dma_wait3A_312 : memref<1x1x128xi32, #tpu.memory_space<vmem>> -> memref<128xi32, #tpu.memory_space<vmem>>
        %dma_wait3A_314 = arith.constant 0 : i32
        %dma_wait3A_315 = arith.constant 0 : i32
        %dma_wait3A_316 = tpu.memref_slice %arg2[%dma_wait3A_314, %dma_wait3A_315] : memref<10112x64xf32, #tpu.memory_space<hbm>> -> memref<10112x64xf32, #tpu.memory_space<hbm>>
        tpu.wait_indirect_dma semaphore(%arg13 : memref<!tpu.dma_semaphore, #tpu.memory_space<semaphore_mem>>) src(%dma_wait3A_316 : memref<10112x64xf32, #tpu.memory_space<hbm>>) dst(%dma_wait3A_310 : memref<128x64xf32, #tpu.memory_space<vmem>>)
        %dma_start3A = arith.constant 1 : i32
        %dma_start3A_317 = arith.constant 1 : i32
        %dma_start3A_318 = arith.constant 0 : i32
        %dma_start3A_319 = arith.constant 0 : i32
        %dma_start3A_320 = tpu.memref_slice %arg9[%dma_start3A, %dma_start3A_318, %dma_start3A_319] : memref<4x128x64xf32, #tpu.memory_space<vmem>> -> memref<1x128x64xf32, #tpu.memory_space<vmem>>
        %dma_start3A_321 = tpu.memref_squeeze %dma_start3A_320 : memref<1x128x64xf32, #tpu.memory_space<vmem>> -> memref<128x64xf32, #tpu.memory_space<vmem>>
        %dma_start3A_322 = arith.constant 0 : i32
        %dma_start3A_323 = tpu.memref_slice %arg8[%add3A_179, %dma_start3A_317, %dma_start3A_322] : memref<80x2x128xi32, #tpu.memory_space<vmem>> -> memref<1x1x128xi32, #tpu.memory_space<vmem>>
        %dma_start3A_324 = tpu.memref_squeeze %dma_start3A_323 : memref<1x1x128xi32, #tpu.memory_space<vmem>> -> memref<128xi32, #tpu.memory_space<vmem>>
        %dma_start3A_325 = arith.constant 0 : i32
        %dma_start3A_326 = arith.constant 0 : i32
        %dma_start3A_327 = tpu.memref_slice %arg10[%dma_start3A_325, %dma_start3A_326] : memref<10112x64xf32, #tpu.memory_space<vmem_shared>> -> memref<10112x64xf32, #tpu.memory_space<vmem_shared>>
        tpu.enqueue_indirect_dma source(%dma_start3A_321 : memref<128x64xf32, #tpu.memory_space<vmem>>) target(%dma_start3A_327 : memref<10112x64xf32, #tpu.memory_space<vmem_shared>>) offsets(%dma_start3A_324 : memref<128xi32, #tpu.memory_space<vmem>>) semaphore(%arg17 : memref<!tpu.dma_semaphore, #tpu.memory_space<semaphore_mem>>) {add = true}
      } else {
      }
      %add3A_188 = arith.constant 2 : i32
      %add3A_189 = arith.addi %mul3A_167, %add3A_188 : i32
      %mul3A_190 = arith.constant 32 : i32
      %mul3A_191 = arith.muli %add3A_189, %mul3A_190 : i32
      %add3A_192 = arith.addi %mul3A_191, %add3A : i32
      %lt3A_193 = arith.constant 2500 : i32
      %lt3A_194 = arith.cmpi slt, %add3A_192, %lt3A_193 : i32
      %convert_element_type3A_195 = arith.extui %lt3A_194 : i1 to i32
      %cond3A_196 = arith.constant 0 : i32
      %cond3A_197 = arith.cmpi ne, %convert_element_type3A_195, %cond3A_196 : i32
      scf.if %cond3A_197 {
        %dma_wait3A = arith.constant 0 : i32
        %dma_wait3A_306 = arith.constant 2 : i32
        %dma_wait3A_307 = arith.constant 0 : i32
        %dma_wait3A_308 = arith.constant 0 : i32
        %dma_wait3A_309 = tpu.memref_slice %arg9[%dma_wait3A_306, %dma_wait3A_307, %dma_wait3A_308] : memref<4x128x64xf32, #tpu.memory_space<vmem>> -> memref<1x128x64xf32, #tpu.memory_space<vmem>>
        %dma_wait3A_310 = tpu.memref_squeeze %dma_wait3A_309 : memref<1x128x64xf32, #tpu.memory_space<vmem>> -> memref<128x64xf32, #tpu.memory_space<vmem>>
        %dma_wait3A_311 = arith.constant 0 : i32
        %dma_wait3A_312 = tpu.memref_slice %arg8[%add3A_189, %dma_wait3A, %dma_wait3A_311] : memref<80x2x128xi32, #tpu.memory_space<vmem>> -> memref<1x1x128xi32, #tpu.memory_space<vmem>>
        %dma_wait3A_313 = tpu.memref_squeeze %dma_wait3A_312 : memref<1x1x128xi32, #tpu.memory_space<vmem>> -> memref<128xi32, #tpu.memory_space<vmem>>
        %dma_wait3A_314 = arith.constant 0 : i32
        %dma_wait3A_315 = arith.constant 0 : i32
        %dma_wait3A_316 = tpu.memref_slice %arg2[%dma_wait3A_314, %dma_wait3A_315] : memref<10112x64xf32, #tpu.memory_space<hbm>> -> memref<10112x64xf32, #tpu.memory_space<hbm>>
        tpu.wait_indirect_dma semaphore(%arg14 : memref<!tpu.dma_semaphore, #tpu.memory_space<semaphore_mem>>) src(%dma_wait3A_316 : memref<10112x64xf32, #tpu.memory_space<hbm>>) dst(%dma_wait3A_310 : memref<128x64xf32, #tpu.memory_space<vmem>>)
        %dma_start3A = arith.constant 2 : i32
        %dma_start3A_317 = arith.constant 1 : i32
        %dma_start3A_318 = arith.constant 0 : i32
        %dma_start3A_319 = arith.constant 0 : i32
        %dma_start3A_320 = tpu.memref_slice %arg9[%dma_start3A, %dma_start3A_318, %dma_start3A_319] : memref<4x128x64xf32, #tpu.memory_space<vmem>> -> memref<1x128x64xf32, #tpu.memory_space<vmem>>
        %dma_start3A_321 = tpu.memref_squeeze %dma_start3A_320 : memref<1x128x64xf32, #tpu.memory_space<vmem>> -> memref<128x64xf32, #tpu.memory_space<vmem>>
        %dma_start3A_322 = arith.constant 0 : i32
        %dma_start3A_323 = tpu.memref_slice %arg8[%add3A_189, %dma_start3A_317, %dma_start3A_322] : memref<80x2x128xi32, #tpu.memory_space<vmem>> -> memref<1x1x128xi32, #tpu.memory_space<vmem>>
        %dma_start3A_324 = tpu.memref_squeeze %dma_start3A_323 : memref<1x1x128xi32, #tpu.memory_space<vmem>> -> memref<128xi32, #tpu.memory_space<vmem>>
        %dma_start3A_325 = arith.constant 0 : i32
        %dma_start3A_326 = arith.constant 0 : i32
        %dma_start3A_327 = tpu.memref_slice %arg10[%dma_start3A_325, %dma_start3A_326] : memref<10112x64xf32, #tpu.memory_space<vmem_shared>> -> memref<10112x64xf32, #tpu.memory_space<vmem_shared>>
        tpu.enqueue_indirect_dma source(%dma_start3A_321 : memref<128x64xf32, #tpu.memory_space<vmem>>) target(%dma_start3A_327 : memref<10112x64xf32, #tpu.memory_space<vmem_shared>>) offsets(%dma_start3A_324 : memref<128xi32, #tpu.memory_space<vmem>>) semaphore(%arg18 : memref<!tpu.dma_semaphore, #tpu.memory_space<semaphore_mem>>) {add = true}
      } else {
      }
      %add3A_198 = arith.constant 3 : i32
      %add3A_199 = arith.addi %mul3A_167, %add3A_198 : i32
      %mul3A_200 = arith.constant 32 : i32
      %mul3A_201 = arith.muli %add3A_199, %mul3A_200 : i32
      %add3A_202 = arith.addi %mul3A_201, %add3A : i32
      %lt3A_203 = arith.constant 2500 : i32
      %lt3A_204 = arith.cmpi slt, %add3A_202, %lt3A_203 : i32
      %convert_element_type3A_205 = arith.extui %lt3A_204 : i1 to i32
      %cond3A_206 = arith.constant 0 : i32
      %cond3A_207 = arith.cmpi ne, %convert_element_type3A_205, %cond3A_206 : i32
      scf.if %cond3A_207 {
        %dma_wait3A = arith.constant 0 : i32
        %dma_wait3A_306 = arith.constant 3 : i32
        %dma_wait3A_307 = arith.constant 0 : i32
        %dma_wait3A_308 = arith.constant 0 : i32
        %dma_wait3A_309 = tpu.memref_slice %arg9[%dma_wait3A_306, %dma_wait3A_307, %dma_wait3A_308] : memref<4x128x64xf32, #tpu.memory_space<vmem>> -> memref<1x128x64xf32, #tpu.memory_space<vmem>>
        %dma_wait3A_310 = tpu.memref_squeeze %dma_wait3A_309 : memref<1x128x64xf32, #tpu.memory_space<vmem>> -> memref<128x64xf32, #tpu.memory_space<vmem>>
        %dma_wait3A_311 = arith.constant 0 : i32
        %dma_wait3A_312 = tpu.memref_slice %arg8[%add3A_199, %dma_wait3A, %dma_wait3A_311] : memref<80x2x128xi32, #tpu.memory_space<vmem>> -> memref<1x1x128xi32, #tpu.memory_space<vmem>>
        %dma_wait3A_313 = tpu.memref_squeeze %dma_wait3A_312 : memref<1x1x128xi32, #tpu.memory_space<vmem>> -> memref<128xi32, #tpu.memory_space<vmem>>
        %dma_wait3A_314 = arith.constant 0 : i32
        %dma_wait3A_315 = arith.constant 0 : i32
        %dma_wait3A_316 = tpu.memref_slice %arg2[%dma_wait3A_314, %dma_wait3A_315] : memref<10112x64xf32, #tpu.memory_space<hbm>> -> memref<10112x64xf32, #tpu.memory_space<hbm>>
        tpu.wait_indirect_dma semaphore(%arg15 : memref<!tpu.dma_semaphore, #tpu.memory_space<semaphore_mem>>) src(%dma_wait3A_316 : memref<10112x64xf32, #tpu.memory_space<hbm>>) dst(%dma_wait3A_310 : memref<128x64xf32, #tpu.memory_space<vmem>>)
        %dma_start3A = arith.constant 3 : i32
        %dma_start3A_317 = arith.constant 1 : i32
        %dma_start3A_318 = arith.constant 0 : i32
        %dma_start3A_319 = arith.constant 0 : i32
        %dma_start3A_320 = tpu.memref_slice %arg9[%dma_start3A, %dma_start3A_318, %dma_start3A_319] : memref<4x128x64xf32, #tpu.memory_space<vmem>> -> memref<1x128x64xf32, #tpu.memory_space<vmem>>
        %dma_start3A_321 = tpu.memref_squeeze %dma_start3A_320 : memref<1x128x64xf32, #tpu.memory_space<vmem>> -> memref<128x64xf32, #tpu.memory_space<vmem>>
        %dma_start3A_322 = arith.constant 0 : i32
        %dma_start3A_323 = tpu.memref_slice %arg8[%add3A_199, %dma_start3A_317, %dma_start3A_322] : memref<80x2x128xi32, #tpu.memory_space<vmem>> -> memref<1x1x128xi32, #tpu.memory_space<vmem>>
        %dma_start3A_324 = tpu.memref_squeeze %dma_start3A_323 : memref<1x1x128xi32, #tpu.memory_space<vmem>> -> memref<128xi32, #tpu.memory_space<vmem>>
        %dma_start3A_325 = arith.constant 0 : i32
        %dma_start3A_326 = arith.constant 0 : i32
        %dma_start3A_327 = tpu.memref_slice %arg10[%dma_start3A_325, %dma_start3A_326] : memref<10112x64xf32, #tpu.memory_space<vmem_shared>> -> memref<10112x64xf32, #tpu.memory_space<vmem_shared>>
        tpu.enqueue_indirect_dma source(%dma_start3A_321 : memref<128x64xf32, #tpu.memory_space<vmem>>) target(%dma_start3A_327 : memref<10112x64xf32, #tpu.memory_space<vmem_shared>>) offsets(%dma_start3A_324 : memref<128xi32, #tpu.memory_space<vmem>>) semaphore(%arg19 : memref<!tpu.dma_semaphore, #tpu.memory_space<semaphore_mem>>) {add = true}
      } else {
      }
      %add3A_208 = arith.constant 4 : i32
      %add3A_209 = arith.addi %mul3A_167, %add3A_208 : i32
      %add3A_210 = arith.constant 0 : i32
      %add3A_211 = arith.addi %add3A_209, %add3A_210 : i32
      %ge3A = arith.constant 4 : i32
      %ge3A_212 = arith.cmpi sge, %add3A_211, %ge3A : i32
      %sub3A = arith.constant 4 : i32
      %sub3A_213 = arith.subi %add3A_211, %sub3A : i32
      %mul3A_214 = arith.constant 32 : i32
      %mul3A_215 = arith.muli %sub3A_213, %mul3A_214 : i32
      %add3A_216 = arith.addi %mul3A_215, %add3A : i32
      %lt3A_217 = arith.constant 2500 : i32
      %lt3A_218 = arith.cmpi slt, %add3A_216, %lt3A_217 : i32
      %and3A_219 = arith.andi %ge3A_212, %lt3A_218 : i1
      %convert_element_type3A_220 = arith.extui %and3A_219 : i1 to i32
      %cond3A_221 = arith.constant 0 : i32
      %cond3A_222 = arith.cmpi ne, %convert_element_type3A_220, %cond3A_221 : i32
      scf.if %cond3A_222 {
        %sub3A_306 = arith.constant 4 : i32
        %sub3A_307 = arith.subi %add3A_211, %sub3A_306 : i32
        %dma_wait3A = arith.constant 0 : i32
        %dma_wait3A_308 = arith.constant 1 : i32
        %dma_wait3A_309 = arith.constant 0 : i32
        %dma_wait3A_310 = arith.constant 0 : i32
        %dma_wait3A_311 = tpu.memref_slice %arg9[%dma_wait3A, %dma_wait3A_309, %dma_wait3A_310] : memref<4x128x64xf32, #tpu.memory_space<vmem>> -> memref<1x128x64xf32, #tpu.memory_space<vmem>>
        %dma_wait3A_312 = tpu.memref_squeeze %dma_wait3A_311 : memref<1x128x64xf32, #tpu.memory_space<vmem>> -> memref<128x64xf32, #tpu.memory_space<vmem>>
        %dma_wait3A_313 = arith.constant 0 : i32
        %dma_wait3A_314 = tpu.memref_slice %arg8[%sub3A_307, %dma_wait3A_308, %dma_wait3A_313] : memref<80x2x128xi32, #tpu.memory_space<vmem>> -> memref<1x1x128xi32, #tpu.memory_space<vmem>>
        %dma_wait3A_315 = tpu.memref_squeeze %dma_wait3A_314 : memref<1x1x128xi32, #tpu.memory_space<vmem>> -> memref<128xi32, #tpu.memory_space<vmem>>
        %dma_wait3A_316 = arith.constant 0 : i32
        %dma_wait3A_317 = arith.constant 0 : i32
        %dma_wait3A_318 = tpu.memref_slice %arg10[%dma_wait3A_316, %dma_wait3A_317] : memref<10112x64xf32, #tpu.memory_space<vmem_shared>> -> memref<10112x64xf32, #tpu.memory_space<vmem_shared>>
        tpu.wait_indirect_dma semaphore(%arg16 : memref<!tpu.dma_semaphore, #tpu.memory_space<semaphore_mem>>) src(%dma_wait3A_312 : memref<128x64xf32, #tpu.memory_space<vmem>>) dst(%dma_wait3A_318 : memref<10112x64xf32, #tpu.memory_space<vmem_shared>>)
      } else {
      }
      %mul3A_223 = arith.constant 32 : i32
      %mul3A_224 = arith.muli %add3A_211, %mul3A_223 : i32
      %add3A_225 = arith.addi %mul3A_224, %add3A : i32
      %lt3A_226 = arith.constant 2500 : i32
      %lt3A_227 = arith.cmpi slt, %add3A_225, %lt3A_226 : i32
      %convert_element_type3A_228 = arith.extui %lt3A_227 : i1 to i32
      %cond3A_229 = arith.constant 0 : i32
      %cond3A_230 = arith.cmpi ne, %convert_element_type3A_228, %cond3A_229 : i32
      scf.if %cond3A_230 {
        %dma_start3A = arith.constant 0 : i32
        %dma_start3A_306 = arith.constant 0 : i32
        %dma_start3A_307 = arith.constant 0 : i32
        %dma_start3A_308 = arith.constant 0 : i32
        %dma_start3A_309 = tpu.memref_slice %arg9[%dma_start3A_306, %dma_start3A_307, %dma_start3A_308] : memref<4x128x64xf32, #tpu.memory_space<vmem>> -> memref<1x128x64xf32, #tpu.memory_space<vmem>>
        %dma_start3A_310 = tpu.memref_squeeze %dma_start3A_309 : memref<1x128x64xf32, #tpu.memory_space<vmem>> -> memref<128x64xf32, #tpu.memory_space<vmem>>
        %dma_start3A_311 = arith.constant 0 : i32
        %dma_start3A_312 = tpu.memref_slice %arg8[%add3A_211, %dma_start3A, %dma_start3A_311] : memref<80x2x128xi32, #tpu.memory_space<vmem>> -> memref<1x1x128xi32, #tpu.memory_space<vmem>>
        %dma_start3A_313 = tpu.memref_squeeze %dma_start3A_312 : memref<1x1x128xi32, #tpu.memory_space<vmem>> -> memref<128xi32, #tpu.memory_space<vmem>>
        %dma_start3A_314 = arith.constant 0 : i32
        %dma_start3A_315 = arith.constant 0 : i32
        %dma_start3A_316 = tpu.memref_slice %arg2[%dma_start3A_314, %dma_start3A_315] : memref<10112x64xf32, #tpu.memory_space<hbm>> -> memref<10112x64xf32, #tpu.memory_space<hbm>>
        tpu.enqueue_indirect_dma source(%dma_start3A_316 : memref<10112x64xf32, #tpu.memory_space<hbm>>) target(%dma_start3A_310 : memref<128x64xf32, #tpu.memory_space<vmem>>) offsets(%dma_start3A_313 : memref<128xi32, #tpu.memory_space<vmem>>) semaphore(%arg12 : memref<!tpu.dma_semaphore, #tpu.memory_space<semaphore_mem>>)
      } else {
      }
      %add3A_231 = arith.constant 4 : i32
      %add3A_232 = arith.addi %mul3A_167, %add3A_231 : i32
      %add3A_233 = arith.constant 1 : i32
      %add3A_234 = arith.addi %add3A_232, %add3A_233 : i32
      %ge3A_235 = arith.constant 4 : i32
      %ge3A_236 = arith.cmpi sge, %add3A_234, %ge3A_235 : i32
      %sub3A_237 = arith.constant 4 : i32
      %sub3A_238 = arith.subi %add3A_234, %sub3A_237 : i32
      %mul3A_239 = arith.constant 32 : i32
      %mul3A_240 = arith.muli %sub3A_238, %mul3A_239 : i32
      %add3A_241 = arith.addi %mul3A_240, %add3A : i32
      %lt3A_242 = arith.constant 2500 : i32
      %lt3A_243 = arith.cmpi slt, %add3A_241, %lt3A_242 : i32
      %and3A_244 = arith.andi %ge3A_236, %lt3A_243 : i1
      %convert_element_type3A_245 = arith.extui %and3A_244 : i1 to i32
      %cond3A_246 = arith.constant 0 : i32
      %cond3A_247 = arith.cmpi ne, %convert_element_type3A_245, %cond3A_246 : i32
      scf.if %cond3A_247 {
        %sub3A_306 = arith.constant 4 : i32
        %sub3A_307 = arith.subi %add3A_234, %sub3A_306 : i32
        %dma_wait3A = arith.constant 1 : i32
        %dma_wait3A_308 = arith.constant 1 : i32
        %dma_wait3A_309 = arith.constant 0 : i32
        %dma_wait3A_310 = arith.constant 0 : i32
        %dma_wait3A_311 = tpu.memref_slice %arg9[%dma_wait3A, %dma_wait3A_309, %dma_wait3A_310] : memref<4x128x64xf32, #tpu.memory_space<vmem>> -> memref<1x128x64xf32, #tpu.memory_space<vmem>>
        %dma_wait3A_312 = tpu.memref_squeeze %dma_wait3A_311 : memref<1x128x64xf32, #tpu.memory_space<vmem>> -> memref<128x64xf32, #tpu.memory_space<vmem>>
        %dma_wait3A_313 = arith.constant 0 : i32
        %dma_wait3A_314 = tpu.memref_slice %arg8[%sub3A_307, %dma_wait3A_308, %dma_wait3A_313] : memref<80x2x128xi32, #tpu.memory_space<vmem>> -> memref<1x1x128xi32, #tpu.memory_space<vmem>>
        %dma_wait3A_315 = tpu.memref_squeeze %dma_wait3A_314 : memref<1x1x128xi32, #tpu.memory_space<vmem>> -> memref<128xi32, #tpu.memory_space<vmem>>
        %dma_wait3A_316 = arith.constant 0 : i32
        %dma_wait3A_317 = arith.constant 0 : i32
        %dma_wait3A_318 = tpu.memref_slice %arg10[%dma_wait3A_316, %dma_wait3A_317] : memref<10112x64xf32, #tpu.memory_space<vmem_shared>> -> memref<10112x64xf32, #tpu.memory_space<vmem_shared>>
        tpu.wait_indirect_dma semaphore(%arg17 : memref<!tpu.dma_semaphore, #tpu.memory_space<semaphore_mem>>) src(%dma_wait3A_312 : memref<128x64xf32, #tpu.memory_space<vmem>>) dst(%dma_wait3A_318 : memref<10112x64xf32, #tpu.memory_space<vmem_shared>>)
      } else {
      }
      %mul3A_248 = arith.constant 32 : i32
      %mul3A_249 = arith.muli %add3A_234, %mul3A_248 : i32
      %add3A_250 = arith.addi %mul3A_249, %add3A : i32
      %lt3A_251 = arith.constant 2500 : i32
      %lt3A_252 = arith.cmpi slt, %add3A_250, %lt3A_251 : i32
      %convert_element_type3A_253 = arith.extui %lt3A_252 : i1 to i32
      %cond3A_254 = arith.constant 0 : i32
      %cond3A_255 = arith.cmpi ne, %convert_element_type3A_253, %cond3A_254 : i32
      scf.if %cond3A_255 {
        %dma_start3A = arith.constant 0 : i32
        %dma_start3A_306 = arith.constant 1 : i32
        %dma_start3A_307 = arith.constant 0 : i32
        %dma_start3A_308 = arith.constant 0 : i32
        %dma_start3A_309 = tpu.memref_slice %arg9[%dma_start3A_306, %dma_start3A_307, %dma_start3A_308] : memref<4x128x64xf32, #tpu.memory_space<vmem>> -> memref<1x128x64xf32, #tpu.memory_space<vmem>>
        %dma_start3A_310 = tpu.memref_squeeze %dma_start3A_309 : memref<1x128x64xf32, #tpu.memory_space<vmem>> -> memref<128x64xf32, #tpu.memory_space<vmem>>
        %dma_start3A_311 = arith.constant 0 : i32
        %dma_start3A_312 = tpu.memref_slice %arg8[%add3A_234, %dma_start3A, %dma_start3A_311] : memref<80x2x128xi32, #tpu.memory_space<vmem>> -> memref<1x1x128xi32, #tpu.memory_space<vmem>>
        %dma_start3A_313 = tpu.memref_squeeze %dma_start3A_312 : memref<1x1x128xi32, #tpu.memory_space<vmem>> -> memref<128xi32, #tpu.memory_space<vmem>>
        %dma_start3A_314 = arith.constant 0 : i32
        %dma_start3A_315 = arith.constant 0 : i32
        %dma_start3A_316 = tpu.memref_slice %arg2[%dma_start3A_314, %dma_start3A_315] : memref<10112x64xf32, #tpu.memory_space<hbm>> -> memref<10112x64xf32, #tpu.memory_space<hbm>>
        tpu.enqueue_indirect_dma source(%dma_start3A_316 : memref<10112x64xf32, #tpu.memory_space<hbm>>) target(%dma_start3A_310 : memref<128x64xf32, #tpu.memory_space<vmem>>) offsets(%dma_start3A_313 : memref<128xi32, #tpu.memory_space<vmem>>) semaphore(%arg13 : memref<!tpu.dma_semaphore, #tpu.memory_space<semaphore_mem>>)
      } else {
      }
      %add3A_256 = arith.constant 4 : i32
      %add3A_257 = arith.addi %mul3A_167, %add3A_256 : i32
      %add3A_258 = arith.constant 2 : i32
      %add3A_259 = arith.addi %add3A_257, %add3A_258 : i32
      %ge3A_260 = arith.constant 4 : i32
      %ge3A_261 = arith.cmpi sge, %add3A_259, %ge3A_260 : i32
      %sub3A_262 = arith.constant 4 : i32
      %sub3A_263 = arith.subi %add3A_259, %sub3A_262 : i32
      %mul3A_264 = arith.constant 32 : i32
      %mul3A_265 = arith.muli %sub3A_263, %mul3A_264 : i32
      %add3A_266 = arith.addi %mul3A_265, %add3A : i32
      %lt3A_267 = arith.constant 2500 : i32
      %lt3A_268 = arith.cmpi slt, %add3A_266, %lt3A_267 : i32
      %and3A_269 = arith.andi %ge3A_261, %lt3A_268 : i1
      %convert_element_type3A_270 = arith.extui %and3A_269 : i1 to i32
      %cond3A_271 = arith.constant 0 : i32
      %cond3A_272 = arith.cmpi ne, %convert_element_type3A_270, %cond3A_271 : i32
      scf.if %cond3A_272 {
        %sub3A_306 = arith.constant 4 : i32
        %sub3A_307 = arith.subi %add3A_259, %sub3A_306 : i32
        %dma_wait3A = arith.constant 2 : i32
        %dma_wait3A_308 = arith.constant 1 : i32
        %dma_wait3A_309 = arith.constant 0 : i32
        %dma_wait3A_310 = arith.constant 0 : i32
        %dma_wait3A_311 = tpu.memref_slice %arg9[%dma_wait3A, %dma_wait3A_309, %dma_wait3A_310] : memref<4x128x64xf32, #tpu.memory_space<vmem>> -> memref<1x128x64xf32, #tpu.memory_space<vmem>>
        %dma_wait3A_312 = tpu.memref_squeeze %dma_wait3A_311 : memref<1x128x64xf32, #tpu.memory_space<vmem>> -> memref<128x64xf32, #tpu.memory_space<vmem>>
        %dma_wait3A_313 = arith.constant 0 : i32
        %dma_wait3A_314 = tpu.memref_slice %arg8[%sub3A_307, %dma_wait3A_308, %dma_wait3A_313] : memref<80x2x128xi32, #tpu.memory_space<vmem>> -> memref<1x1x128xi32, #tpu.memory_space<vmem>>
        %dma_wait3A_315 = tpu.memref_squeeze %dma_wait3A_314 : memref<1x1x128xi32, #tpu.memory_space<vmem>> -> memref<128xi32, #tpu.memory_space<vmem>>
        %dma_wait3A_316 = arith.constant 0 : i32
        %dma_wait3A_317 = arith.constant 0 : i32
        %dma_wait3A_318 = tpu.memref_slice %arg10[%dma_wait3A_316, %dma_wait3A_317] : memref<10112x64xf32, #tpu.memory_space<vmem_shared>> -> memref<10112x64xf32, #tpu.memory_space<vmem_shared>>
        tpu.wait_indirect_dma semaphore(%arg18 : memref<!tpu.dma_semaphore, #tpu.memory_space<semaphore_mem>>) src(%dma_wait3A_312 : memref<128x64xf32, #tpu.memory_space<vmem>>) dst(%dma_wait3A_318 : memref<10112x64xf32, #tpu.memory_space<vmem_shared>>)
      } else {
      }
      %mul3A_273 = arith.constant 32 : i32
      %mul3A_274 = arith.muli %add3A_259, %mul3A_273 : i32
      %add3A_275 = arith.addi %mul3A_274, %add3A : i32
      %lt3A_276 = arith.constant 2500 : i32
      %lt3A_277 = arith.cmpi slt, %add3A_275, %lt3A_276 : i32
      %convert_element_type3A_278 = arith.extui %lt3A_277 : i1 to i32
      %cond3A_279 = arith.constant 0 : i32
      %cond3A_280 = arith.cmpi ne, %convert_element_type3A_278, %cond3A_279 : i32
      scf.if %cond3A_280 {
        %dma_start3A = arith.constant 0 : i32
        %dma_start3A_306 = arith.constant 2 : i32
        %dma_start3A_307 = arith.constant 0 : i32
        %dma_start3A_308 = arith.constant 0 : i32
        %dma_start3A_309 = tpu.memref_slice %arg9[%dma_start3A_306, %dma_start3A_307, %dma_start3A_308] : memref<4x128x64xf32, #tpu.memory_space<vmem>> -> memref<1x128x64xf32, #tpu.memory_space<vmem>>
        %dma_start3A_310 = tpu.memref_squeeze %dma_start3A_309 : memref<1x128x64xf32, #tpu.memory_space<vmem>> -> memref<128x64xf32, #tpu.memory_space<vmem>>
        %dma_start3A_311 = arith.constant 0 : i32
        %dma_start3A_312 = tpu.memref_slice %arg8[%add3A_259, %dma_start3A, %dma_start3A_311] : memref<80x2x128xi32, #tpu.memory_space<vmem>> -> memref<1x1x128xi32, #tpu.memory_space<vmem>>
        %dma_start3A_313 = tpu.memref_squeeze %dma_start3A_312 : memref<1x1x128xi32, #tpu.memory_space<vmem>> -> memref<128xi32, #tpu.memory_space<vmem>>
        %dma_start3A_314 = arith.constant 0 : i32
        %dma_start3A_315 = arith.constant 0 : i32
        %dma_start3A_316 = tpu.memref_slice %arg2[%dma_start3A_314, %dma_start3A_315] : memref<10112x64xf32, #tpu.memory_space<hbm>> -> memref<10112x64xf32, #tpu.memory_space<hbm>>
        tpu.enqueue_indirect_dma source(%dma_start3A_316 : memref<10112x64xf32, #tpu.memory_space<hbm>>) target(%dma_start3A_310 : memref<128x64xf32, #tpu.memory_space<vmem>>) offsets(%dma_start3A_313 : memref<128xi32, #tpu.memory_space<vmem>>) semaphore(%arg14 : memref<!tpu.dma_semaphore, #tpu.memory_space<semaphore_mem>>)
      } else {
      }
      %add3A_281 = arith.constant 4 : i32
      %add3A_282 = arith.addi %mul3A_167, %add3A_281 : i32
      %add3A_283 = arith.constant 3 : i32
      %add3A_284 = arith.addi %add3A_282, %add3A_283 : i32
      %ge3A_285 = arith.constant 4 : i32
      %ge3A_286 = arith.cmpi sge, %add3A_284, %ge3A_285 : i32
      %sub3A_287 = arith.constant 4 : i32
      %sub3A_288 = arith.subi %add3A_284, %sub3A_287 : i32
      %mul3A_289 = arith.constant 32 : i32
      %mul3A_290 = arith.muli %sub3A_288, %mul3A_289 : i32
      %add3A_291 = arith.addi %mul3A_290, %add3A : i32
      %lt3A_292 = arith.constant 2500 : i32
      %lt3A_293 = arith.cmpi slt, %add3A_291, %lt3A_292 : i32
      %and3A_294 = arith.andi %ge3A_286, %lt3A_293 : i1
      %convert_element_type3A_295 = arith.extui %and3A_294 : i1 to i32
      %cond3A_296 = arith.constant 0 : i32
      %cond3A_297 = arith.cmpi ne, %convert_element_type3A_295, %cond3A_296 : i32
      scf.if %cond3A_297 {
        %sub3A_306 = arith.constant 4 : i32
        %sub3A_307 = arith.subi %add3A_284, %sub3A_306 : i32
        %dma_wait3A = arith.constant 3 : i32
        %dma_wait3A_308 = arith.constant 1 : i32
        %dma_wait3A_309 = arith.constant 0 : i32
        %dma_wait3A_310 = arith.constant 0 : i32
        %dma_wait3A_311 = tpu.memref_slice %arg9[%dma_wait3A, %dma_wait3A_309, %dma_wait3A_310] : memref<4x128x64xf32, #tpu.memory_space<vmem>> -> memref<1x128x64xf32, #tpu.memory_space<vmem>>
        %dma_wait3A_312 = tpu.memref_squeeze %dma_wait3A_311 : memref<1x128x64xf32, #tpu.memory_space<vmem>> -> memref<128x64xf32, #tpu.memory_space<vmem>>
        %dma_wait3A_313 = arith.constant 0 : i32
        %dma_wait3A_314 = tpu.memref_slice %arg8[%sub3A_307, %dma_wait3A_308, %dma_wait3A_313] : memref<80x2x128xi32, #tpu.memory_space<vmem>> -> memref<1x1x128xi32, #tpu.memory_space<vmem>>
        %dma_wait3A_315 = tpu.memref_squeeze %dma_wait3A_314 : memref<1x1x128xi32, #tpu.memory_space<vmem>> -> memref<128xi32, #tpu.memory_space<vmem>>
        %dma_wait3A_316 = arith.constant 0 : i32
        %dma_wait3A_317 = arith.constant 0 : i32
        %dma_wait3A_318 = tpu.memref_slice %arg10[%dma_wait3A_316, %dma_wait3A_317] : memref<10112x64xf32, #tpu.memory_space<vmem_shared>> -> memref<10112x64xf32, #tpu.memory_space<vmem_shared>>
        tpu.wait_indirect_dma semaphore(%arg19 : memref<!tpu.dma_semaphore, #tpu.memory_space<semaphore_mem>>) src(%dma_wait3A_312 : memref<128x64xf32, #tpu.memory_space<vmem>>) dst(%dma_wait3A_318 : memref<10112x64xf32, #tpu.memory_space<vmem_shared>>)
      } else {
      }
      %mul3A_298 = arith.constant 32 : i32
      %mul3A_299 = arith.muli %add3A_284, %mul3A_298 : i32
      %add3A_300 = arith.addi %mul3A_299, %add3A : i32
      %lt3A_301 = arith.constant 2500 : i32
      %lt3A_302 = arith.cmpi slt, %add3A_300, %lt3A_301 : i32
      %convert_element_type3A_303 = arith.extui %lt3A_302 : i1 to i32
      %cond3A_304 = arith.constant 0 : i32
      %cond3A_305 = arith.cmpi ne, %convert_element_type3A_303, %cond3A_304 : i32
      scf.if %cond3A_305 {
        %dma_start3A = arith.constant 0 : i32
        %dma_start3A_306 = arith.constant 3 : i32
        %dma_start3A_307 = arith.constant 0 : i32
        %dma_start3A_308 = arith.constant 0 : i32
        %dma_start3A_309 = tpu.memref_slice %arg9[%dma_start3A_306, %dma_start3A_307, %dma_start3A_308] : memref<4x128x64xf32, #tpu.memory_space<vmem>> -> memref<1x128x64xf32, #tpu.memory_space<vmem>>
        %dma_start3A_310 = tpu.memref_squeeze %dma_start3A_309 : memref<1x128x64xf32, #tpu.memory_space<vmem>> -> memref<128x64xf32, #tpu.memory_space<vmem>>
        %dma_start3A_311 = arith.constant 0 : i32
        %dma_start3A_312 = tpu.memref_slice %arg8[%add3A_284, %dma_start3A, %dma_start3A_311] : memref<80x2x128xi32, #tpu.memory_space<vmem>> -> memref<1x1x128xi32, #tpu.memory_space<vmem>>
        %dma_start3A_313 = tpu.memref_squeeze %dma_start3A_312 : memref<1x1x128xi32, #tpu.memory_space<vmem>> -> memref<128xi32, #tpu.memory_space<vmem>>
        %dma_start3A_314 = arith.constant 0 : i32
        %dma_start3A_315 = arith.constant 0 : i32
        %dma_start3A_316 = tpu.memref_slice %arg2[%dma_start3A_314, %dma_start3A_315] : memref<10112x64xf32, #tpu.memory_space<hbm>> -> memref<10112x64xf32, #tpu.memory_space<hbm>>
        tpu.enqueue_indirect_dma source(%dma_start3A_316 : memref<10112x64xf32, #tpu.memory_space<hbm>>) target(%dma_start3A_310 : memref<128x64xf32, #tpu.memory_space<vmem>>) offsets(%dma_start3A_313 : memref<128xi32, #tpu.memory_space<vmem>>) semaphore(%arg15 : memref<!tpu.dma_semaphore, #tpu.memory_space<semaphore_mem>>)
      } else {
      }
    }
    %scan3A_79 = arith.constant 20 : i32
    %barrier3A_80 = arith.constant 0 : index
    tpu.barrier barrier_id(%barrier3A_80)
    %mul3A_81 = arith.constant 632 : i32
    %mul3A_82 = arith.muli %arg1, %mul3A_81 : i32
    %mul3A_83 = arith.constant 632 : i32
    %mul3A_84 = arith.muli %arg1, %mul3A_83 : i32
    "tpu.region"() ({
      %run_scoped3A = tpu.sem_alloc : memref<!tpu.dma_semaphore, #tpu.memory_space<semaphore_mem>>
      %dma_start3A = arith.constant 0 : i32
      %dma_start3A_165 = tpu.memref_slice %arg6[%arg0, %mul3A_84, %dma_start3A] : memref<2x10112x64xf32, #tpu.memory_space<hbm>> -> memref<1x632x64xf32, #tpu.memory_space<hbm>>
      %dma_start3A_166 = tpu.memref_squeeze %dma_start3A_165 : memref<1x632x64xf32, #tpu.memory_space<hbm>> -> memref<632x64xf32, #tpu.memory_space<hbm>>
      %dma_start3A_167 = arith.constant 0 : i32
      %dma_start3A_168 = tpu.memref_slice %arg10[%mul3A_82, %dma_start3A_167] : memref<10112x64xf32, #tpu.memory_space<vmem_shared>> -> memref<632x64xf32, #tpu.memory_space<vmem_shared>>
      tpu.enqueue_dma source(%dma_start3A_168 : memref<632x64xf32, #tpu.memory_space<vmem_shared>>) target(%dma_start3A_166 : memref<632x64xf32, #tpu.memory_space<hbm>>) target_semaphore(%run_scoped3A : memref<!tpu.dma_semaphore, #tpu.memory_space<semaphore_mem>>)
      %dma_wait3A = arith.constant 0 : i32
      %dma_wait3A_169 = tpu.memref_slice %arg6[%arg0, %mul3A_84, %dma_wait3A] : memref<2x10112x64xf32, #tpu.memory_space<hbm>> -> memref<1x632x64xf32, #tpu.memory_space<hbm>>
      %dma_wait3A_170 = tpu.memref_squeeze %dma_wait3A_169 : memref<1x632x64xf32, #tpu.memory_space<hbm>> -> memref<632x64xf32, #tpu.memory_space<hbm>>
      %dma_wait3A_171 = arith.constant 0 : i32
      %dma_wait3A_172 = tpu.memref_slice %arg10[%mul3A_82, %dma_wait3A_171] : memref<10112x64xf32, #tpu.memory_space<vmem_shared>> -> memref<632x64xf32, #tpu.memory_space<vmem_shared>>
      tpu.wait_dma2 semaphore(%run_scoped3A : memref<!tpu.dma_semaphore, #tpu.memory_space<semaphore_mem>>) src(%dma_wait3A_172 : memref<632x64xf32, #tpu.memory_space<vmem_shared>>) dst(%dma_wait3A_170 : memref<632x64xf32, #tpu.memory_space<hbm>>)
      tpu.yield
    }) : () -> ()
    %barrier3A_85 = arith.constant 0 : index
    tpu.barrier barrier_id(%barrier3A_85)
    %mul3A_86 = arith.constant 632 : i32
    %mul3A_87 = arith.muli %arg1, %mul3A_86 : i32
    "tpu.region"() ({
      %run_scoped3A = tpu.sem_alloc : memref<!tpu.dma_semaphore, #tpu.memory_space<semaphore_mem>>
      %dma_start3A = arith.constant 0 : i32
      %dma_start3A_165 = tpu.memref_slice %arg10[%mul3A_87, %dma_start3A] : memref<10112x64xf32, #tpu.memory_space<vmem_shared>> -> memref<632x64xf32, #tpu.memory_space<vmem_shared>>
      tpu.enqueue_dma source(%arg5 : memref<632x64xf32, #tpu.memory_space<hbm>>) target(%dma_start3A_165 : memref<632x64xf32, #tpu.memory_space<vmem_shared>>) target_semaphore(%run_scoped3A : memref<!tpu.dma_semaphore, #tpu.memory_space<semaphore_mem>>)
      %dma_wait3A = arith.constant 0 : i32
      %dma_wait3A_166 = tpu.memref_slice %arg10[%mul3A_87, %dma_wait3A] : memref<10112x64xf32, #tpu.memory_space<vmem_shared>> -> memref<632x64xf32, #tpu.memory_space<vmem_shared>>
      tpu.wait_dma2 semaphore(%run_scoped3A : memref<!tpu.dma_semaphore, #tpu.memory_space<semaphore_mem>>) src(%arg5 : memref<632x64xf32, #tpu.memory_space<hbm>>) dst(%dma_wait3A_166 : memref<632x64xf32, #tpu.memory_space<vmem_shared>>)
      tpu.yield
    }) : () -> ()
    %barrier3A_88 = arith.constant 0 : index
    tpu.barrier barrier_id(%barrier3A_88)
    %add3A_89 = arith.constant -128 : i32
    %add3A_90 = arith.addi %add3A_89, %add3A : i32
    %lt3A_91 = arith.constant 2500 : i32
    %lt3A_92 = arith.cmpi slt, %add3A_90, %lt3A_91 : i32
    %and3A_93 = arith.constant false
    %and3A_94 = arith.andi %and3A_93, %lt3A_92 : i1
    %convert_element_type3A_95 = arith.extui %and3A_94 : i1 to i32
    %cond3A_96 = arith.constant 0 : i32
    %cond3A_97 = arith.cmpi ne, %convert_element_type3A_95, %cond3A_96 : i32
    scf.if %cond3A_97 {
      %dma_wait3A = arith.constant 0 : i32
      %dma_wait3A_165 = arith.constant -4 : i32
      %dma_wait3A_166 = arith.constant 1 : i32
      %dma_wait3A_167 = arith.constant 0 : i32
      %dma_wait3A_168 = arith.constant 0 : i32
      %dma_wait3A_169 = tpu.memref_slice %arg9[%dma_wait3A, %dma_wait3A_167, %dma_wait3A_168] : memref<4x128x64xf32, #tpu.memory_space<vmem>> -> memref<1x128x64xf32, #tpu.memory_space<vmem>>
      %dma_wait3A_170 = tpu.memref_squeeze %dma_wait3A_169 : memref<1x128x64xf32, #tpu.memory_space<vmem>> -> memref<128x64xf32, #tpu.memory_space<vmem>>
      %dma_wait3A_171 = arith.constant 0 : i32
      %dma_wait3A_172 = tpu.memref_slice %arg8[%dma_wait3A_165, %dma_wait3A_166, %dma_wait3A_171] : memref<80x2x128xi32, #tpu.memory_space<vmem>> -> memref<1x1x128xi32, #tpu.memory_space<vmem>>
      %dma_wait3A_173 = tpu.memref_squeeze %dma_wait3A_172 : memref<1x1x128xi32, #tpu.memory_space<vmem>> -> memref<128xi32, #tpu.memory_space<vmem>>
      %dma_wait3A_174 = arith.constant 0 : i32
      %dma_wait3A_175 = arith.constant 0 : i32
      %dma_wait3A_176 = tpu.memref_slice %arg10[%dma_wait3A_174, %dma_wait3A_175] : memref<10112x64xf32, #tpu.memory_space<vmem_shared>> -> memref<10112x64xf32, #tpu.memory_space<vmem_shared>>
      tpu.wait_indirect_dma semaphore(%arg16 : memref<!tpu.dma_semaphore, #tpu.memory_space<semaphore_mem>>) src(%dma_wait3A_170 : memref<128x64xf32, #tpu.memory_space<vmem>>) dst(%dma_wait3A_176 : memref<10112x64xf32, #tpu.memory_space<vmem_shared>>)
    } else {
    }
    %add3A_98 = arith.constant 0 : i32
    %add3A_99 = arith.addi %add3A_98, %add3A : i32
    %lt3A_100 = arith.constant 2500 : i32
    %lt3A_101 = arith.cmpi slt, %add3A_99, %lt3A_100 : i32
    %convert_element_type3A_102 = arith.extui %lt3A_101 : i1 to i32
    %cond3A_103 = arith.constant 0 : i32
    %cond3A_104 = arith.cmpi ne, %convert_element_type3A_102, %cond3A_103 : i32
    scf.if %cond3A_104 {
      %dma_start3A = arith.constant 0 : i32
      %dma_start3A_165 = arith.constant 0 : i32
      %dma_start3A_166 = arith.constant 0 : i32
      %dma_start3A_167 = arith.constant 0 : i32
      %dma_start3A_168 = arith.constant 0 : i32
      %dma_start3A_169 = tpu.memref_slice %arg9[%dma_start3A_166, %dma_start3A_167, %dma_start3A_168] : memref<4x128x64xf32, #tpu.memory_space<vmem>> -> memref<1x128x64xf32, #tpu.memory_space<vmem>>
      %dma_start3A_170 = tpu.memref_squeeze %dma_start3A_169 : memref<1x128x64xf32, #tpu.memory_space<vmem>> -> memref<128x64xf32, #tpu.memory_space<vmem>>
      %dma_start3A_171 = arith.constant 0 : i32
      %dma_start3A_172 = tpu.memref_slice %arg8[%dma_start3A, %dma_start3A_165, %dma_start3A_171] : memref<80x2x128xi32, #tpu.memory_space<vmem>> -> memref<1x1x128xi32, #tpu.memory_space<vmem>>
      %dma_start3A_173 = tpu.memref_squeeze %dma_start3A_172 : memref<1x1x128xi32, #tpu.memory_space<vmem>> -> memref<128xi32, #tpu.memory_space<vmem>>
      %dma_start3A_174 = arith.constant 0 : i32
      %dma_start3A_175 = arith.constant 0 : i32
      %dma_start3A_176 = tpu.memref_slice %arg3[%dma_start3A_174, %dma_start3A_175] : memref<10112x64xf32, #tpu.memory_space<hbm>> -> memref<10112x64xf32, #tpu.memory_space<hbm>>
      tpu.enqueue_indirect_dma source(%dma_start3A_176 : memref<10112x64xf32, #tpu.memory_space<hbm>>) target(%dma_start3A_170 : memref<128x64xf32, #tpu.memory_space<vmem>>) offsets(%dma_start3A_173 : memref<128xi32, #tpu.memory_space<vmem>>) semaphore(%arg12 : memref<!tpu.dma_semaphore, #tpu.memory_space<semaphore_mem>>)
    } else {
    }
    %add3A_105 = arith.constant -96 : i32
    %add3A_106 = arith.addi %add3A_105, %add3A : i32
    %lt3A_107 = arith.constant 2500 : i32
    %lt3A_108 = arith.cmpi slt, %add3A_106, %lt3A_107 : i32
    %and3A_109 = arith.constant false
    %and3A_110 = arith.andi %and3A_109, %lt3A_108 : i1
    %convert_element_type3A_111 = arith.extui %and3A_110 : i1 to i32
    %cond3A_112 = arith.constant 0 : i32
    %cond3A_113 = arith.cmpi ne, %convert_element_type3A_111, %cond3A_112 : i32
    scf.if %cond3A_113 {
      %dma_wait3A = arith.constant 1 : i32
      %dma_wait3A_165 = arith.constant -3 : i32
      %dma_wait3A_166 = arith.constant 1 : i32
      %dma_wait3A_167 = arith.constant 0 : i32
      %dma_wait3A_168 = arith.constant 0 : i32
      %dma_wait3A_169 = tpu.memref_slice %arg9[%dma_wait3A, %dma_wait3A_167, %dma_wait3A_168] : memref<4x128x64xf32, #tpu.memory_space<vmem>> -> memref<1x128x64xf32, #tpu.memory_space<vmem>>
      %dma_wait3A_170 = tpu.memref_squeeze %dma_wait3A_169 : memref<1x128x64xf32, #tpu.memory_space<vmem>> -> memref<128x64xf32, #tpu.memory_space<vmem>>
      %dma_wait3A_171 = arith.constant 0 : i32
      %dma_wait3A_172 = tpu.memref_slice %arg8[%dma_wait3A_165, %dma_wait3A_166, %dma_wait3A_171] : memref<80x2x128xi32, #tpu.memory_space<vmem>> -> memref<1x1x128xi32, #tpu.memory_space<vmem>>
      %dma_wait3A_173 = tpu.memref_squeeze %dma_wait3A_172 : memref<1x1x128xi32, #tpu.memory_space<vmem>> -> memref<128xi32, #tpu.memory_space<vmem>>
      %dma_wait3A_174 = arith.constant 0 : i32
      %dma_wait3A_175 = arith.constant 0 : i32
      %dma_wait3A_176 = tpu.memref_slice %arg10[%dma_wait3A_174, %dma_wait3A_175] : memref<10112x64xf32, #tpu.memory_space<vmem_shared>> -> memref<10112x64xf32, #tpu.memory_space<vmem_shared>>
      tpu.wait_indirect_dma semaphore(%arg17 : memref<!tpu.dma_semaphore, #tpu.memory_space<semaphore_mem>>) src(%dma_wait3A_170 : memref<128x64xf32, #tpu.memory_space<vmem>>) dst(%dma_wait3A_176 : memref<10112x64xf32, #tpu.memory_space<vmem_shared>>)
    } else {
    }
    %add3A_114 = arith.constant 32 : i32
    %add3A_115 = arith.addi %add3A_114, %add3A : i32
    %lt3A_116 = arith.constant 2500 : i32
    %lt3A_117 = arith.cmpi slt, %add3A_115, %lt3A_116 : i32
    %convert_element_type3A_118 = arith.extui %lt3A_117 : i1 to i32
    %cond3A_119 = arith.constant 0 : i32
    %cond3A_120 = arith.cmpi ne, %convert_element_type3A_118, %cond3A_119 : i32
    scf.if %cond3A_120 {
      %dma_start3A = arith.constant 1 : i32
      %dma_start3A_165 = arith.constant 0 : i32
      %dma_start3A_166 = arith.constant 1 : i32
      %dma_start3A_167 = arith.constant 0 : i32
      %dma_start3A_168 = arith.constant 0 : i32
      %dma_start3A_169 = tpu.memref_slice %arg9[%dma_start3A_166, %dma_start3A_167, %dma_start3A_168] : memref<4x128x64xf32, #tpu.memory_space<vmem>> -> memref<1x128x64xf32, #tpu.memory_space<vmem>>
      %dma_start3A_170 = tpu.memref_squeeze %dma_start3A_169 : memref<1x128x64xf32, #tpu.memory_space<vmem>> -> memref<128x64xf32, #tpu.memory_space<vmem>>
      %dma_start3A_171 = arith.constant 0 : i32
      %dma_start3A_172 = tpu.memref_slice %arg8[%dma_start3A, %dma_start3A_165, %dma_start3A_171] : memref<80x2x128xi32, #tpu.memory_space<vmem>> -> memref<1x1x128xi32, #tpu.memory_space<vmem>>
      %dma_start3A_173 = tpu.memref_squeeze %dma_start3A_172 : memref<1x1x128xi32, #tpu.memory_space<vmem>> -> memref<128xi32, #tpu.memory_space<vmem>>
      %dma_start3A_174 = arith.constant 0 : i32
      %dma_start3A_175 = arith.constant 0 : i32
      %dma_start3A_176 = tpu.memref_slice %arg3[%dma_start3A_174, %dma_start3A_175] : memref<10112x64xf32, #tpu.memory_space<hbm>> -> memref<10112x64xf32, #tpu.memory_space<hbm>>
      tpu.enqueue_indirect_dma source(%dma_start3A_176 : memref<10112x64xf32, #tpu.memory_space<hbm>>) target(%dma_start3A_170 : memref<128x64xf32, #tpu.memory_space<vmem>>) offsets(%dma_start3A_173 : memref<128xi32, #tpu.memory_space<vmem>>) semaphore(%arg13 : memref<!tpu.dma_semaphore, #tpu.memory_space<semaphore_mem>>)
    } else {
    }
    %add3A_121 = arith.constant -64 : i32
    %add3A_122 = arith.addi %add3A_121, %add3A : i32
    %lt3A_123 = arith.constant 2500 : i32
    %lt3A_124 = arith.cmpi slt, %add3A_122, %lt3A_123 : i32
    %and3A_125 = arith.constant false
    %and3A_126 = arith.andi %and3A_125, %lt3A_124 : i1
    %convert_element_type3A_127 = arith.extui %and3A_126 : i1 to i32
    %cond3A_128 = arith.constant 0 : i32
    %cond3A_129 = arith.cmpi ne, %convert_element_type3A_127, %cond3A_128 : i32
    scf.if %cond3A_129 {
      %dma_wait3A = arith.constant 2 : i32
      %dma_wait3A_165 = arith.constant -2 : i32
      %dma_wait3A_166 = arith.constant 1 : i32
      %dma_wait3A_167 = arith.constant 0 : i32
      %dma_wait3A_168 = arith.constant 0 : i32
      %dma_wait3A_169 = tpu.memref_slice %arg9[%dma_wait3A, %dma_wait3A_167, %dma_wait3A_168] : memref<4x128x64xf32, #tpu.memory_space<vmem>> -> memref<1x128x64xf32, #tpu.memory_space<vmem>>
      %dma_wait3A_170 = tpu.memref_squeeze %dma_wait3A_169 : memref<1x128x64xf32, #tpu.memory_space<vmem>> -> memref<128x64xf32, #tpu.memory_space<vmem>>
      %dma_wait3A_171 = arith.constant 0 : i32
      %dma_wait3A_172 = tpu.memref_slice %arg8[%dma_wait3A_165, %dma_wait3A_166, %dma_wait3A_171] : memref<80x2x128xi32, #tpu.memory_space<vmem>> -> memref<1x1x128xi32, #tpu.memory_space<vmem>>
      %dma_wait3A_173 = tpu.memref_squeeze %dma_wait3A_172 : memref<1x1x128xi32, #tpu.memory_space<vmem>> -> memref<128xi32, #tpu.memory_space<vmem>>
      %dma_wait3A_174 = arith.constant 0 : i32
      %dma_wait3A_175 = arith.constant 0 : i32
      %dma_wait3A_176 = tpu.memref_slice %arg10[%dma_wait3A_174, %dma_wait3A_175] : memref<10112x64xf32, #tpu.memory_space<vmem_shared>> -> memref<10112x64xf32, #tpu.memory_space<vmem_shared>>
      tpu.wait_indirect_dma semaphore(%arg18 : memref<!tpu.dma_semaphore, #tpu.memory_space<semaphore_mem>>) src(%dma_wait3A_170 : memref<128x64xf32, #tpu.memory_space<vmem>>) dst(%dma_wait3A_176 : memref<10112x64xf32, #tpu.memory_space<vmem_shared>>)
    } else {
    }
    %add3A_130 = arith.constant 64 : i32
    %add3A_131 = arith.addi %add3A_130, %add3A : i32
    %lt3A_132 = arith.constant 2500 : i32
    %lt3A_133 = arith.cmpi slt, %add3A_131, %lt3A_132 : i32
    %convert_element_type3A_134 = arith.extui %lt3A_133 : i1 to i32
    %cond3A_135 = arith.constant 0 : i32
    %cond3A_136 = arith.cmpi ne, %convert_element_type3A_134, %cond3A_135 : i32
    scf.if %cond3A_136 {
      %dma_start3A = arith.constant 2 : i32
      %dma_start3A_165 = arith.constant 0 : i32
      %dma_start3A_166 = arith.constant 2 : i32
      %dma_start3A_167 = arith.constant 0 : i32
      %dma_start3A_168 = arith.constant 0 : i32
      %dma_start3A_169 = tpu.memref_slice %arg9[%dma_start3A_166, %dma_start3A_167, %dma_start3A_168] : memref<4x128x64xf32, #tpu.memory_space<vmem>> -> memref<1x128x64xf32, #tpu.memory_space<vmem>>
      %dma_start3A_170 = tpu.memref_squeeze %dma_start3A_169 : memref<1x128x64xf32, #tpu.memory_space<vmem>> -> memref<128x64xf32, #tpu.memory_space<vmem>>
      %dma_start3A_171 = arith.constant 0 : i32
      %dma_start3A_172 = tpu.memref_slice %arg8[%dma_start3A, %dma_start3A_165, %dma_start3A_171] : memref<80x2x128xi32, #tpu.memory_space<vmem>> -> memref<1x1x128xi32, #tpu.memory_space<vmem>>
      %dma_start3A_173 = tpu.memref_squeeze %dma_start3A_172 : memref<1x1x128xi32, #tpu.memory_space<vmem>> -> memref<128xi32, #tpu.memory_space<vmem>>
      %dma_start3A_174 = arith.constant 0 : i32
      %dma_start3A_175 = arith.constant 0 : i32
      %dma_start3A_176 = tpu.memref_slice %arg3[%dma_start3A_174, %dma_start3A_175] : memref<10112x64xf32, #tpu.memory_space<hbm>> -> memref<10112x64xf32, #tpu.memory_space<hbm>>
      tpu.enqueue_indirect_dma source(%dma_start3A_176 : memref<10112x64xf32, #tpu.memory_space<hbm>>) target(%dma_start3A_170 : memref<128x64xf32, #tpu.memory_space<vmem>>) offsets(%dma_start3A_173 : memref<128xi32, #tpu.memory_space<vmem>>) semaphore(%arg14 : memref<!tpu.dma_semaphore, #tpu.memory_space<semaphore_mem>>)
    } else {
    }
    %add3A_137 = arith.constant -32 : i32
    %add3A_138 = arith.addi %add3A_137, %add3A : i32
    %lt3A_139 = arith.constant 2500 : i32
    %lt3A_140 = arith.cmpi slt, %add3A_138, %lt3A_139 : i32
    %and3A_141 = arith.constant false
    %and3A_142 = arith.andi %and3A_141, %lt3A_140 : i1
    %convert_element_type3A_143 = arith.extui %and3A_142 : i1 to i32
    %cond3A_144 = arith.constant 0 : i32
    %cond3A_145 = arith.cmpi ne, %convert_element_type3A_143, %cond3A_144 : i32
    scf.if %cond3A_145 {
      %dma_wait3A = arith.constant 3 : i32
      %dma_wait3A_165 = arith.constant -1 : i32
      %dma_wait3A_166 = arith.constant 1 : i32
      %dma_wait3A_167 = arith.constant 0 : i32
      %dma_wait3A_168 = arith.constant 0 : i32
      %dma_wait3A_169 = tpu.memref_slice %arg9[%dma_wait3A, %dma_wait3A_167, %dma_wait3A_168] : memref<4x128x64xf32, #tpu.memory_space<vmem>> -> memref<1x128x64xf32, #tpu.memory_space<vmem>>
      %dma_wait3A_170 = tpu.memref_squeeze %dma_wait3A_169 : memref<1x128x64xf32, #tpu.memory_space<vmem>> -> memref<128x64xf32, #tpu.memory_space<vmem>>
      %dma_wait3A_171 = arith.constant 0 : i32
      %dma_wait3A_172 = tpu.memref_slice %arg8[%dma_wait3A_165, %dma_wait3A_166, %dma_wait3A_171] : memref<80x2x128xi32, #tpu.memory_space<vmem>> -> memref<1x1x128xi32, #tpu.memory_space<vmem>>
      %dma_wait3A_173 = tpu.memref_squeeze %dma_wait3A_172 : memref<1x1x128xi32, #tpu.memory_space<vmem>> -> memref<128xi32, #tpu.memory_space<vmem>>
      %dma_wait3A_174 = arith.constant 0 : i32
      %dma_wait3A_175 = arith.constant 0 : i32
      %dma_wait3A_176 = tpu.memref_slice %arg10[%dma_wait3A_174, %dma_wait3A_175] : memref<10112x64xf32, #tpu.memory_space<vmem_shared>> -> memref<10112x64xf32, #tpu.memory_space<vmem_shared>>
      tpu.wait_indirect_dma semaphore(%arg19 : memref<!tpu.dma_semaphore, #tpu.memory_space<semaphore_mem>>) src(%dma_wait3A_170 : memref<128x64xf32, #tpu.memory_space<vmem>>) dst(%dma_wait3A_176 : memref<10112x64xf32, #tpu.memory_space<vmem_shared>>)
    } else {
    }
    %add3A_146 = arith.constant 96 : i32
    %add3A_147 = arith.addi %add3A_146, %add3A : i32
    %lt3A_148 = arith.constant 2500 : i32
    %lt3A_149 = arith.cmpi slt, %add3A_147, %lt3A_148 : i32
    %convert_element_type3A_150 = arith.extui %lt3A_149 : i1 to i32
    %cond3A_151 = arith.constant 0 : i32
    %cond3A_152 = arith.cmpi ne, %convert_element_type3A_150, %cond3A_151 : i32
    scf.if %cond3A_152 {
      %dma_start3A = arith.constant 3 : i32
      %dma_start3A_165 = arith.constant 0 : i32
      %dma_start3A_166 = arith.constant 3 : i32
      %dma_start3A_167 = arith.constant 0 : i32
      %dma_start3A_168 = arith.constant 0 : i32
      %dma_start3A_169 = tpu.memref_slice %arg9[%dma_start3A_166, %dma_start3A_167, %dma_start3A_168] : memref<4x128x64xf32, #tpu.memory_space<vmem>> -> memref<1x128x64xf32, #tpu.memory_space<vmem>>
      %dma_start3A_170 = tpu.memref_squeeze %dma_start3A_169 : memref<1x128x64xf32, #tpu.memory_space<vmem>> -> memref<128x64xf32, #tpu.memory_space<vmem>>
      %dma_start3A_171 = arith.constant 0 : i32
      %dma_start3A_172 = tpu.memref_slice %arg8[%dma_start3A, %dma_start3A_165, %dma_start3A_171] : memref<80x2x128xi32, #tpu.memory_space<vmem>> -> memref<1x1x128xi32, #tpu.memory_space<vmem>>
      %dma_start3A_173 = tpu.memref_squeeze %dma_start3A_172 : memref<1x1x128xi32, #tpu.memory_space<vmem>> -> memref<128xi32, #tpu.memory_space<vmem>>
      %dma_start3A_174 = arith.constant 0 : i32
      %dma_start3A_175 = arith.constant 0 : i32
      %dma_start3A_176 = tpu.memref_slice %arg3[%dma_start3A_174, %dma_start3A_175] : memref<10112x64xf32, #tpu.memory_space<hbm>> -> memref<10112x64xf32, #tpu.memory_space<hbm>>
      tpu.enqueue_indirect_dma source(%dma_start3A_176 : memref<10112x64xf32, #tpu.memory_space<hbm>>) target(%dma_start3A_170 : memref<128x64xf32, #tpu.memory_space<vmem>>) offsets(%dma_start3A_173 : memref<128xi32, #tpu.memory_space<vmem>>) semaphore(%arg15 : memref<!tpu.dma_semaphore, #tpu.memory_space<semaphore_mem>>)
    } else {
    }
    %scan3A_153 = arith.constant 0 : i32
    %scan3A_154 = arith.constant 0 : i32
    %scan3A_155 = arith.constant 20 : i32
    %scan3A_156 = arith.addi %scan3A_154, %scan3A_155 : i32
    %scan3A_157 = arith.constant 1 : i32
    scf.for %scan3A_165 = %scan3A_154 to %scan3A_156 step %scan3A_157  : i32 {
      %mul3A_166 = arith.constant 4 : i32
      %mul3A_167 = arith.muli %scan3A_165, %mul3A_166 : i32
      %add3A_168 = arith.constant 0 : i32
      %add3A_169 = arith.addi %mul3A_167, %add3A_168 : i32
      %mul3A_170 = arith.constant 32 : i32
      %mul3A_171 = arith.muli %add3A_169, %mul3A_170 : i32
      %add3A_172 = arith.addi %mul3A_171, %add3A : i32
      %lt3A_173 = arith.constant 2500 : i32
      %lt3A_174 = arith.cmpi slt, %add3A_172, %lt3A_173 : i32
      %convert_element_type3A_175 = arith.extui %lt3A_174 : i1 to i32
      %cond3A_176 = arith.constant 0 : i32
      %cond3A_177 = arith.cmpi ne, %convert_element_type3A_175, %cond3A_176 : i32
      scf.if %cond3A_177 {
        %dma_wait3A = arith.constant 0 : i32
        %dma_wait3A_306 = arith.constant 0 : i32
        %dma_wait3A_307 = arith.constant 0 : i32
        %dma_wait3A_308 = arith.constant 0 : i32
        %dma_wait3A_309 = tpu.memref_slice %arg9[%dma_wait3A_306, %dma_wait3A_307, %dma_wait3A_308] : memref<4x128x64xf32, #tpu.memory_space<vmem>> -> memref<1x128x64xf32, #tpu.memory_space<vmem>>
        %dma_wait3A_310 = tpu.memref_squeeze %dma_wait3A_309 : memref<1x128x64xf32, #tpu.memory_space<vmem>> -> memref<128x64xf32, #tpu.memory_space<vmem>>
        %dma_wait3A_311 = arith.constant 0 : i32
        %dma_wait3A_312 = tpu.memref_slice %arg8[%add3A_169, %dma_wait3A, %dma_wait3A_311] : memref<80x2x128xi32, #tpu.memory_space<vmem>> -> memref<1x1x128xi32, #tpu.memory_space<vmem>>
        %dma_wait3A_313 = tpu.memref_squeeze %dma_wait3A_312 : memref<1x1x128xi32, #tpu.memory_space<vmem>> -> memref<128xi32, #tpu.memory_space<vmem>>
        %dma_wait3A_314 = arith.constant 0 : i32
        %dma_wait3A_315 = arith.constant 0 : i32
        %dma_wait3A_316 = tpu.memref_slice %arg3[%dma_wait3A_314, %dma_wait3A_315] : memref<10112x64xf32, #tpu.memory_space<hbm>> -> memref<10112x64xf32, #tpu.memory_space<hbm>>
        tpu.wait_indirect_dma semaphore(%arg12 : memref<!tpu.dma_semaphore, #tpu.memory_space<semaphore_mem>>) src(%dma_wait3A_316 : memref<10112x64xf32, #tpu.memory_space<hbm>>) dst(%dma_wait3A_310 : memref<128x64xf32, #tpu.memory_space<vmem>>)
        %dma_start3A = arith.constant 0 : i32
        %dma_start3A_317 = arith.constant 1 : i32
        %dma_start3A_318 = arith.constant 0 : i32
        %dma_start3A_319 = arith.constant 0 : i32
        %dma_start3A_320 = tpu.memref_slice %arg9[%dma_start3A, %dma_start3A_318, %dma_start3A_319] : memref<4x128x64xf32, #tpu.memory_space<vmem>> -> memref<1x128x64xf32, #tpu.memory_space<vmem>>
        %dma_start3A_321 = tpu.memref_squeeze %dma_start3A_320 : memref<1x128x64xf32, #tpu.memory_space<vmem>> -> memref<128x64xf32, #tpu.memory_space<vmem>>
        %dma_start3A_322 = arith.constant 0 : i32
        %dma_start3A_323 = tpu.memref_slice %arg8[%add3A_169, %dma_start3A_317, %dma_start3A_322] : memref<80x2x128xi32, #tpu.memory_space<vmem>> -> memref<1x1x128xi32, #tpu.memory_space<vmem>>
        %dma_start3A_324 = tpu.memref_squeeze %dma_start3A_323 : memref<1x1x128xi32, #tpu.memory_space<vmem>> -> memref<128xi32, #tpu.memory_space<vmem>>
        %dma_start3A_325 = arith.constant 0 : i32
        %dma_start3A_326 = arith.constant 0 : i32
        %dma_start3A_327 = tpu.memref_slice %arg10[%dma_start3A_325, %dma_start3A_326] : memref<10112x64xf32, #tpu.memory_space<vmem_shared>> -> memref<10112x64xf32, #tpu.memory_space<vmem_shared>>
        tpu.enqueue_indirect_dma source(%dma_start3A_321 : memref<128x64xf32, #tpu.memory_space<vmem>>) target(%dma_start3A_327 : memref<10112x64xf32, #tpu.memory_space<vmem_shared>>) offsets(%dma_start3A_324 : memref<128xi32, #tpu.memory_space<vmem>>) semaphore(%arg16 : memref<!tpu.dma_semaphore, #tpu.memory_space<semaphore_mem>>) {add = true}
      } else {
      }
      %add3A_178 = arith.constant 1 : i32
      %add3A_179 = arith.addi %mul3A_167, %add3A_178 : i32
      %mul3A_180 = arith.constant 32 : i32
      %mul3A_181 = arith.muli %add3A_179, %mul3A_180 : i32
      %add3A_182 = arith.addi %mul3A_181, %add3A : i32
      %lt3A_183 = arith.constant 2500 : i32
      %lt3A_184 = arith.cmpi slt, %add3A_182, %lt3A_183 : i32
      %convert_element_type3A_185 = arith.extui %lt3A_184 : i1 to i32
      %cond3A_186 = arith.constant 0 : i32
      %cond3A_187 = arith.cmpi ne, %convert_element_type3A_185, %cond3A_186 : i32
      scf.if %cond3A_187 {
        %dma_wait3A = arith.constant 0 : i32
        %dma_wait3A_306 = arith.constant 1 : i32
        %dma_wait3A_307 = arith.constant 0 : i32
        %dma_wait3A_308 = arith.constant 0 : i32
        %dma_wait3A_309 = tpu.memref_slice %arg9[%dma_wait3A_306, %dma_wait3A_307, %dma_wait3A_308] : memref<4x128x64xf32, #tpu.memory_space<vmem>> -> memref<1x128x64xf32, #tpu.memory_space<vmem>>
        %dma_wait3A_310 = tpu.memref_squeeze %dma_wait3A_309 : memref<1x128x64xf32, #tpu.memory_space<vmem>> -> memref<128x64xf32, #tpu.memory_space<vmem>>
        %dma_wait3A_311 = arith.constant 0 : i32
        %dma_wait3A_312 = tpu.memref_slice %arg8[%add3A_179, %dma_wait3A, %dma_wait3A_311] : memref<80x2x128xi32, #tpu.memory_space<vmem>> -> memref<1x1x128xi32, #tpu.memory_space<vmem>>
        %dma_wait3A_313 = tpu.memref_squeeze %dma_wait3A_312 : memref<1x1x128xi32, #tpu.memory_space<vmem>> -> memref<128xi32, #tpu.memory_space<vmem>>
        %dma_wait3A_314 = arith.constant 0 : i32
        %dma_wait3A_315 = arith.constant 0 : i32
        %dma_wait3A_316 = tpu.memref_slice %arg3[%dma_wait3A_314, %dma_wait3A_315] : memref<10112x64xf32, #tpu.memory_space<hbm>> -> memref<10112x64xf32, #tpu.memory_space<hbm>>
        tpu.wait_indirect_dma semaphore(%arg13 : memref<!tpu.dma_semaphore, #tpu.memory_space<semaphore_mem>>) src(%dma_wait3A_316 : memref<10112x64xf32, #tpu.memory_space<hbm>>) dst(%dma_wait3A_310 : memref<128x64xf32, #tpu.memory_space<vmem>>)
        %dma_start3A = arith.constant 1 : i32
        %dma_start3A_317 = arith.constant 1 : i32
        %dma_start3A_318 = arith.constant 0 : i32
        %dma_start3A_319 = arith.constant 0 : i32
        %dma_start3A_320 = tpu.memref_slice %arg9[%dma_start3A, %dma_start3A_318, %dma_start3A_319] : memref<4x128x64xf32, #tpu.memory_space<vmem>> -> memref<1x128x64xf32, #tpu.memory_space<vmem>>
        %dma_start3A_321 = tpu.memref_squeeze %dma_start3A_320 : memref<1x128x64xf32, #tpu.memory_space<vmem>> -> memref<128x64xf32, #tpu.memory_space<vmem>>
        %dma_start3A_322 = arith.constant 0 : i32
        %dma_start3A_323 = tpu.memref_slice %arg8[%add3A_179, %dma_start3A_317, %dma_start3A_322] : memref<80x2x128xi32, #tpu.memory_space<vmem>> -> memref<1x1x128xi32, #tpu.memory_space<vmem>>
        %dma_start3A_324 = tpu.memref_squeeze %dma_start3A_323 : memref<1x1x128xi32, #tpu.memory_space<vmem>> -> memref<128xi32, #tpu.memory_space<vmem>>
        %dma_start3A_325 = arith.constant 0 : i32
        %dma_start3A_326 = arith.constant 0 : i32
        %dma_start3A_327 = tpu.memref_slice %arg10[%dma_start3A_325, %dma_start3A_326] : memref<10112x64xf32, #tpu.memory_space<vmem_shared>> -> memref<10112x64xf32, #tpu.memory_space<vmem_shared>>
        tpu.enqueue_indirect_dma source(%dma_start3A_321 : memref<128x64xf32, #tpu.memory_space<vmem>>) target(%dma_start3A_327 : memref<10112x64xf32, #tpu.memory_space<vmem_shared>>) offsets(%dma_start3A_324 : memref<128xi32, #tpu.memory_space<vmem>>) semaphore(%arg17 : memref<!tpu.dma_semaphore, #tpu.memory_space<semaphore_mem>>) {add = true}
      } else {
      }
      %add3A_188 = arith.constant 2 : i32
      %add3A_189 = arith.addi %mul3A_167, %add3A_188 : i32
      %mul3A_190 = arith.constant 32 : i32
      %mul3A_191 = arith.muli %add3A_189, %mul3A_190 : i32
      %add3A_192 = arith.addi %mul3A_191, %add3A : i32
      %lt3A_193 = arith.constant 2500 : i32
      %lt3A_194 = arith.cmpi slt, %add3A_192, %lt3A_193 : i32
      %convert_element_type3A_195 = arith.extui %lt3A_194 : i1 to i32
      %cond3A_196 = arith.constant 0 : i32
      %cond3A_197 = arith.cmpi ne, %convert_element_type3A_195, %cond3A_196 : i32
      scf.if %cond3A_197 {
        %dma_wait3A = arith.constant 0 : i32
        %dma_wait3A_306 = arith.constant 2 : i32
        %dma_wait3A_307 = arith.constant 0 : i32
        %dma_wait3A_308 = arith.constant 0 : i32
        %dma_wait3A_309 = tpu.memref_slice %arg9[%dma_wait3A_306, %dma_wait3A_307, %dma_wait3A_308] : memref<4x128x64xf32, #tpu.memory_space<vmem>> -> memref<1x128x64xf32, #tpu.memory_space<vmem>>
        %dma_wait3A_310 = tpu.memref_squeeze %dma_wait3A_309 : memref<1x128x64xf32, #tpu.memory_space<vmem>> -> memref<128x64xf32, #tpu.memory_space<vmem>>
        %dma_wait3A_311 = arith.constant 0 : i32
        %dma_wait3A_312 = tpu.memref_slice %arg8[%add3A_189, %dma_wait3A, %dma_wait3A_311] : memref<80x2x128xi32, #tpu.memory_space<vmem>> -> memref<1x1x128xi32, #tpu.memory_space<vmem>>
        %dma_wait3A_313 = tpu.memref_squeeze %dma_wait3A_312 : memref<1x1x128xi32, #tpu.memory_space<vmem>> -> memref<128xi32, #tpu.memory_space<vmem>>
        %dma_wait3A_314 = arith.constant 0 : i32
        %dma_wait3A_315 = arith.constant 0 : i32
        %dma_wait3A_316 = tpu.memref_slice %arg3[%dma_wait3A_314, %dma_wait3A_315] : memref<10112x64xf32, #tpu.memory_space<hbm>> -> memref<10112x64xf32, #tpu.memory_space<hbm>>
        tpu.wait_indirect_dma semaphore(%arg14 : memref<!tpu.dma_semaphore, #tpu.memory_space<semaphore_mem>>) src(%dma_wait3A_316 : memref<10112x64xf32, #tpu.memory_space<hbm>>) dst(%dma_wait3A_310 : memref<128x64xf32, #tpu.memory_space<vmem>>)
        %dma_start3A = arith.constant 2 : i32
        %dma_start3A_317 = arith.constant 1 : i32
        %dma_start3A_318 = arith.constant 0 : i32
        %dma_start3A_319 = arith.constant 0 : i32
        %dma_start3A_320 = tpu.memref_slice %arg9[%dma_start3A, %dma_start3A_318, %dma_start3A_319] : memref<4x128x64xf32, #tpu.memory_space<vmem>> -> memref<1x128x64xf32, #tpu.memory_space<vmem>>
        %dma_start3A_321 = tpu.memref_squeeze %dma_start3A_320 : memref<1x128x64xf32, #tpu.memory_space<vmem>> -> memref<128x64xf32, #tpu.memory_space<vmem>>
        %dma_start3A_322 = arith.constant 0 : i32
        %dma_start3A_323 = tpu.memref_slice %arg8[%add3A_189, %dma_start3A_317, %dma_start3A_322] : memref<80x2x128xi32, #tpu.memory_space<vmem>> -> memref<1x1x128xi32, #tpu.memory_space<vmem>>
        %dma_start3A_324 = tpu.memref_squeeze %dma_start3A_323 : memref<1x1x128xi32, #tpu.memory_space<vmem>> -> memref<128xi32, #tpu.memory_space<vmem>>
        %dma_start3A_325 = arith.constant 0 : i32
        %dma_start3A_326 = arith.constant 0 : i32
        %dma_start3A_327 = tpu.memref_slice %arg10[%dma_start3A_325, %dma_start3A_326] : memref<10112x64xf32, #tpu.memory_space<vmem_shared>> -> memref<10112x64xf32, #tpu.memory_space<vmem_shared>>
        tpu.enqueue_indirect_dma source(%dma_start3A_321 : memref<128x64xf32, #tpu.memory_space<vmem>>) target(%dma_start3A_327 : memref<10112x64xf32, #tpu.memory_space<vmem_shared>>) offsets(%dma_start3A_324 : memref<128xi32, #tpu.memory_space<vmem>>) semaphore(%arg18 : memref<!tpu.dma_semaphore, #tpu.memory_space<semaphore_mem>>) {add = true}
      } else {
      }
      %add3A_198 = arith.constant 3 : i32
      %add3A_199 = arith.addi %mul3A_167, %add3A_198 : i32
      %mul3A_200 = arith.constant 32 : i32
      %mul3A_201 = arith.muli %add3A_199, %mul3A_200 : i32
      %add3A_202 = arith.addi %mul3A_201, %add3A : i32
      %lt3A_203 = arith.constant 2500 : i32
      %lt3A_204 = arith.cmpi slt, %add3A_202, %lt3A_203 : i32
      %convert_element_type3A_205 = arith.extui %lt3A_204 : i1 to i32
      %cond3A_206 = arith.constant 0 : i32
      %cond3A_207 = arith.cmpi ne, %convert_element_type3A_205, %cond3A_206 : i32
      scf.if %cond3A_207 {
        %dma_wait3A = arith.constant 0 : i32
        %dma_wait3A_306 = arith.constant 3 : i32
        %dma_wait3A_307 = arith.constant 0 : i32
        %dma_wait3A_308 = arith.constant 0 : i32
        %dma_wait3A_309 = tpu.memref_slice %arg9[%dma_wait3A_306, %dma_wait3A_307, %dma_wait3A_308] : memref<4x128x64xf32, #tpu.memory_space<vmem>> -> memref<1x128x64xf32, #tpu.memory_space<vmem>>
        %dma_wait3A_310 = tpu.memref_squeeze %dma_wait3A_309 : memref<1x128x64xf32, #tpu.memory_space<vmem>> -> memref<128x64xf32, #tpu.memory_space<vmem>>
        %dma_wait3A_311 = arith.constant 0 : i32
        %dma_wait3A_312 = tpu.memref_slice %arg8[%add3A_199, %dma_wait3A, %dma_wait3A_311] : memref<80x2x128xi32, #tpu.memory_space<vmem>> -> memref<1x1x128xi32, #tpu.memory_space<vmem>>
        %dma_wait3A_313 = tpu.memref_squeeze %dma_wait3A_312 : memref<1x1x128xi32, #tpu.memory_space<vmem>> -> memref<128xi32, #tpu.memory_space<vmem>>
        %dma_wait3A_314 = arith.constant 0 : i32
        %dma_wait3A_315 = arith.constant 0 : i32
        %dma_wait3A_316 = tpu.memref_slice %arg3[%dma_wait3A_314, %dma_wait3A_315] : memref<10112x64xf32, #tpu.memory_space<hbm>> -> memref<10112x64xf32, #tpu.memory_space<hbm>>
        tpu.wait_indirect_dma semaphore(%arg15 : memref<!tpu.dma_semaphore, #tpu.memory_space<semaphore_mem>>) src(%dma_wait3A_316 : memref<10112x64xf32, #tpu.memory_space<hbm>>) dst(%dma_wait3A_310 : memref<128x64xf32, #tpu.memory_space<vmem>>)
        %dma_start3A = arith.constant 3 : i32
        %dma_start3A_317 = arith.constant 1 : i32
        %dma_start3A_318 = arith.constant 0 : i32
        %dma_start3A_319 = arith.constant 0 : i32
        %dma_start3A_320 = tpu.memref_slice %arg9[%dma_start3A, %dma_start3A_318, %dma_start3A_319] : memref<4x128x64xf32, #tpu.memory_space<vmem>> -> memref<1x128x64xf32, #tpu.memory_space<vmem>>
        %dma_start3A_321 = tpu.memref_squeeze %dma_start3A_320 : memref<1x128x64xf32, #tpu.memory_space<vmem>> -> memref<128x64xf32, #tpu.memory_space<vmem>>
        %dma_start3A_322 = arith.constant 0 : i32
        %dma_start3A_323 = tpu.memref_slice %arg8[%add3A_199, %dma_start3A_317, %dma_start3A_322] : memref<80x2x128xi32, #tpu.memory_space<vmem>> -> memref<1x1x128xi32, #tpu.memory_space<vmem>>
        %dma_start3A_324 = tpu.memref_squeeze %dma_start3A_323 : memref<1x1x128xi32, #tpu.memory_space<vmem>> -> memref<128xi32, #tpu.memory_space<vmem>>
        %dma_start3A_325 = arith.constant 0 : i32
        %dma_start3A_326 = arith.constant 0 : i32
        %dma_start3A_327 = tpu.memref_slice %arg10[%dma_start3A_325, %dma_start3A_326] : memref<10112x64xf32, #tpu.memory_space<vmem_shared>> -> memref<10112x64xf32, #tpu.memory_space<vmem_shared>>
        tpu.enqueue_indirect_dma source(%dma_start3A_321 : memref<128x64xf32, #tpu.memory_space<vmem>>) target(%dma_start3A_327 : memref<10112x64xf32, #tpu.memory_space<vmem_shared>>) offsets(%dma_start3A_324 : memref<128xi32, #tpu.memory_space<vmem>>) semaphore(%arg19 : memref<!tpu.dma_semaphore, #tpu.memory_space<semaphore_mem>>) {add = true}
      } else {
      }
      %add3A_208 = arith.constant 4 : i32
      %add3A_209 = arith.addi %mul3A_167, %add3A_208 : i32
      %add3A_210 = arith.constant 0 : i32
      %add3A_211 = arith.addi %add3A_209, %add3A_210 : i32
      %ge3A = arith.constant 4 : i32
      %ge3A_212 = arith.cmpi sge, %add3A_211, %ge3A : i32
      %sub3A = arith.constant 4 : i32
      %sub3A_213 = arith.subi %add3A_211, %sub3A : i32
      %mul3A_214 = arith.constant 32 : i32
      %mul3A_215 = arith.muli %sub3A_213, %mul3A_214 : i32
      %add3A_216 = arith.addi %mul3A_215, %add3A : i32
      %lt3A_217 = arith.constant 2500 : i32
      %lt3A_218 = arith.cmpi slt, %add3A_216, %lt3A_217 : i32
      %and3A_219 = arith.andi %ge3A_212, %lt3A_218 : i1
      %convert_element_type3A_220 = arith.extui %and3A_219 : i1 to i32
      %cond3A_221 = arith.constant 0 : i32
      %cond3A_222 = arith.cmpi ne, %convert_element_type3A_220, %cond3A_221 : i32
      scf.if %cond3A_222 {
        %sub3A_306 = arith.constant 4 : i32
        %sub3A_307 = arith.subi %add3A_211, %sub3A_306 : i32
        %dma_wait3A = arith.constant 0 : i32
        %dma_wait3A_308 = arith.constant 1 : i32
        %dma_wait3A_309 = arith.constant 0 : i32
        %dma_wait3A_310 = arith.constant 0 : i32
        %dma_wait3A_311 = tpu.memref_slice %arg9[%dma_wait3A, %dma_wait3A_309, %dma_wait3A_310] : memref<4x128x64xf32, #tpu.memory_space<vmem>> -> memref<1x128x64xf32, #tpu.memory_space<vmem>>
        %dma_wait3A_312 = tpu.memref_squeeze %dma_wait3A_311 : memref<1x128x64xf32, #tpu.memory_space<vmem>> -> memref<128x64xf32, #tpu.memory_space<vmem>>
        %dma_wait3A_313 = arith.constant 0 : i32
        %dma_wait3A_314 = tpu.memref_slice %arg8[%sub3A_307, %dma_wait3A_308, %dma_wait3A_313] : memref<80x2x128xi32, #tpu.memory_space<vmem>> -> memref<1x1x128xi32, #tpu.memory_space<vmem>>
        %dma_wait3A_315 = tpu.memref_squeeze %dma_wait3A_314 : memref<1x1x128xi32, #tpu.memory_space<vmem>> -> memref<128xi32, #tpu.memory_space<vmem>>
        %dma_wait3A_316 = arith.constant 0 : i32
        %dma_wait3A_317 = arith.constant 0 : i32
        %dma_wait3A_318 = tpu.memref_slice %arg10[%dma_wait3A_316, %dma_wait3A_317] : memref<10112x64xf32, #tpu.memory_space<vmem_shared>> -> memref<10112x64xf32, #tpu.memory_space<vmem_shared>>
        tpu.wait_indirect_dma semaphore(%arg16 : memref<!tpu.dma_semaphore, #tpu.memory_space<semaphore_mem>>) src(%dma_wait3A_312 : memref<128x64xf32, #tpu.memory_space<vmem>>) dst(%dma_wait3A_318 : memref<10112x64xf32, #tpu.memory_space<vmem_shared>>)
      } else {
      }
      %mul3A_223 = arith.constant 32 : i32
      %mul3A_224 = arith.muli %add3A_211, %mul3A_223 : i32
      %add3A_225 = arith.addi %mul3A_224, %add3A : i32
      %lt3A_226 = arith.constant 2500 : i32
      %lt3A_227 = arith.cmpi slt, %add3A_225, %lt3A_226 : i32
      %convert_element_type3A_228 = arith.extui %lt3A_227 : i1 to i32
      %cond3A_229 = arith.constant 0 : i32
      %cond3A_230 = arith.cmpi ne, %convert_element_type3A_228, %cond3A_229 : i32
      scf.if %cond3A_230 {
        %dma_start3A = arith.constant 0 : i32
        %dma_start3A_306 = arith.constant 0 : i32
        %dma_start3A_307 = arith.constant 0 : i32
        %dma_start3A_308 = arith.constant 0 : i32
        %dma_start3A_309 = tpu.memref_slice %arg9[%dma_start3A_306, %dma_start3A_307, %dma_start3A_308] : memref<4x128x64xf32, #tpu.memory_space<vmem>> -> memref<1x128x64xf32, #tpu.memory_space<vmem>>
        %dma_start3A_310 = tpu.memref_squeeze %dma_start3A_309 : memref<1x128x64xf32, #tpu.memory_space<vmem>> -> memref<128x64xf32, #tpu.memory_space<vmem>>
        %dma_start3A_311 = arith.constant 0 : i32
        %dma_start3A_312 = tpu.memref_slice %arg8[%add3A_211, %dma_start3A, %dma_start3A_311] : memref<80x2x128xi32, #tpu.memory_space<vmem>> -> memref<1x1x128xi32, #tpu.memory_space<vmem>>
        %dma_start3A_313 = tpu.memref_squeeze %dma_start3A_312 : memref<1x1x128xi32, #tpu.memory_space<vmem>> -> memref<128xi32, #tpu.memory_space<vmem>>
        %dma_start3A_314 = arith.constant 0 : i32
        %dma_start3A_315 = arith.constant 0 : i32
        %dma_start3A_316 = tpu.memref_slice %arg3[%dma_start3A_314, %dma_start3A_315] : memref<10112x64xf32, #tpu.memory_space<hbm>> -> memref<10112x64xf32, #tpu.memory_space<hbm>>
        tpu.enqueue_indirect_dma source(%dma_start3A_316 : memref<10112x64xf32, #tpu.memory_space<hbm>>) target(%dma_start3A_310 : memref<128x64xf32, #tpu.memory_space<vmem>>) offsets(%dma_start3A_313 : memref<128xi32, #tpu.memory_space<vmem>>) semaphore(%arg12 : memref<!tpu.dma_semaphore, #tpu.memory_space<semaphore_mem>>)
      } else {
      }
      %add3A_231 = arith.constant 4 : i32
      %add3A_232 = arith.addi %mul3A_167, %add3A_231 : i32
      %add3A_233 = arith.constant 1 : i32
      %add3A_234 = arith.addi %add3A_232, %add3A_233 : i32
      %ge3A_235 = arith.constant 4 : i32
      %ge3A_236 = arith.cmpi sge, %add3A_234, %ge3A_235 : i32
      %sub3A_237 = arith.constant 4 : i32
      %sub3A_238 = arith.subi %add3A_234, %sub3A_237 : i32
      %mul3A_239 = arith.constant 32 : i32
      %mul3A_240 = arith.muli %sub3A_238, %mul3A_239 : i32
      %add3A_241 = arith.addi %mul3A_240, %add3A : i32
      %lt3A_242 = arith.constant 2500 : i32
      %lt3A_243 = arith.cmpi slt, %add3A_241, %lt3A_242 : i32
      %and3A_244 = arith.andi %ge3A_236, %lt3A_243 : i1
      %convert_element_type3A_245 = arith.extui %and3A_244 : i1 to i32
      %cond3A_246 = arith.constant 0 : i32
      %cond3A_247 = arith.cmpi ne, %convert_element_type3A_245, %cond3A_246 : i32
      scf.if %cond3A_247 {
        %sub3A_306 = arith.constant 4 : i32
        %sub3A_307 = arith.subi %add3A_234, %sub3A_306 : i32
        %dma_wait3A = arith.constant 1 : i32
        %dma_wait3A_308 = arith.constant 1 : i32
        %dma_wait3A_309 = arith.constant 0 : i32
        %dma_wait3A_310 = arith.constant 0 : i32
        %dma_wait3A_311 = tpu.memref_slice %arg9[%dma_wait3A, %dma_wait3A_309, %dma_wait3A_310] : memref<4x128x64xf32, #tpu.memory_space<vmem>> -> memref<1x128x64xf32, #tpu.memory_space<vmem>>
        %dma_wait3A_312 = tpu.memref_squeeze %dma_wait3A_311 : memref<1x128x64xf32, #tpu.memory_space<vmem>> -> memref<128x64xf32, #tpu.memory_space<vmem>>
        %dma_wait3A_313 = arith.constant 0 : i32
        %dma_wait3A_314 = tpu.memref_slice %arg8[%sub3A_307, %dma_wait3A_308, %dma_wait3A_313] : memref<80x2x128xi32, #tpu.memory_space<vmem>> -> memref<1x1x128xi32, #tpu.memory_space<vmem>>
        %dma_wait3A_315 = tpu.memref_squeeze %dma_wait3A_314 : memref<1x1x128xi32, #tpu.memory_space<vmem>> -> memref<128xi32, #tpu.memory_space<vmem>>
        %dma_wait3A_316 = arith.constant 0 : i32
        %dma_wait3A_317 = arith.constant 0 : i32
        %dma_wait3A_318 = tpu.memref_slice %arg10[%dma_wait3A_316, %dma_wait3A_317] : memref<10112x64xf32, #tpu.memory_space<vmem_shared>> -> memref<10112x64xf32, #tpu.memory_space<vmem_shared>>
        tpu.wait_indirect_dma semaphore(%arg17 : memref<!tpu.dma_semaphore, #tpu.memory_space<semaphore_mem>>) src(%dma_wait3A_312 : memref<128x64xf32, #tpu.memory_space<vmem>>) dst(%dma_wait3A_318 : memref<10112x64xf32, #tpu.memory_space<vmem_shared>>)
      } else {
      }
      %mul3A_248 = arith.constant 32 : i32
      %mul3A_249 = arith.muli %add3A_234, %mul3A_248 : i32
      %add3A_250 = arith.addi %mul3A_249, %add3A : i32
      %lt3A_251 = arith.constant 2500 : i32
      %lt3A_252 = arith.cmpi slt, %add3A_250, %lt3A_251 : i32
      %convert_element_type3A_253 = arith.extui %lt3A_252 : i1 to i32
      %cond3A_254 = arith.constant 0 : i32
      %cond3A_255 = arith.cmpi ne, %convert_element_type3A_253, %cond3A_254 : i32
      scf.if %cond3A_255 {
        %dma_start3A = arith.constant 0 : i32
        %dma_start3A_306 = arith.constant 1 : i32
        %dma_start3A_307 = arith.constant 0 : i32
        %dma_start3A_308 = arith.constant 0 : i32
        %dma_start3A_309 = tpu.memref_slice %arg9[%dma_start3A_306, %dma_start3A_307, %dma_start3A_308] : memref<4x128x64xf32, #tpu.memory_space<vmem>> -> memref<1x128x64xf32, #tpu.memory_space<vmem>>
        %dma_start3A_310 = tpu.memref_squeeze %dma_start3A_309 : memref<1x128x64xf32, #tpu.memory_space<vmem>> -> memref<128x64xf32, #tpu.memory_space<vmem>>
        %dma_start3A_311 = arith.constant 0 : i32
        %dma_start3A_312 = tpu.memref_slice %arg8[%add3A_234, %dma_start3A, %dma_start3A_311] : memref<80x2x128xi32, #tpu.memory_space<vmem>> -> memref<1x1x128xi32, #tpu.memory_space<vmem>>
        %dma_start3A_313 = tpu.memref_squeeze %dma_start3A_312 : memref<1x1x128xi32, #tpu.memory_space<vmem>> -> memref<128xi32, #tpu.memory_space<vmem>>
        %dma_start3A_314 = arith.constant 0 : i32
        %dma_start3A_315 = arith.constant 0 : i32
        %dma_start3A_316 = tpu.memref_slice %arg3[%dma_start3A_314, %dma_start3A_315] : memref<10112x64xf32, #tpu.memory_space<hbm>> -> memref<10112x64xf32, #tpu.memory_space<hbm>>
        tpu.enqueue_indirect_dma source(%dma_start3A_316 : memref<10112x64xf32, #tpu.memory_space<hbm>>) target(%dma_start3A_310 : memref<128x64xf32, #tpu.memory_space<vmem>>) offsets(%dma_start3A_313 : memref<128xi32, #tpu.memory_space<vmem>>) semaphore(%arg13 : memref<!tpu.dma_semaphore, #tpu.memory_space<semaphore_mem>>)
      } else {
      }
      %add3A_256 = arith.constant 4 : i32
      %add3A_257 = arith.addi %mul3A_167, %add3A_256 : i32
      %add3A_258 = arith.constant 2 : i32
      %add3A_259 = arith.addi %add3A_257, %add3A_258 : i32
      %ge3A_260 = arith.constant 4 : i32
      %ge3A_261 = arith.cmpi sge, %add3A_259, %ge3A_260 : i32
      %sub3A_262 = arith.constant 4 : i32
      %sub3A_263 = arith.subi %add3A_259, %sub3A_262 : i32
      %mul3A_264 = arith.constant 32 : i32
      %mul3A_265 = arith.muli %sub3A_263, %mul3A_264 : i32
      %add3A_266 = arith.addi %mul3A_265, %add3A : i32
      %lt3A_267 = arith.constant 2500 : i32
      %lt3A_268 = arith.cmpi slt, %add3A_266, %lt3A_267 : i32
      %and3A_269 = arith.andi %ge3A_261, %lt3A_268 : i1
      %convert_element_type3A_270 = arith.extui %and3A_269 : i1 to i32
      %cond3A_271 = arith.constant 0 : i32
      %cond3A_272 = arith.cmpi ne, %convert_element_type3A_270, %cond3A_271 : i32
      scf.if %cond3A_272 {
        %sub3A_306 = arith.constant 4 : i32
        %sub3A_307 = arith.subi %add3A_259, %sub3A_306 : i32
        %dma_wait3A = arith.constant 2 : i32
        %dma_wait3A_308 = arith.constant 1 : i32
        %dma_wait3A_309 = arith.constant 0 : i32
        %dma_wait3A_310 = arith.constant 0 : i32
        %dma_wait3A_311 = tpu.memref_slice %arg9[%dma_wait3A, %dma_wait3A_309, %dma_wait3A_310] : memref<4x128x64xf32, #tpu.memory_space<vmem>> -> memref<1x128x64xf32, #tpu.memory_space<vmem>>
        %dma_wait3A_312 = tpu.memref_squeeze %dma_wait3A_311 : memref<1x128x64xf32, #tpu.memory_space<vmem>> -> memref<128x64xf32, #tpu.memory_space<vmem>>
        %dma_wait3A_313 = arith.constant 0 : i32
        %dma_wait3A_314 = tpu.memref_slice %arg8[%sub3A_307, %dma_wait3A_308, %dma_wait3A_313] : memref<80x2x128xi32, #tpu.memory_space<vmem>> -> memref<1x1x128xi32, #tpu.memory_space<vmem>>
        %dma_wait3A_315 = tpu.memref_squeeze %dma_wait3A_314 : memref<1x1x128xi32, #tpu.memory_space<vmem>> -> memref<128xi32, #tpu.memory_space<vmem>>
        %dma_wait3A_316 = arith.constant 0 : i32
        %dma_wait3A_317 = arith.constant 0 : i32
        %dma_wait3A_318 = tpu.memref_slice %arg10[%dma_wait3A_316, %dma_wait3A_317] : memref<10112x64xf32, #tpu.memory_space<vmem_shared>> -> memref<10112x64xf32, #tpu.memory_space<vmem_shared>>
        tpu.wait_indirect_dma semaphore(%arg18 : memref<!tpu.dma_semaphore, #tpu.memory_space<semaphore_mem>>) src(%dma_wait3A_312 : memref<128x64xf32, #tpu.memory_space<vmem>>) dst(%dma_wait3A_318 : memref<10112x64xf32, #tpu.memory_space<vmem_shared>>)
      } else {
      }
      %mul3A_273 = arith.constant 32 : i32
      %mul3A_274 = arith.muli %add3A_259, %mul3A_273 : i32
      %add3A_275 = arith.addi %mul3A_274, %add3A : i32
      %lt3A_276 = arith.constant 2500 : i32
      %lt3A_277 = arith.cmpi slt, %add3A_275, %lt3A_276 : i32
      %convert_element_type3A_278 = arith.extui %lt3A_277 : i1 to i32
      %cond3A_279 = arith.constant 0 : i32
      %cond3A_280 = arith.cmpi ne, %convert_element_type3A_278, %cond3A_279 : i32
      scf.if %cond3A_280 {
        %dma_start3A = arith.constant 0 : i32
        %dma_start3A_306 = arith.constant 2 : i32
        %dma_start3A_307 = arith.constant 0 : i32
        %dma_start3A_308 = arith.constant 0 : i32
        %dma_start3A_309 = tpu.memref_slice %arg9[%dma_start3A_306, %dma_start3A_307, %dma_start3A_308] : memref<4x128x64xf32, #tpu.memory_space<vmem>> -> memref<1x128x64xf32, #tpu.memory_space<vmem>>
        %dma_start3A_310 = tpu.memref_squeeze %dma_start3A_309 : memref<1x128x64xf32, #tpu.memory_space<vmem>> -> memref<128x64xf32, #tpu.memory_space<vmem>>
        %dma_start3A_311 = arith.constant 0 : i32
        %dma_start3A_312 = tpu.memref_slice %arg8[%add3A_259, %dma_start3A, %dma_start3A_311] : memref<80x2x128xi32, #tpu.memory_space<vmem>> -> memref<1x1x128xi32, #tpu.memory_space<vmem>>
        %dma_start3A_313 = tpu.memref_squeeze %dma_start3A_312 : memref<1x1x128xi32, #tpu.memory_space<vmem>> -> memref<128xi32, #tpu.memory_space<vmem>>
        %dma_start3A_314 = arith.constant 0 : i32
        %dma_start3A_315 = arith.constant 0 : i32
        %dma_start3A_316 = tpu.memref_slice %arg3[%dma_start3A_314, %dma_start3A_315] : memref<10112x64xf32, #tpu.memory_space<hbm>> -> memref<10112x64xf32, #tpu.memory_space<hbm>>
        tpu.enqueue_indirect_dma source(%dma_start3A_316 : memref<10112x64xf32, #tpu.memory_space<hbm>>) target(%dma_start3A_310 : memref<128x64xf32, #tpu.memory_space<vmem>>) offsets(%dma_start3A_313 : memref<128xi32, #tpu.memory_space<vmem>>) semaphore(%arg14 : memref<!tpu.dma_semaphore, #tpu.memory_space<semaphore_mem>>)
      } else {
      }
      %add3A_281 = arith.constant 4 : i32
      %add3A_282 = arith.addi %mul3A_167, %add3A_281 : i32
      %add3A_283 = arith.constant 3 : i32
      %add3A_284 = arith.addi %add3A_282, %add3A_283 : i32
      %ge3A_285 = arith.constant 4 : i32
      %ge3A_286 = arith.cmpi sge, %add3A_284, %ge3A_285 : i32
      %sub3A_287 = arith.constant 4 : i32
      %sub3A_288 = arith.subi %add3A_284, %sub3A_287 : i32
      %mul3A_289 = arith.constant 32 : i32
      %mul3A_290 = arith.muli %sub3A_288, %mul3A_289 : i32
      %add3A_291 = arith.addi %mul3A_290, %add3A : i32
      %lt3A_292 = arith.constant 2500 : i32
      %lt3A_293 = arith.cmpi slt, %add3A_291, %lt3A_292 : i32
      %and3A_294 = arith.andi %ge3A_286, %lt3A_293 : i1
      %convert_element_type3A_295 = arith.extui %and3A_294 : i1 to i32
      %cond3A_296 = arith.constant 0 : i32
      %cond3A_297 = arith.cmpi ne, %convert_element_type3A_295, %cond3A_296 : i32
      scf.if %cond3A_297 {
        %sub3A_306 = arith.constant 4 : i32
        %sub3A_307 = arith.subi %add3A_284, %sub3A_306 : i32
        %dma_wait3A = arith.constant 3 : i32
        %dma_wait3A_308 = arith.constant 1 : i32
        %dma_wait3A_309 = arith.constant 0 : i32
        %dma_wait3A_310 = arith.constant 0 : i32
        %dma_wait3A_311 = tpu.memref_slice %arg9[%dma_wait3A, %dma_wait3A_309, %dma_wait3A_310] : memref<4x128x64xf32, #tpu.memory_space<vmem>> -> memref<1x128x64xf32, #tpu.memory_space<vmem>>
        %dma_wait3A_312 = tpu.memref_squeeze %dma_wait3A_311 : memref<1x128x64xf32, #tpu.memory_space<vmem>> -> memref<128x64xf32, #tpu.memory_space<vmem>>
        %dma_wait3A_313 = arith.constant 0 : i32
        %dma_wait3A_314 = tpu.memref_slice %arg8[%sub3A_307, %dma_wait3A_308, %dma_wait3A_313] : memref<80x2x128xi32, #tpu.memory_space<vmem>> -> memref<1x1x128xi32, #tpu.memory_space<vmem>>
        %dma_wait3A_315 = tpu.memref_squeeze %dma_wait3A_314 : memref<1x1x128xi32, #tpu.memory_space<vmem>> -> memref<128xi32, #tpu.memory_space<vmem>>
        %dma_wait3A_316 = arith.constant 0 : i32
        %dma_wait3A_317 = arith.constant 0 : i32
        %dma_wait3A_318 = tpu.memref_slice %arg10[%dma_wait3A_316, %dma_wait3A_317] : memref<10112x64xf32, #tpu.memory_space<vmem_shared>> -> memref<10112x64xf32, #tpu.memory_space<vmem_shared>>
        tpu.wait_indirect_dma semaphore(%arg19 : memref<!tpu.dma_semaphore, #tpu.memory_space<semaphore_mem>>) src(%dma_wait3A_312 : memref<128x64xf32, #tpu.memory_space<vmem>>) dst(%dma_wait3A_318 : memref<10112x64xf32, #tpu.memory_space<vmem_shared>>)
      } else {
      }
      %mul3A_298 = arith.constant 32 : i32
      %mul3A_299 = arith.muli %add3A_284, %mul3A_298 : i32
      %add3A_300 = arith.addi %mul3A_299, %add3A : i32
      %lt3A_301 = arith.constant 2500 : i32
      %lt3A_302 = arith.cmpi slt, %add3A_300, %lt3A_301 : i32
      %convert_element_type3A_303 = arith.extui %lt3A_302 : i1 to i32
      %cond3A_304 = arith.constant 0 : i32
      %cond3A_305 = arith.cmpi ne, %convert_element_type3A_303, %cond3A_304 : i32
      scf.if %cond3A_305 {
        %dma_start3A = arith.constant 0 : i32
        %dma_start3A_306 = arith.constant 3 : i32
        %dma_start3A_307 = arith.constant 0 : i32
        %dma_start3A_308 = arith.constant 0 : i32
        %dma_start3A_309 = tpu.memref_slice %arg9[%dma_start3A_306, %dma_start3A_307, %dma_start3A_308] : memref<4x128x64xf32, #tpu.memory_space<vmem>> -> memref<1x128x64xf32, #tpu.memory_space<vmem>>
        %dma_start3A_310 = tpu.memref_squeeze %dma_start3A_309 : memref<1x128x64xf32, #tpu.memory_space<vmem>> -> memref<128x64xf32, #tpu.memory_space<vmem>>
        %dma_start3A_311 = arith.constant 0 : i32
        %dma_start3A_312 = tpu.memref_slice %arg8[%add3A_284, %dma_start3A, %dma_start3A_311] : memref<80x2x128xi32, #tpu.memory_space<vmem>> -> memref<1x1x128xi32, #tpu.memory_space<vmem>>
        %dma_start3A_313 = tpu.memref_squeeze %dma_start3A_312 : memref<1x1x128xi32, #tpu.memory_space<vmem>> -> memref<128xi32, #tpu.memory_space<vmem>>
        %dma_start3A_314 = arith.constant 0 : i32
        %dma_start3A_315 = arith.constant 0 : i32
        %dma_start3A_316 = tpu.memref_slice %arg3[%dma_start3A_314, %dma_start3A_315] : memref<10112x64xf32, #tpu.memory_space<hbm>> -> memref<10112x64xf32, #tpu.memory_space<hbm>>
        tpu.enqueue_indirect_dma source(%dma_start3A_316 : memref<10112x64xf32, #tpu.memory_space<hbm>>) target(%dma_start3A_310 : memref<128x64xf32, #tpu.memory_space<vmem>>) offsets(%dma_start3A_313 : memref<128xi32, #tpu.memory_space<vmem>>) semaphore(%arg15 : memref<!tpu.dma_semaphore, #tpu.memory_space<semaphore_mem>>)
      } else {
      }
    }
    %scan3A_158 = arith.constant 20 : i32
    %barrier3A_159 = arith.constant 0 : index
    tpu.barrier barrier_id(%barrier3A_159)
    %mul3A_160 = arith.constant 632 : i32
    %mul3A_161 = arith.muli %arg1, %mul3A_160 : i32
    %mul3A_162 = arith.constant 632 : i32
    %mul3A_163 = arith.muli %arg1, %mul3A_162 : i32
    "tpu.region"() ({
      %run_scoped3A = tpu.sem_alloc : memref<!tpu.dma_semaphore, #tpu.memory_space<semaphore_mem>>
      %dma_start3A = arith.constant 0 : i32
      %dma_start3A_165 = tpu.memref_slice %arg7[%arg0, %mul3A_163, %dma_start3A] : memref<2x10112x64xf32, #tpu.memory_space<hbm>> -> memref<1x632x64xf32, #tpu.memory_space<hbm>>
      %dma_start3A_166 = tpu.memref_squeeze %dma_start3A_165 : memref<1x632x64xf32, #tpu.memory_space<hbm>> -> memref<632x64xf32, #tpu.memory_space<hbm>>
      %dma_start3A_167 = arith.constant 0 : i32
      %dma_start3A_168 = tpu.memref_slice %arg10[%mul3A_161, %dma_start3A_167] : memref<10112x64xf32, #tpu.memory_space<vmem_shared>> -> memref<632x64xf32, #tpu.memory_space<vmem_shared>>
      tpu.enqueue_dma source(%dma_start3A_168 : memref<632x64xf32, #tpu.memory_space<vmem_shared>>) target(%dma_start3A_166 : memref<632x64xf32, #tpu.memory_space<hbm>>) target_semaphore(%run_scoped3A : memref<!tpu.dma_semaphore, #tpu.memory_space<semaphore_mem>>)
      %dma_wait3A = arith.constant 0 : i32
      %dma_wait3A_169 = tpu.memref_slice %arg7[%arg0, %mul3A_163, %dma_wait3A] : memref<2x10112x64xf32, #tpu.memory_space<hbm>> -> memref<1x632x64xf32, #tpu.memory_space<hbm>>
      %dma_wait3A_170 = tpu.memref_squeeze %dma_wait3A_169 : memref<1x632x64xf32, #tpu.memory_space<hbm>> -> memref<632x64xf32, #tpu.memory_space<hbm>>
      %dma_wait3A_171 = arith.constant 0 : i32
      %dma_wait3A_172 = tpu.memref_slice %arg10[%mul3A_161, %dma_wait3A_171] : memref<10112x64xf32, #tpu.memory_space<vmem_shared>> -> memref<632x64xf32, #tpu.memory_space<vmem_shared>>
      tpu.wait_dma2 semaphore(%run_scoped3A : memref<!tpu.dma_semaphore, #tpu.memory_space<semaphore_mem>>) src(%dma_wait3A_172 : memref<632x64xf32, #tpu.memory_space<vmem_shared>>) dst(%dma_wait3A_170 : memref<632x64xf32, #tpu.memory_space<hbm>>)
      tpu.yield
    }) : () -> ()
    %barrier3A_164 = arith.constant 0 : index
    tpu.barrier barrier_id(%barrier3A_164)
    return
  }
}

module attributes {stable_mosaic.version = 14 : i64} {
  func.func @_tc1_body(%arg0: i32, %arg1: memref<2x1264x8xf32, #tpu.memory_space<vmem>>, %arg2: memref<1264x128xf32, #tpu.memory_space<vmem>>, %arg3: memref<128x128xf32, #tpu.memory_space<vmem>>, %arg4: memref<1264x1xf32, #tpu.memory_space<vmem>>, %arg5: memref<1264x64xf32, #tpu.memory_space<vmem>>, %arg6: memref<1264x64xf32, #tpu.memory_space<vmem>>) attributes {dimension_semantics = [#tpu.dimension_semantics<arbitrary>], iteration_bounds = array<i64: 8>, scalar_prefetch = 0 : i64, scratch_operands = 0 : i64, tpu.core_type = #tpu.core_type<tc>, window_params = [{transform_indices = @transform_0, window_bounds = array<i64: 2, 1264, 8>}, {transform_indices = @transform_1, window_bounds = array<i64: 1264, 128>}, {pipeline_mode = #tpu.pipeline_mode<synchronous>, transform_indices = @transform_2, window_bounds = array<i64: 128, 128>}, {transform_indices = @transform_3, window_bounds = array<i64: 1264, 1>}, {transform_indices = @transform_4, window_bounds = array<i64: 1264, 64>}, {transform_indices = @transform_5, window_bounds = array<i64: 1264, 64>}]} {
    %get3A = arith.constant 0 : index
    %get3A_0 = arith.constant 0 : index
    %get3A_1 = arith.constant 0 : index
    %get3A_2 = vector.load %arg1[%get3A, %get3A_0, %get3A_1] : memref<2x1264x8xf32, #tpu.memory_space<vmem>>, vector<1x1264x8xf32>
    %get3A_3 = vector.shape_cast %get3A_2 : vector<1x1264x8xf32> to vector<1264x8xf32>
    %get3A_4 = arith.constant 1 : index
    %get3A_5 = arith.constant 0 : index
    %get3A_6 = arith.constant 0 : index
    %get3A_7 = vector.load %arg1[%get3A_4, %get3A_5, %get3A_6] : memref<2x1264x8xf32, #tpu.memory_space<vmem>>, vector<1x1264x8xf32>
    %get3A_8 = vector.shape_cast %get3A_7 : vector<1x1264x8xf32> to vector<1264x8xf32>
    %add3A = arith.addf %get3A_3, %get3A_8 : vector<1264x8xf32>
    %slice3A = vector.extract_strided_slice %add3A {offsets = [0, 0], sizes = [1264, 1], strides = [1, 1]} : vector<1264x8xf32> to vector<1264x1xf32>
    %add3A_9 = arith.constant 1.000000e+00 : f32
    %add3A_10 = vector.broadcast %add3A_9 : f32 to vector<1264x1xf32>
    %add3A_11 = arith.addf %slice3A, %add3A_10 : vector<1264x1xf32>
    %rsqrt3A = math.rsqrt %add3A_11 : vector<1264x1xf32>
    %swap3A = arith.constant 0 : index
    %swap3A_12 = arith.constant 0 : index
    %swap3A_13 = vector.load %arg4[%swap3A, %swap3A_12] : memref<1264x1xf32, #tpu.memory_space<vmem>>, vector<1264x1xf32>
    tpu.vector_store %arg4[%swap3A, %swap3A_12], %rsqrt3A {strides = array<i32>} : memref<1264x1xf32, #tpu.memory_space<vmem>>, vector<1264x1xf32>,
    %get3A_14 = arith.constant 0 : index
    %get3A_15 = arith.constant 0 : index
    %get3A_16 = vector.load %arg2[%get3A_14, %get3A_15] : memref<1264x128xf32, #tpu.memory_space<vmem>>, vector<1264x128xf32>
    %get3A_17 = arith.constant 0 : index
    %get3A_18 = arith.constant 0 : index
    %get3A_19 = vector.load %arg3[%get3A_17, %get3A_18] : memref<128x128xf32, #tpu.memory_space<vmem>>, vector<128x128xf32>
    %dot_general3A = arith.constant dense<0.000000e+00> : vector<1264x128xf32>
    %dot_general3A_20 = tpu.matmul %get3A_16, %get3A_19, %dot_general3A {dimension_numbers = #tpu.dot_dimension_numbers<[1], [0], [0], [1], [0, 0, 1, 1], [], []>, transpose_lhs_hint = false} : vector<1264x128xf32>, vector<128x128xf32>, vector<1264x128xf32> -> vector<1264x128xf32>
    %mul3A = vector.broadcast %rsqrt3A : vector<1264x1xf32> to vector<1264x128xf32>
    %mul3A_21 = arith.mulf %dot_general3A_20, %mul3A : vector<1264x128xf32>
    %slice3A_22 = vector.extract_strided_slice %mul3A_21 {offsets = [0, 0], sizes = [1264, 64], strides = [1, 1]} : vector<1264x128xf32> to vector<1264x64xf32>
    %swap3A_23 = arith.constant 0 : index
    %swap3A_24 = arith.constant 0 : index
    %swap3A_25 = vector.load %arg5[%swap3A_23, %swap3A_24] : memref<1264x64xf32, #tpu.memory_space<vmem>>, vector<1264x64xf32>
    tpu.vector_store %arg5[%swap3A_23, %swap3A_24], %slice3A_22 {strides = array<i32>} : memref<1264x64xf32, #tpu.memory_space<vmem>>, vector<1264x64xf32>,
    %slice3A_26 = vector.extract_strided_slice %mul3A_21 {offsets = [0, 64], sizes = [1264, 64], strides = [1, 1]} : vector<1264x128xf32> to vector<1264x64xf32>
    %swap3A_27 = arith.constant 0 : index
    %swap3A_28 = arith.constant 0 : index
    %swap3A_29 = vector.load %arg6[%swap3A_27, %swap3A_28] : memref<1264x64xf32, #tpu.memory_space<vmem>>, vector<1264x64xf32>
    tpu.vector_store %arg6[%swap3A_27, %swap3A_28], %slice3A_26 {strides = array<i32>} : memref<1264x64xf32, #tpu.memory_space<vmem>>, vector<1264x64xf32>,
    return
  }
  func.func @transform_0(%arg0: i32) -> (i32, i32, i32) {
    %c0_i32 = arith.constant 0 : i32
    %c0_i32_0 = arith.constant 0 : i32
    %c0_i32_1 = arith.constant 0 : i32
    return %c0_i32, %arg0, %c0_i32_0 : i32, i32, i32
  }
  func.func @transform_1(%arg0: i32) -> (i32, i32) {
    %c0_i32 = arith.constant 0 : i32
    %c0_i32_0 = arith.constant 0 : i32
    return %arg0, %c0_i32 : i32, i32
  }
  func.func @transform_2(%arg0: i32) -> (i32, i32) {
    %c0_i32 = arith.constant 0 : i32
    %c0_i32_0 = arith.constant 0 : i32
    %c0_i32_1 = arith.constant 0 : i32
    return %c0_i32, %c0_i32_0 : i32, i32
  }
  func.func @transform_3(%arg0: i32) -> (i32, i32) {
    %c0_i32 = arith.constant 0 : i32
    %c0_i32_0 = arith.constant 0 : i32
    return %arg0, %c0_i32 : i32, i32
  }
  func.func @transform_4(%arg0: i32) -> (i32, i32) {
    %c0_i32 = arith.constant 0 : i32
    %c0_i32_0 = arith.constant 0 : i32
    return %arg0, %c0_i32 : i32, i32
  }
  func.func @transform_5(%arg0: i32) -> (i32, i32) {
    %c0_i32 = arith.constant 0 : i32
    %c0_i32_0 = arith.constant 0 : i32
    return %arg0, %c0_i32 : i32, i32
  }
}

module attributes {stable_mosaic.version = 14 : i64} {
  func.func @_tc2_body(%arg0: i32, %arg1: memref<2x1264x64xf32, #tpu.memory_space<vmem>>, %arg2: memref<2x1264x64xf32, #tpu.memory_space<vmem>>, %arg3: memref<1264x64xf32, #tpu.memory_space<vmem>>, %arg4: memref<1264x64xf32, #tpu.memory_space<vmem>>, %arg5: memref<1264x1xf32, #tpu.memory_space<vmem>>, %arg6: memref<1x128xf32, #tpu.memory_space<vmem>>, %arg7: memref<128x128xf32, #tpu.memory_space<vmem>>, %arg8: memref<1x1xf32, #tpu.memory_space<vmem>>, %arg9: memref<1264x64xf32, #tpu.memory_space<vmem>>, %arg10: memref<1264x64xf32, #tpu.memory_space<vmem>>) attributes {dimension_semantics = [#tpu.dimension_semantics<arbitrary>], iteration_bounds = array<i64: 8>, scalar_prefetch = 0 : i64, scratch_operands = 0 : i64, tpu.core_type = #tpu.core_type<tc>, window_params = [{transform_indices = @transform_0, window_bounds = array<i64: 2, 1264, 64>}, {transform_indices = @transform_1, window_bounds = array<i64: 2, 1264, 64>}, {transform_indices = @transform_2, window_bounds = array<i64: 1264, 64>}, {transform_indices = @transform_3, window_bounds = array<i64: 1264, 64>}, {transform_indices = @transform_4, window_bounds = array<i64: 1264, 1>}, {pipeline_mode = #tpu.pipeline_mode<synchronous>, transform_indices = @transform_5, window_bounds = array<i64: 1, 128>}, {pipeline_mode = #tpu.pipeline_mode<synchronous>, transform_indices = @transform_6, window_bounds = array<i64: 128, 128>}, {pipeline_mode = #tpu.pipeline_mode<synchronous>, transform_indices = @transform_7, window_bounds = array<i64: 1, 1>}, {transform_indices = @transform_8, window_bounds = array<i64: 1264, 64>}, {transform_indices = @transform_9, window_bounds = array<i64: 1264, 64>}]} {
    %get3A = arith.constant 0 : index
    %get3A_0 = arith.constant 0 : index
    %get3A_1 = arith.constant 0 : index
    %get3A_2 = vector.load %arg1[%get3A, %get3A_0, %get3A_1] : memref<2x1264x64xf32, #tpu.memory_space<vmem>>, vector<1x1264x64xf32>
    %get3A_3 = vector.shape_cast %get3A_2 : vector<1x1264x64xf32> to vector<1264x64xf32>
    %get3A_4 = arith.constant 1 : index
    %get3A_5 = arith.constant 0 : index
    %get3A_6 = arith.constant 0 : index
    %get3A_7 = vector.load %arg1[%get3A_4, %get3A_5, %get3A_6] : memref<2x1264x64xf32, #tpu.memory_space<vmem>>, vector<1x1264x64xf32>
    %get3A_8 = vector.shape_cast %get3A_7 : vector<1x1264x64xf32> to vector<1264x64xf32>
    %add3A = arith.addf %get3A_3, %get3A_8 : vector<1264x64xf32>
    %get3A_9 = arith.constant 0 : index
    %get3A_10 = arith.constant 0 : index
    %get3A_11 = vector.load %arg3[%get3A_9, %get3A_10] : memref<1264x64xf32, #tpu.memory_space<vmem>>, vector<1264x64xf32>
    %add3A_12 = arith.addf %add3A, %get3A_11 : vector<1264x64xf32>
    %get3A_13 = arith.constant 0 : index
    %get3A_14 = arith.constant 0 : index
    %get3A_15 = arith.constant 0 : index
    %get3A_16 = vector.load %arg2[%get3A_13, %get3A_14, %get3A_15] : memref<2x1264x64xf32, #tpu.memory_space<vmem>>, vector<1x1264x64xf32>
    %get3A_17 = vector.shape_cast %get3A_16 : vector<1x1264x64xf32> to vector<1264x64xf32>
    %get3A_18 = arith.constant 1 : index
    %get3A_19 = arith.constant 0 : index
    %get3A_20 = arith.constant 0 : index
    %get3A_21 = vector.load %arg2[%get3A_18, %get3A_19, %get3A_20] : memref<2x1264x64xf32, #tpu.memory_space<vmem>>, vector<1x1264x64xf32>
    %get3A_22 = vector.shape_cast %get3A_21 : vector<1x1264x64xf32> to vector<1264x64xf32>
    %add3A_23 = arith.addf %get3A_17, %get3A_22 : vector<1264x64xf32>
    %get3A_24 = arith.constant 0 : index
    %get3A_25 = arith.constant 0 : index
    %get3A_26 = vector.load %arg4[%get3A_24, %get3A_25] : memref<1264x64xf32, #tpu.memory_space<vmem>>, vector<1264x64xf32>
    %add3A_27 = arith.addf %add3A_23, %get3A_26 : vector<1264x64xf32>
    %concatenate3A = tpu.concatenate %add3A_12, %add3A_27 in 1 : vector<1264x64xf32>, vector<1264x64xf32> -> vector<1264x128xf32>
    %get3A_28 = arith.constant 0 : index
    %get3A_29 = arith.constant 0 : index
    %get3A_30 = vector.load %arg5[%get3A_28, %get3A_29] : memref<1264x1xf32, #tpu.memory_space<vmem>>, vector<1264x1xf32>
    %mul3A = vector.broadcast %get3A_30 : vector<1264x1xf32> to vector<1264x128xf32>
    %mul3A_31 = arith.mulf %mul3A, %concatenate3A : vector<1264x128xf32>
    %get3A_32 = arith.constant 0 : index
    %get3A_33 = arith.constant 0 : index
    %get3A_34 = vector.load %arg6[%get3A_32, %get3A_33] : memref<1x128xf32, #tpu.memory_space<vmem>>, vector<1x128xf32>
    %add3A_35 = vector.broadcast %get3A_34 : vector<1x128xf32> to vector<1264x128xf32>
    %add3A_36 = arith.addf %mul3A_31, %add3A_35 : vector<1264x128xf32>
    %max3A = arith.constant 0.000000e+00 : f32
    %max3A_37 = vector.broadcast %max3A : f32 to vector<1264x128xf32>
    %max3A_38 = arith.maximumf %add3A_36, %max3A_37 : vector<1264x128xf32>
    %get3A_39 = arith.constant 0 : index
    %get3A_40 = arith.constant 0 : index
    %get3A_41 = vector.load %arg7[%get3A_39, %get3A_40] : memref<128x128xf32, #tpu.memory_space<vmem>>, vector<128x128xf32>
    %dot_general3A = arith.constant dense<0.000000e+00> : vector<1264x128xf32>
    %dot_general3A_42 = tpu.matmul %max3A_38, %get3A_41, %dot_general3A {dimension_numbers = #tpu.dot_dimension_numbers<[1], [0], [0], [1], [0, 0, 1, 1], [], []>, transpose_lhs_hint = false} : vector<1264x128xf32>, vector<128x128xf32>, vector<1264x128xf32> -> vector<1264x128xf32>
    %get3A_43 = arith.constant 0 : index
    %get3A_44 = arith.constant 0 : index
    %get3A_45 = vector.load %arg8[%get3A_43, %get3A_44] : memref<1x1xf32, #tpu.memory_space<vmem>>, vector<1x1xf32>
    %gt3A = arith.constant 0.000000e+00 : f32
    %gt3A_46 = vector.broadcast %gt3A : f32 to vector<1x1xf32>
    %gt3A_47 = arith.cmpf ogt, %get3A_45, %gt3A_46 : vector<1x1xf32>
    %get3A_48 = arith.constant 0 : index
    %get3A_49 = arith.constant 0 : index
    %get3A_50 = vector.load %arg5[%get3A_48, %get3A_49] : memref<1264x1xf32, #tpu.memory_space<vmem>>, vector<1264x1xf32>
    %jit3A = arith.constant 1.000000e+00 : f32
    %broadcast_in_dim3A = vector.shape_cast %gt3A_47 : vector<1x1xi1> to vector<1x1xi1>
    %broadcast_in_dim3A_51 = vector.broadcast %broadcast_in_dim3A : vector<1x1xi1> to vector<1264x1xi1>
    %broadcast_in_dim3A_52 = vector.broadcast %jit3A : f32 to vector<1264x1xf32>
    %select_n3A = arith.select %broadcast_in_dim3A_51, %get3A_50, %broadcast_in_dim3A_52 : vector<1264x1xi1>, vector<1264x1xf32>
    %mul3A_53 = vector.broadcast %select_n3A : vector<1264x1xf32> to vector<1264x128xf32>
    %mul3A_54 = arith.mulf %dot_general3A_42, %mul3A_53 : vector<1264x128xf32>
    %slice3A = vector.extract_strided_slice %mul3A_54 {offsets = [0, 0], sizes = [1264, 64], strides = [1, 1]} : vector<1264x128xf32> to vector<1264x64xf32>
    %swap3A = arith.constant 0 : index
    %swap3A_55 = arith.constant 0 : index
    %swap3A_56 = vector.load %arg9[%swap3A, %swap3A_55] : memref<1264x64xf32, #tpu.memory_space<vmem>>, vector<1264x64xf32>
    tpu.vector_store %arg9[%swap3A, %swap3A_55], %slice3A {strides = array<i32>} : memref<1264x64xf32, #tpu.memory_space<vmem>>, vector<1264x64xf32>,
    %slice3A_57 = vector.extract_strided_slice %mul3A_54 {offsets = [0, 64], sizes = [1264, 64], strides = [1, 1]} : vector<1264x128xf32> to vector<1264x64xf32>
    %swap3A_58 = arith.constant 0 : index
    %swap3A_59 = arith.constant 0 : index
    %swap3A_60 = vector.load %arg10[%swap3A_58, %swap3A_59] : memref<1264x64xf32, #tpu.memory_space<vmem>>, vector<1264x64xf32>
    tpu.vector_store %arg10[%swap3A_58, %swap3A_59], %slice3A_57 {strides = array<i32>} : memref<1264x64xf32, #tpu.memory_space<vmem>>, vector<1264x64xf32>,
    return
  }
  func.func @transform_0(%arg0: i32) -> (i32, i32, i32) {
    %c0_i32 = arith.constant 0 : i32
    %c0_i32_0 = arith.constant 0 : i32
    %c0_i32_1 = arith.constant 0 : i32
    return %c0_i32, %arg0, %c0_i32_0 : i32, i32, i32
  }
  func.func @transform_1(%arg0: i32) -> (i32, i32, i32) {
    %c0_i32 = arith.constant 0 : i32
    %c0_i32_0 = arith.constant 0 : i32
    %c0_i32_1 = arith.constant 0 : i32
    return %c0_i32, %arg0, %c0_i32_0 : i32, i32, i32
  }
  func.func @transform_2(%arg0: i32) -> (i32, i32) {
    %c0_i32 = arith.constant 0 : i32
    %c0_i32_0 = arith.constant 0 : i32
    return %arg0, %c0_i32 : i32, i32
  }
  func.func @transform_3(%arg0: i32) -> (i32, i32) {
    %c0_i32 = arith.constant 0 : i32
    %c0_i32_0 = arith.constant 0 : i32
    return %arg0, %c0_i32 : i32, i32
  }
  func.func @transform_4(%arg0: i32) -> (i32, i32) {
    %c0_i32 = arith.constant 0 : i32
    %c0_i32_0 = arith.constant 0 : i32
    return %arg0, %c0_i32 : i32, i32
  }
  func.func @transform_5(%arg0: i32) -> (i32, i32) {
    %c0_i32 = arith.constant 0 : i32
    %c0_i32_0 = arith.constant 0 : i32
    %c0_i32_1 = arith.constant 0 : i32
    return %c0_i32, %c0_i32_0 : i32, i32
  }
  func.func @transform_6(%arg0: i32) -> (i32, i32) {
    %c0_i32 = arith.constant 0 : i32
    %c0_i32_0 = arith.constant 0 : i32
    %c0_i32_1 = arith.constant 0 : i32
    return %c0_i32, %c0_i32_0 : i32, i32
  }
  func.func @transform_7(%arg0: i32) -> (i32, i32) {
    %c0_i32 = arith.constant 0 : i32
    %c0_i32_0 = arith.constant 0 : i32
    %c0_i32_1 = arith.constant 0 : i32
    return %c0_i32, %c0_i32_0 : i32, i32
  }
  func.func @transform_8(%arg0: i32) -> (i32, i32) {
    %c0_i32 = arith.constant 0 : i32
    %c0_i32_0 = arith.constant 0 : i32
    return %arg0, %c0_i32 : i32, i32
  }
  func.func @transform_9(%arg0: i32) -> (i32, i32) {
    %c0_i32 = arith.constant 0 : i32
    %c0_i32_0 = arith.constant 0 : i32
    return %arg0, %c0_i32 : i32, i32
  }
}

module attributes {stable_mosaic.version = 14 : i64} {
  func.func @_tc4_body(%arg0: i32, %arg1: memref<1264x64xf32, #tpu.memory_space<vmem>>, %arg2: memref<1264x64xf32, #tpu.memory_space<vmem>>, %arg3: memref<128x128xf32, #tpu.memory_space<vmem>>, %arg4: memref<1x128xf32, #tpu.memory_space<vmem>>, %arg5: memref<128x32xf32, #tpu.memory_space<vmem>>, %arg6: memref<1x32xf32, #tpu.memory_space<vmem>>, %arg7: memref<1264x32xf32, #tpu.memory_space<vmem>>) attributes {dimension_semantics = [#tpu.dimension_semantics<arbitrary>], iteration_bounds = array<i64: 8>, scalar_prefetch = 0 : i64, scratch_operands = 0 : i64, tpu.core_type = #tpu.core_type<tc>, window_params = [{transform_indices = @transform_0, window_bounds = array<i64: 1264, 64>}, {transform_indices = @transform_1, window_bounds = array<i64: 1264, 64>}, {pipeline_mode = #tpu.pipeline_mode<synchronous>, transform_indices = @transform_2, window_bounds = array<i64: 128, 128>}, {pipeline_mode = #tpu.pipeline_mode<synchronous>, transform_indices = @transform_3, window_bounds = array<i64: 1, 128>}, {pipeline_mode = #tpu.pipeline_mode<synchronous>, transform_indices = @transform_4, window_bounds = array<i64: 128, 32>}, {pipeline_mode = #tpu.pipeline_mode<synchronous>, transform_indices = @transform_5, window_bounds = array<i64: 1, 32>}, {transform_indices = @transform_6, window_bounds = array<i64: 1264, 32>}]} {
    %get3A = arith.constant 0 : index
    %get3A_0 = arith.constant 0 : index
    %get3A_1 = vector.load %arg1[%get3A, %get3A_0] : memref<1264x64xf32, #tpu.memory_space<vmem>>, vector<1264x64xf32>
    %get3A_2 = arith.constant 0 : index
    %get3A_3 = arith.constant 0 : index
    %get3A_4 = vector.load %arg2[%get3A_2, %get3A_3] : memref<1264x64xf32, #tpu.memory_space<vmem>>, vector<1264x64xf32>
    %concatenate3A = tpu.concatenate %get3A_1, %get3A_4 in 1 : vector<1264x64xf32>, vector<1264x64xf32> -> vector<1264x128xf32>
    %get3A_5 = arith.constant 0 : index
    %get3A_6 = arith.constant 0 : index
    %get3A_7 = vector.load %arg3[%get3A_5, %get3A_6] : memref<128x128xf32, #tpu.memory_space<vmem>>, vector<128x128xf32>
    %dot_general3A = arith.constant dense<0.000000e+00> : vector<1264x128xf32>
    %dot_general3A_8 = tpu.matmul %concatenate3A, %get3A_7, %dot_general3A {dimension_numbers = #tpu.dot_dimension_numbers<[1], [0], [0], [1], [0, 0, 1, 1], [], []>, transpose_lhs_hint = false} : vector<1264x128xf32>, vector<128x128xf32>, vector<1264x128xf32> -> vector<1264x128xf32>
    %get3A_9 = arith.constant 0 : index
    %get3A_10 = arith.constant 0 : index
    %get3A_11 = vector.load %arg4[%get3A_9, %get3A_10] : memref<1x128xf32, #tpu.memory_space<vmem>>, vector<1x128xf32>
    %add3A = vector.broadcast %get3A_11 : vector<1x128xf32> to vector<1264x128xf32>
    %add3A_12 = arith.addf %dot_general3A_8, %add3A : vector<1264x128xf32>
    %max3A = arith.constant 0.000000e+00 : f32
    %max3A_13 = vector.broadcast %max3A : f32 to vector<1264x128xf32>
    %max3A_14 = arith.maximumf %add3A_12, %max3A_13 : vector<1264x128xf32>
    %get3A_15 = arith.constant 0 : index
    %get3A_16 = arith.constant 0 : index
    %get3A_17 = vector.load %arg5[%get3A_15, %get3A_16] : memref<128x32xf32, #tpu.memory_space<vmem>>, vector<128x32xf32>
    %dot_general3A_18 = arith.constant dense<0.000000e+00> : vector<1264x32xf32>
    %dot_general3A_19 = tpu.matmul %max3A_14, %get3A_17, %dot_general3A_18 {dimension_numbers = #tpu.dot_dimension_numbers<[1], [0], [0], [1], [0, 0, 1, 1], [], []>, transpose_lhs_hint = false} : vector<1264x128xf32>, vector<128x32xf32>, vector<1264x32xf32> -> vector<1264x32xf32>
    %get3A_20 = arith.constant 0 : index
    %get3A_21 = arith.constant 0 : index
    %get3A_22 = vector.load %arg6[%get3A_20, %get3A_21] : memref<1x32xf32, #tpu.memory_space<vmem>>, vector<1x32xf32>
    %add3A_23 = vector.broadcast %get3A_22 : vector<1x32xf32> to vector<1264x32xf32>
    %add3A_24 = arith.addf %dot_general3A_19, %add3A_23 : vector<1264x32xf32>
    %logistic3A = arith.negf %add3A_24 : vector<1264x32xf32>
    %logistic3A_25 = math.exp %logistic3A : vector<1264x32xf32>
    %logistic3A_26 = arith.constant 1.000000e+00 : f32
    %logistic3A_27 = vector.broadcast %logistic3A_26 : f32 to vector<1264x32xf32>
    %logistic3A_28 = arith.addf %logistic3A_27, %logistic3A_25 : vector<1264x32xf32>
    %logistic3A_29 = arith.divf %logistic3A_27, %logistic3A_28 : vector<1264x32xf32>
    %swap3A = arith.constant 0 : index
    %swap3A_30 = arith.constant 0 : index
    %swap3A_31 = vector.load %arg7[%swap3A, %swap3A_30] : memref<1264x32xf32, #tpu.memory_space<vmem>>, vector<1264x32xf32>
    tpu.vector_store %arg7[%swap3A, %swap3A_30], %logistic3A_29 {strides = array<i32>} : memref<1264x32xf32, #tpu.memory_space<vmem>>, vector<1264x32xf32>,
    return
  }
  func.func @transform_0(%arg0: i32) -> (i32, i32) {
    %c0_i32 = arith.constant 0 : i32
    %c0_i32_0 = arith.constant 0 : i32
    return %arg0, %c0_i32 : i32, i32
  }
  func.func @transform_1(%arg0: i32) -> (i32, i32) {
    %c0_i32 = arith.constant 0 : i32
    %c0_i32_0 = arith.constant 0 : i32
    return %arg0, %c0_i32 : i32, i32
  }
  func.func @transform_2(%arg0: i32) -> (i32, i32) {
    %c0_i32 = arith.constant 0 : i32
    %c0_i32_0 = arith.constant 0 : i32
    %c0_i32_1 = arith.constant 0 : i32
    return %c0_i32, %c0_i32_0 : i32, i32
  }
  func.func @transform_3(%arg0: i32) -> (i32, i32) {
    %c0_i32 = arith.constant 0 : i32
    %c0_i32_0 = arith.constant 0 : i32
    %c0_i32_1 = arith.constant 0 : i32
    return %c0_i32, %c0_i32_0 : i32, i32
  }
  func.func @transform_4(%arg0: i32) -> (i32, i32) {
    %c0_i32 = arith.constant 0 : i32
    %c0_i32_0 = arith.constant 0 : i32
    %c0_i32_1 = arith.constant 0 : i32
    return %c0_i32, %c0_i32_0 : i32, i32
  }
  func.func @transform_5(%arg0: i32) -> (i32, i32) {
    %c0_i32 = arith.constant 0 : i32
    %c0_i32_0 = arith.constant 0 : i32
    %c0_i32_1 = arith.constant 0 : i32
    return %c0_i32, %c0_i32_0 : i32, i32
  }
  func.func @transform_6(%arg0: i32) -> (i32, i32) {
    %c0_i32 = arith.constant 0 : i32
    %c0_i32_0 = arith.constant 0 : i32
    return %arg0, %c0_i32 : i32, i32
  }
}

</mosaic_0001>

<sc_bundles>
// kernel: closed_call.24.cloned.1.call-start
scs
__scs_entry_jumppad:
0x0: {  	(pc) =	sbr.rel $0x88, $3  }
0x1: {  	(tag) =	ssettag $0x0;
	lr =	simm.s32 $0x1  }
0x2: {  	[smem:$0x3F95] =	sst lr;
	_ =	strace $0xD0000000  }
0x3: {  	_ = 	snop  }
0x4: {  	_ = 	snop  }
0x5: {  	_ = 	snop  }
0x6: {  	_ = 	snop  }
0x7: {  	_ = 	snop  }
__scs_overlays_trampoline_lowered:
0x8: {  	[smem:$0x3FA4] =	sst s0  }
0x9: {  	[smem:$0x3FA5] =	sst s1  }
0xa: {  	[smem:$0x3FA6] =	sst s2  }
0xb: {  	[smem:$0x3FA7] =	sst s3  }
0xc: {  	[smem:$0x3FA8] =	sst s4  }
0xd: {  	[smem:$0x3FA9] =	sst s5  }
0xe: {  	[smem:$0x3FAA] =	sst s6  }
0xf: {  	[smem:$0x3FAB] =	sst s7  }
0x10: {  	[smem:$0x3FAC] =	sst s8  }
0x11: {  	[smem:$0x3FAD] =	sst s9;
	s0 =	simm.s32 @!p0 $0x0  }
0x12: {  	s1 =	sld [smem:$0x3F93];
	s0 =	simm.s32 @p0 $0x1  }
0x13: {  	[smem:$0x3FAE] =	sst s0;
	s0 =	simm.s32 @!p1 $0x0  }
0x14: {  	s2 =	sld [smem:$0x3F92];
	s0 =	simm.s32 @p1 $0x1  }
0x15: {  	[smem:$0x3FAF] =	sst s0;
	s0 =	simm.s32 @!p2 $0x0  }
0x16: {  	s3 =	sld [smem:$0x3FDB];
	s0 =	simm.s32 @p2 $0x1  }
0x17: {  	s4 =	simm.s32 $0x1BF5;
	[smem:$0x3FB1] =	sst s0  }
0x18: {  	s0 =	sld [smem:$0x3F94];
	_ =	swait.ge [sflag:s4], $0x0  }
0x19: {  	s7 =	sld [smem:$0x3F95]  }
0x1a: {  	s8 =	sadd.s32 $0xFFFFE003, lr  }
0x1b: {  	s9 =	sadd.s32 $0xFFFFFEF7, lr;
	s5 =	simm.s32 $0xFFFFFFFF;
	p2 =	slt.u32 s8, $0xFFFFF086  }
0x1c: {  	p1 =	slt.u32 s9, $0xF7A;
	s5 =	simm.s32 @!p2 $0x0  }
0x1d: {  	s5 =	simm.s32 @p1 $0x1;
	p0 =	seq.s32 s7, s2  }
0x1e: {  	s7 =	smul.u32 @!p0 $0xF7A, s2;
	p2 =	seq.s32 @!p0 s5, $0x0  }
0x1f: {  	s9 =	smul.u32 $0xF7A, s1;
	s8 =	simm.s32 @!p0 $0x1BF5;
	p2 =	por !p2, p0  }
0x20: {  	[sflag:s8] =	ssyncset.s32 @!p0 $0xFFFFF086;
	s6 =	sadd.s32 @!p0 s3, s7;
	s7 =	simm.s32 @!p0 $0x108  }
0x21: {  	s3 =	sadd.s32 s3, s9;
	s6 =	sadd.s32 @!p0 $0x88, s6;
	s7 =	simm.s32 @p2 $0x1082  }
0x22: {  	[simem:s7], [sflag:s8] =	dma.local @!p0 [hbm:s6], $0xF7A  }
0x23: {  	s9 =	sor.u32 $0xD0000000, s2;
	s6 =	simm.s32 $0x108;
	_ =	swait.ge @!p0 [sflag:s8], $0x0  }
0x24: {  	s3 =	sadd.s32 $0x88, s3;
	s6 =	simm.s32 @!p1 $0x1082;
	[sflag:s4] =	ssyncset.s32 $0xFFFFF086  }
0x25: {  	[simem:s6], [sflag:s4] =	dma.local [hbm:s3], $0xF7A  }
0x26: {  	[smem:$0x3F95] =	sst s1;
	(tag) =	ssettag s2;
	_ =	strace s9  }
0x27: {  	s1 =	sld [smem:$0x3FA5]  }
0x28: {  	s2 =	sld [smem:$0x3FA6]  }
0x29: {  	s4 =	sld [smem:$0x3FA8]  }
0x2a: {  	p0 =	seq.s32 s5, $0x0;
	s5 =	sld [smem:$0x3FA9]  }
0x2b: {  	s6 =	sld [smem:$0x3FAA]  }
0x2c: {  	s7 =	sld [smem:$0x3FAB]  }
0x2d: {  	s3 =	simm.s32 $0x108;
	s8 =	sld [smem:$0x3FAC]  }
0x2e: {  	s3 =	simm.s32 @!p0 $0x1082;
	s9 =	sld [smem:$0x3FAD]  }
0x2f: {  	lr =	sadd.s32 s0, s3;
	s0 =	sld [smem:$0x3FA4]  }
0x30: {  	s3 =	sld [smem:$0x3FA7]  }
0x31: {  	[smem:$0x3FB0] =	sst s10  }
0x32: {  	s10 =	sld [smem:$0x3FAE];
	_ =	sdelay $0x3  }
0x33: {  	p0 =	seq.s32 s10, $0x1;
	s10 =	sld [smem:$0x3FB0];
	_ =	sdelay $0x3  }
0x34: {  	[smem:$0x3FB0] =	sst s10  }
0x35: {  	s10 =	sld [smem:$0x3FAF];
	_ =	sdelay $0x3  }
0x36: {  	p1 =	seq.s32 s10, $0x1;
	s10 =	sld [smem:$0x3FB0];
	_ =	sdelay $0x3  }
0x37: {  	[smem:$0x3FB0] =	sst s10  }
0x38: {  	s10 =	sld [smem:$0x3FB1]  }
0x39: {  	_ = 	snop;
	(pc) =	sbr.ind lr, $3  }
0x3a: {  	_ = 	snop  }
0x3b: {  	_ = 	snop  }
0x3c: {  	p2 =	seq.s32 s10, $0x1;
	s10 =	sld [smem:$0x3FB0]  }
0x3d: {  	_ =	shalt  }
0x3e: {  	_ =	shalt  }
0x3f: {  	_ =	shalt  }
0x40: {  	_ =	shalt  }
0x41: {  	_ =	shalt  }
0x42: {  	_ =	shalt  }
0x43: {  	_ =	shalt  }
0x44: {  	_ =	shalt  }
0x45: {  	_ =	shalt  }
0x46: {  	_ =	shalt  }
0x47: {  	_ =	shalt  }
0x48: {  	_ =	shalt  }
0x49: {  	_ =	shalt  }
0x4a: {  	_ =	shalt  }
0x4b: {  	_ =	shalt  }
0x4c: {  	_ =	shalt  }
0x4d: {  	_ =	shalt  }
0x4e: {  	_ =	shalt  }
0x4f: {  	_ =	shalt  }
0x50: {  	_ =	shalt  }
0x51: {  	_ =	shalt  }
0x52: {  	_ =	shalt  }
0x53: {  	_ =	shalt  }
0x54: {  	_ =	shalt  }
0x55: {  	_ =	shalt  }
0x56: {  	_ =	shalt  }
0x57: {  	_ =	shalt  }
0x58: {  	_ =	shalt  }
0x59: {  	_ =	shalt  }
0x5a: {  	_ =	shalt  }
0x5b: {  	_ =	shalt  }
0x5c: {  	_ =	shalt  }
0x5d: {  	_ =	shalt  }
0x5e: {  	_ =	shalt  }
0x5f: {  	_ =	shalt  }
0x60: {  	_ =	shalt  }
0x61: {  	_ =	shalt  }
0x62: {  	_ =	shalt  }
0x63: {  	_ =	shalt  }
0x64: {  	_ =	shalt  }
0x65: {  	_ =	shalt  }
0x66: {  	_ =	shalt  }
0x67: {  	_ =	shalt  }
0x68: {  	_ =	shalt  }
0x69: {  	_ =	shalt  }
0x6a: {  	_ =	shalt  }
0x6b: {  	_ =	shalt  }
0x6c: {  	_ =	shalt  }
0x6d: {  	_ =	shalt  }
0x6e: {  	_ =	shalt  }
0x6f: {  	_ =	shalt  }
0x70: {  	_ =	shalt  }
0x71: {  	_ =	shalt  }
0x72: {  	_ =	shalt  }
0x73: {  	_ =	shalt  }
0x74: {  	_ =	shalt  }
0x75: {  	_ =	shalt  }
0x76: {  	_ =	shalt  }
0x77: {  	_ =	shalt  }
0x78: {  	_ =	shalt  }
0x79: {  	_ =	shalt  }
0x7a: {  	_ =	shalt  }
0x7b: {  	_ =	shalt  }
0x7c: {  	_ =	shalt  }
0x7d: {  	_ =	shalt  }
0x7e: {  	_ =	shalt  }
0x7f: {  	_ =	shalt  }
0x80: {  	_ =	shalt  }
0x81: {  	_ =	shalt  }
0x82: {  	_ =	shalt  }
0x83: {  	_ =	shalt  }
0x84: {  	_ =	shalt  }
0x85: {  	_ =	shalt  }
0x86: {  	_ =	shalt  }
0x87: {  	_ =	shalt  }
.Lfunc_end0:
.L_simem_size_0:
called_computation_lowered:
.L_overlay_start_0:
0x88: {  	s2 =	sld [smem:$0x3FD9]  }
0x89: {  	s3 =	sld [smem:$0x3FFE];
	_ =	sdelay $0x1  }
0x8a: {  	s1 =	srdreg.scid  }
0x8b: {  	s0 =	sand.u32 $0x1, s1  }
0x8c: {  	s17 =	sshll.u32 s0, $0xA;
	s2 =	sadd.s32 s3, s2  }
0x8d: {  	s2 =	sadd.s32 s2, s17  }
0x8e: {  	[smem:$0x3FBC] =	sst s2  }
0x8f: {  	_ = 	snop  }
0x90: {  	s2 =	sld [smem:$0x3FC8]  }
0x91: {  	s18 =	sld [smem:$0x3FD0];
	(tm) =	ssettm $0x1  }
0x92: {  	s4 =	sld [smem:$0x3FFB];
	_ =	sdelay $0x3  }
0x93: {  	_ =	strace s4  }
0x94: {  	s4 =	sld [smem:$0x3FFC];
	_ =	sdelay $0x3  }
0x95: {  	_ =	strace s4  }
0x96: {  	s4 =	sld [smem:$0x3FFD];
	_ =	sdelay $0x3  }
0x97: {  	_ =	strace s4  }
0x98: {  	_ =	strace $0x8FFFFFFF  }
0x99: {  	s19 =	sld [smem:$0x3FDB];
	_ =	sdelay $0x1  }
0x9a: {  	s5 =	simm.s32 $_scs_section_size  }
0x9b: {  	s6 =	simm.s32 $_size__tile_overlayer_lowered;
	s7 =	simm.s32 $_tile_overlayer_lowered  }
0x9c: {  	s22 =	simm.s32 $0x1BFF;
	s21 =	sshll.u32 s7, $0x1;
	s4 =	sadd.s32 s5, s19  }
0x9d: {  	s8 =	simm.s32 $0x0;
	s20 =	sshll.u32 s6, $0x1;
	s6 =	sadd.s32 s21, s4  }
0x9e: {  	[timem:s8], [sflag:s22] =	dma.local [hbm:s6], s20  }
0x9f: {  	_ =	swait.ge [sflag:s22], s20  }
0xa0: {  	s5 =	ssub.s32 $0x0, s20;
	[sflag:s22] =	ssyncset.done $0x0  }
0xa1: {  	[sflag:s22] =	ssyncadd.s32 s5;
	_ =	sdelay $0x1  }
0xa2: {  	s23 =	simm.s32 $0x1B8B  }
0xa3: {  	_ =	swait.ge [sflag:s23], $0x1  }
0xa4: {  	[sflag:s23] =	ssyncset.done $0x0  }
0xa5: {  	s25 =	simm.s32 $0x1B8E;
	s24 =	sld [smem:$0x3FFE];
	[sflag:s23] =	ssyncadd.s32 $0xFFFFFFFF  }
0xa6: {  	s26 =	simm.s32 $execute0_lowered;
	[smem:$0x3FD2] =	sst s25  }
0xa7: {  	s6 =	sshll.u32 s26, $0x1;
	_ =	strace $0x80000049;
	[dreg:$0x1] =	wrdreg $0xFFFFFFFF  }
0xa8: {  	s28 =	simm.s32 $_size_execute0_lowered;
	s4 =	sadd.s32 s4, s6;
	[dreg:$0x0] =	wrdreg $0x0  }
0xa9: {  	s6 =	sshll.u32 s28, $0x1;
	[dreg:$0x2] =	wrdreg s4  }
0xaa: {  	[dreg:$0x3] =	wrdreg s6  }
0xab: {  	[dreg:$0x4] =	wrdreg $0xC0  }
0xac: {  	_ =	task [dreg:s8], $0x5FFFF  }
0xad: {  	[dreg:$0x1] =	wrdreg $0xFFFFFFFF  }
0xae: {  	[dreg:$0x0] =	wrdreg $0x60  }
0xaf: {  	[dreg:$0x2] =	wrdreg s24  }
0xb0: {  	[dreg:$0x3] =	wrdreg s2  }
0xb1: {  	[dreg:$0x4] =	wrdreg s18  }
0xb2: {  	[dreg:$0x5] =	wrdreg $0xD0000  }
0xb3: {  	[dreg:$0x6] =	wrdreg $0x9  }
0xb4: {  	_ =	task.clear_ibuf [dreg:s8], $0x7FFFF;
	_ =	strace $0x90000049  }
0xb5: {  	s29 =	simm.s32 $0x9;
	_ =	strace $0x8000004B  }
0xb6: {  	_ =	swait.ge [sflag:s29], $0x1  }
0xb7: {  	[sflag:s29] =	ssyncadd.s32 $0xFFFFFFFF  }
0xb8: {  	_ =	strace $0x9000004B  }
0xb9: {  	_ =	sfence  }
0xba: {  	s30 =	sld [smem:$0x0];
	_ =	sdelay $0x2  }
0xbb: {  	s31 =	sshll.u32 s1, $0xD;
	s1 =	sshrl.u32 s1, $0x2  }
0xbc: {  	s3 =	sand.u32 $0x4000, s31;
	s1 =	sadd.s32 s1, s30  }
0xbd: {  	s0 =	sor.u32 s3, s0;
	s1 =	sshll.u32 s1, $0x11  }
0xbe: {  	s0 =	sor.u32 s1, s0  }
0xbf: {  	s0 =	sadd.s32 $0x8F2B, s0  }
0xc0: {  	[sflag:s0] =	ssyncadd.remote.s32 $0x1  }
0xc1: {  	_ =	sfence.sel $0xFFFF  }
0xc2: {  	[dreg:$0x0] =	wrdreg $0xFFFFFFFF;
	(pc) =	sbr.abs _section_cstart, $3  }
0xc3: {  	[dreg:$0x1] =	wrdreg $0xFFFFFFFF  }
0xc4: {  	_ =	task.clear_ibuf [dreg:s8], $0x2FFFF;
	_ =	strace $0x9FFFFFFF  }
0xc5: {  	(tm) =	ssettm $0x7FFFFFFF  }
tec
execute0_lowered:
.L_overlay_start_1:
0x0: {  	(tag) =	ssettag $0x1  }
0x1: {  	s0 =	rddreg [dreg:$0x0]  }
0x2: {  	s1 =	rddreg [dreg:$0x1]  }
0x3: {  	s3 =	rddreg [dreg:$0x3]  }
0x4: {  	s2 =	srdreg.scid;
	s12 =	stileid.u32;
	s5 =	simm.s32 $0x0  }
0x5: {  	s14 =	simm.s32 $0x1;
	s15 =	simm.s32 $0xA;
	s16 =	simm.s32 $0x80  }
0x6: {  	s17 =	simm.s32 $0x5000;
	s19 =	simm.s32 $0x7000;
	s21 =	simm.s32 $0x9000  }
0x7: {  	s22 =	simm.s32 $0x300;
	s23 =	simm.s32 $0xB000;
	s28 =	simm.s32 $0x7  }
0x8: {  	s29 =	simm.s32 $0x0;
	s2 =	sand.u32 $0x1, s2;
	s4 =	smul.u32 $0x9E00, s12  }
0x9: {  	[smem:$0x7FF] =	sst s5;
	s5 =	sadd.s32 $0x2BA00, s0;
	s6 =	sadd.s32 $0x3F600, s0  }
0xa: {  	s30 =	sshll.u32 s12, $0x5;
	s7 =	smul.u32 $0x9E000, s2;
	_ =	strace $0x8000004A  }
0xb: {  	s8 =	ssub.s32 $0x2, s2;
	s9 =	sshll.u32 s2, $0x4;
	s2 =	sshll.u32 s2, $0x9  }
0xc: {  	s11 =	sshrl.u32 s8, $0x1;
	s26 =	sadd.s32 s2, s1;
	s7 =	sadd.s32 s4, s7  }
0xd: {  	s24 =	ssub.s32 s8, s11;
	s4 =	sadd.s32 s4, s3;
	s13 =	sadd.s32 s30, s26  }
0xe: {  	s26 =	simm.s32 $0x6;
	s10 =	sshrl.u32 s7, $0x3;
	s7 =	sor.u32 s12, s9  }
0xf: {  	[dreg:$0x5] =	wrdreg s4;
	s31 =	smax.u32 s24, $0x1;
	s0 =	sadd.s32 s10, s0  }
0x10: {  	s24 =	simm.s32 $0x2;
	[dreg:$0x8] =	wrdreg s31;
	s25 =	sadd.s32 $0x53200, s0  }
0x11: {  	s8 =	ssub.s32 $0x9C4, s7;
	s0 =	sadd.s32 $0x7AA00, s0;
	[dreg:$0x6] =	wrdreg s25  }
0x12: {  	p0 =	sgt.u32 s7, $0x3;
	[dreg:$0x7] =	wrdreg s0;
	s25 =	simm.s32 $0x3  }
.LBB2_1:
0x13: {  	p2 =	sgt.u32 s7, $0x9C3  }
0x14: {  	p1 =	por $0x1, $0x1;
	s1 =	simm.s32 $0x0;
	s2 =	sadd.s32 $0x20, s7  }
0x15: {  	s4 =	simm.s32 $0x0;
	s0 =	simm.s32 @!p2 $0x0;
	s9 =	simm.s32 @!p1 $0x1  }
0x16: {  	[tilespmem:s1], [sflag:$0x1] =	stream.linear.gather @!p2 [hbm4b:s13+s0], $0x100, $0x38;
	[tilespmem:$0x16E00] =	vst v63  }
0x17: {  	s0 =	simm.s32 $0x1;
	s1 =	sadd.s32 $0x400, s13;
	_ =	swait.ge @!p1 [sflag:s9], $0x100  }
.LBB2_2:
0x18: {  	s10 =	smov.u32 s0;
	s0 =	sadd.s32 $0x1, s0  }
0x19: {  	[sflag:s9] =	ssyncset.done @!p1 $0x0;
	s4 =	sadd.s32 $0x100, s4;
	p3 =	sne.s32 s0, $0x50  }
.Ltmp0:
0x1a: {  	p2 =	sgt.u32 s2, $0x9C3;
	[sflag:s9] =	ssyncadd.s32 @!p1 $0xFFFFFF00;
	(pc) =	sbr.rel @p3 .LBB2_2-.Ltmp0, $4  }
0x1b: {  	s9 =	simm.s32 @!p2 $0x0;
	p1 =	slt.u32 s10, $0x8  }
0x1c: {  	[tilespmem:s4], [sflag:$0x1] =	stream.linear.gather @!p2 [hbm4b:s1+s9], $0x100, $0x38;
	[tilespmem:$0x16E00] =	vst v63  }
0x1d: {  	s9 =	simm.s32 @!p1 $0x1  }
0x1e: {  	s2 =	sadd.s32 $0x20, s2;
	s1 =	sadd.s32 $0x400, s1;
	_ =	swait.ge @!p1 [sflag:s9], $0x100  }
0x1f: {  	[sflag:s9] =	ssyncset.done @!p1 $0x0  }
0x20: {  	[sflag:s9] =	ssyncadd.s32 @!p1 $0xFFFFFF00  }
0x21: {  	_ =	swait.ge [sflag:s14], $0x100  }
0x22: {  	[sflag:s14] =	ssyncset.done $0x0  }
0x23: {  	[sflag:s14] =	ssyncadd.s32 $0xFFFFFF00  }
0x24: {  	_ =	swait.ge [sflag:s14], $0x100  }
0x25: {  	[sflag:s14] =	ssyncset.done $0x0  }
0x26: {  	[sflag:s14] =	ssyncadd.s32 $0xFFFFFF00  }
0x27: {  	_ =	swait.ge [sflag:s14], $0x100  }
0x28: {  	[sflag:s14] =	ssyncset.done $0x0  }
0x29: {  	[sflag:s14] =	ssyncadd.s32 $0xFFFFFF00  }
0x2a: {  	_ =	swait.ge [sflag:s14], $0x100  }
0x2b: {  	[sflag:s14] =	ssyncset.done $0x0  }
0x2c: {  	[sflag:s14] =	ssyncadd.s32 $0xFFFFFF00  }
0x2d: {  	_ =	swait.ge [sflag:s14], $0x100  }
0x2e: {  	[sflag:s14] =	ssyncset.done $0x0  }
0x2f: {  	[sflag:s14] =	ssyncadd.s32 $0xFFFFFF00  }
0x30: {  	_ =	swait.ge [sflag:s14], $0x100  }
0x31: {  	[sflag:s14] =	ssyncset.done $0x0  }
0x32: {  	s0 =	simm.s32 @!p0 $0x1;
	[sflag:s14] =	ssyncadd.s32 $0xFFFFFF00  }
0x33: {  	_ =	swait.ge @!p0 [sflag:s0], $0x100  }
0x34: {  	s1 =	stileid.u32;
	[sflag:s0] =	ssyncset.done @!p0 $0x0  }
0x35: {  	s1 =	sshll.u32 s1, $0x6;
	s9 =	rddreg [dreg:$0x5];
	[sflag:s0] =	ssyncadd.s32 @!p0 $0xFFFFFF00  }
0x36: {  	s30 =	sor.u32 $0x1C0A, s1;
	s31 =	sshrl.u32 s9, $0x3;
	s10 =	rddreg [dreg:$0x2]  }
0x37: {  	[spmem:s31], [sflag:s30] =	dma.local [hbm:s10], $0x13C0  }
0x38: {  	_ =	swait.ge [sflag:s15], $0x13C0  }
0x39: {  	[sflag:s15] =	ssyncset.done $0x0  }
0x3a: {  	[sflag:s15] =	ssyncadd.s32 $0xFFFFEC40  }
0x3b: {  	s0 =	simm.s32 $0x0;
	[bflag:$0x0] =	sbarrier.arrive $0xFFFF  }
0x3c: {  	[tilespmem:s17], [sflag:$0x2] =	stream.indirect.gather [hbm4b:s5+s16], $0x40, s0, s16, $0xb8;
	[tilespmem:$0x16E00] =	vst v63  }
0x3d: {  	s11 =	simm.s32 $0x100  }
0x3e: {  	[tilespmem:s19], [sflag:$0x3] =	stream.indirect.gather [hbm4b:s5+s16], $0x40, s11, s16, $0xb8;
	[tilespmem:$0x16E00] =	vst v63  }
0x3f: {  	s12 =	simm.s32 $0x200  }
0x40: {  	[tilespmem:s21], [sflag:$0x4] =	stream.indirect.gather [hbm4b:s5+s16], $0x40, s12, s16, $0xb8;
	[tilespmem:$0x16E00] =	vst v63  }
0x41: {  	_ = 	snop  }
0x42: {  	[tilespmem:s23], [sflag:$0x5] =	stream.indirect.gather [hbm4b:s5+s16], $0x40, s22, s16, $0xb8;
	[tilespmem:$0x16E00] =	vst v63  }
0x43: {  	_ =	swait.ge [sflag:s24], $0x2000  }
0x44: {  	[sflag:s24] =	ssyncset.done $0x0  }
0x45: {  	s18 =	simm.s32 $0x80;
	[sflag:s24] =	ssyncadd.s32 $0xFFFFE000  }
0x46: {  	[spmem:s3] =	stream.indirect.scatter.add.f32 [tilespmem:s17], [sflag:$0x6], $0x40, s18, s16, $0xb8;
	[tilespmem:$0x16E00] =	vst v63  }
0x47: {  	_ =	swait.ge [sflag:s25], $0x2000  }
0x48: {  	p2 =	sle.u32 s8, $0x40;
	[sflag:s25] =	ssyncset.done $0x0  }
0x49: {  	s20 =	simm.s32 $0x180;
	s2 =	simm.s32 @!p2 $0x4;
	[sflag:s25] =	ssyncadd.s32 $0xFFFFE000  }
0x4a: {  	[spmem:s3] =	stream.indirect.scatter.add.f32 [tilespmem:s19], [sflag:$0x7], $0x40, s20, s16, $0xb8;
	[tilespmem:$0x16E00] =	vst v63  }
0x4b: {  	p1 =	sle.u32 s8, $0x60;
	_ =	swait.ge @!p2 [sflag:s2], $0x2000  }
0x4c: {  	s4 =	simm.s32 @!p2 $0x9000;
	s1 =	simm.s32 @!p2 $0x280;
	[sflag:s2] =	ssyncset.done @!p2 $0x0  }
0x4d: {  	s9 =	simm.s32 @!p2 $0x80;
	[sflag:s2] =	ssyncadd.s32 @!p2 $0xFFFFE000;
	s2 =	simm.s32 @!p1 $0x5  }
0x4e: {  	[spmem:s3] =	stream.indirect.scatter.add.f32 @!p2 [tilespmem:s4], [sflag:$0x8], $0x40, s1, s9, $0xb8;
	[tilespmem:$0x16E00] =	vst v63  }
0x4f: {  	_ =	swait.ge @!p1 [sflag:s2], $0x2000  }
0x50: {  	s1 =	simm.s32 @!p1 $0x380;
	[sflag:s2] =	ssyncset.done @!p1 $0x0  }
0x51: {  	s4 =	simm.s32 @!p1 $0x80;
	[sflag:s2] =	ssyncadd.s32 @!p1 $0xFFFFE000;
	s2 =	simm.s32 @!p1 $0xB000  }
0x52: {  	[spmem:s3] =	stream.indirect.scatter.add.f32 @!p1 [tilespmem:s2], [sflag:$0x9], $0x40, s1, s4, $0xb8;
	[tilespmem:$0x16E00] =	vst v63  }
0x53: {  	p3 =	sle.u32 s8, $0x80;
	_ =	swait.ge [sflag:s26], $0x2000  }
0x54: {  	p4 =	sle.u32 s8, $0xC0;
	s9 =	simm.s32 @!p3 $0x5000;
	[sflag:s26] =	ssyncset.done $0x0  }
0x55: {  	s1 =	simm.s32 @!p3 $0x400;
	s4 =	simm.s32 @!p3 $0x80;
	[sflag:s26] =	ssyncadd.s32 $0xFFFFE000  }
0x56: {  	[tilespmem:s9], [sflag:$0x2] =	stream.indirect.gather @!p3 [hbm4b:s5+s4], $0x40, s1, s4, $0xb8;
	[tilespmem:$0x16E00] =	vst v63  }
0x57: {  	s2 =	simm.s32 $0xE0;
	p3 =	sle.u32 s8, $0xA0;
	_ =	swait.ge [sflag:s28], $0x2000  }
0x58: {  	s9 =	simm.s32 @!p2 $0x8;
	s1 =	simm.s32 @!p3 $0x500;
	[sflag:s28] =	ssyncset.done $0x0  }
0x59: {  	s10 =	simm.s32 @!p3 $0x80;
	s11 =	simm.s32 @!p3 $0x7000;
	[sflag:s28] =	ssyncadd.s32 $0xFFFFE000  }
0x5a: {  	[tilespmem:s11], [sflag:$0x3] =	stream.indirect.gather @!p3 [hbm4b:s5+s10], $0x40, s1, s10, $0xb8;
	[tilespmem:$0x16E00] =	vst v63  }
0x5b: {  	s4 =	simm.s32 $0x1000;
	s1 =	simm.s32 $0x160;
	_ =	swait.ge @!p2 [sflag:s9], $0x2000  }
0x5c: {  	s11 =	simm.s32 @!p4 $0x0;
	s10 =	simm.s32 @!p4 $0x80;
	[sflag:s9] =	ssyncset.done @!p2 $0x0  }
.LBB2_4:
0x5d: {  	[sflag:s9] =	ssyncadd.s32 @!p2 $0xFFFFE000  }
0x5e: {  	s9 =	sadd.s32 @!p4 $0x600, s11;
	s11 =	simm.s32 @!p1 $0x9;
	s18 =	smov.u32 s4  }
0x5f: {  	s4 =	sadd.s32 $0x1000, s4;
	s12 =	simm.s32 @!p4 $0x9000;
	p2 =	sge.u32 s2, s8  }
0x60: {  	[tilespmem:s12], [sflag:$0x4] =	stream.indirect.gather @!p4 [hbm4b:s5+s10], $0x40, s9, s10, $0xb8;
	[tilespmem:$0x16E00] =	vst v63  }
0x61: {  	p3 =	sne.s32 s4, $0x14000;
	s9 =	sshra.s32 s18, $0x2;
	_ =	swait.ge @!p1 [sflag:s11], $0x2000  }
0x62: {  	s0 =	sshra.s32 @!p2 s0, $0x2;
	s2 =	simm.s32 @!p2 $0xB000;
	[sflag:s11] =	ssyncset.done @!p1 $0x0  }
0x63: {  	s0 =	sadd.s32 @!p2 $0x700, s0;
	s10 =	simm.s32 @!p2 $0x80;
	[sflag:s11] =	ssyncadd.s32 @!p1 $0xFFFFE000  }
0x64: {  	[tilespmem:s2], [sflag:$0x5] =	stream.indirect.gather @!p2 [hbm4b:s5+s10], $0x40, s0, s10, $0xb8;
	[tilespmem:$0x16E00] =	vst v63  }
0x65: {  	s10 =	sadd.s32 $0x80, s9;
	s0 =	sadd.s32 $0xFFFFFF60, s1;
	_ =	swait.ge [sflag:s24], $0x2000  }
0x66: {  	p2 =	sge.u32 s0, s8;
	s0 =	smov.u32 s18;
	[sflag:s24] =	ssyncset.done $0x0  }
0x67: {  	s2 =	smov.u32 s1;
	s11 =	sshra.s32 @!p2 s0, $0x2;
	[sflag:s24] =	ssyncadd.s32 $0xFFFFE000  }
0x68: {  	[spmem:s3] =	stream.indirect.scatter.add.f32 [tilespmem:s17], [sflag:$0x6], $0x40, s10, s16, $0xb8;
	[tilespmem:$0x16E00] =	vst v63  }
0x69: {  	s10 =	sadd.s32 @!p2 $0x280, s11;
	s11 =	sadd.s32 $0xFFFFFF80, s1;
	_ =	swait.ge [sflag:s25], $0x2000  }
0x6a: {  	s9 =	sadd.s32 $0x180, s9;
	s12 =	simm.s32 @!p2 $0x4;
	[sflag:s25] =	ssyncset.done $0x0  }
0x6b: {  	p1 =	sge.u32 s11, s8;
	[sflag:s25] =	ssyncadd.s32 $0xFFFFE000  }
0x6c: {  	[spmem:s3] =	stream.indirect.scatter.add.f32 [tilespmem:s19], [sflag:$0x7], $0x40, s9, s16, $0xb8;
	[tilespmem:$0x16E00] =	vst v63  }
0x6d: {  	s11 =	sshra.s32 @!p1 s0, $0x2;
	s9 =	simm.s32 @!p2 $0x9000;
	_ =	swait.ge @!p2 [sflag:s12], $0x2000  }
0x6e: {  	s18 =	simm.s32 @!p2 $0x80;
	s11 =	sadd.s32 @!p1 $0x380, s11;
	[sflag:s12] =	ssyncset.done @!p2 $0x0  }
0x6f: {  	s20 =	sadd.s32 $0xFFFFFFA0, s1;
	[sflag:s12] =	ssyncadd.s32 @!p2 $0xFFFFE000;
	s12 =	simm.s32 @!p1 $0x5  }
0x70: {  	[spmem:s3] =	stream.indirect.scatter.add.f32 @!p2 [tilespmem:s9], [sflag:$0x8], $0x40, s10, s18, $0xb8;
	[tilespmem:$0x16E00] =	vst v63  }
0x71: {  	p4 =	sge.u32 s20, s8;
	s9 =	sadd.s32 $0xFFFFFFC0, s1;
	_ =	swait.ge @!p1 [sflag:s12], $0x2000  }
0x72: {  	s10 =	simm.s32 @!p1 $0x80;
	s18 =	sshra.s32 @!p4 s0, $0x2;
	[sflag:s12] =	ssyncset.done @!p1 $0x0  }
0x73: {  	s18 =	sadd.s32 @!p4 $0x400, s18;
	[sflag:s12] =	ssyncadd.s32 @!p1 $0xFFFFE000;
	s12 =	simm.s32 @!p1 $0xB000  }
0x74: {  	[spmem:s3] =	stream.indirect.scatter.add.f32 @!p1 [tilespmem:s12], [sflag:$0x9], $0x40, s11, s10, $0xb8;
	[tilespmem:$0x16E00] =	vst v63  }
0x75: {  	p5 =	sge.u32 s9, s8;
	_ =	swait.ge [sflag:s26], $0x2000  }
0x76: {  	s9 =	sshra.s32 @!p5 s0, $0x2;
	[sflag:s26] =	ssyncset.done $0x0  }
0x77: {  	s10 =	simm.s32 @!p4 $0x80;
	s11 =	simm.s32 @!p4 $0x5000;
	[sflag:s26] =	ssyncadd.s32 $0xFFFFE000  }
0x78: {  	[tilespmem:s11], [sflag:$0x2] =	stream.indirect.gather @!p4 [hbm4b:s5+s10], $0x40, s18, s10, $0xb8;
	[tilespmem:$0x16E00] =	vst v63  }
0x79: {  	s10 =	sadd.s32 @!p5 $0x500, s9;
	s9 =	simm.s32 @!p2 $0x8;
	_ =	swait.ge [sflag:s28], $0x2000  }
.Ltmp1:
0x7a: {  	s11 =	sadd.s32 $0xFFFFFFE0, s1;
	[sflag:s28] =	ssyncset.done $0x0;
	(pc) =	sbr.rel @p3 .LBB2_4-.Ltmp1, $4  }
0x7b: {  	s12 =	simm.s32 @!p5 $0x80;
	s18 =	simm.s32 @!p5 $0x7000;
	[sflag:s28] =	ssyncadd.s32 $0xFFFFE000  }
0x7c: {  	[tilespmem:s18], [sflag:$0x3] =	stream.indirect.gather @!p5 [hbm4b:s5+s12], $0x40, s10, s12, $0xb8;
	[tilespmem:$0x16E00] =	vst v63  }
0x7d: {  	s1 =	sadd.s32 $0x80, s1;
	p4 =	sge.u32 s11, s8;
	_ =	swait.ge @!p2 [sflag:s9], $0x2000  }
0x7e: {  	s11 =	sshra.s32 @!p4 s0, $0x2;
	s10 =	simm.s32 @!p4 $0x80;
	[sflag:s9] =	ssyncset.done @!p2 $0x0  }
0x7f: {  	[sflag:s9] =	ssyncadd.s32 @!p2 $0xFFFFE000  }
0x80: {  	s1 =	sadd.s32 @!p4 $0x600, s11;
	s4 =	simm.s32 @!p1 $0x9;
	s9 =	simm.s32 @!p4 $0x9000  }
0x81: {  	[tilespmem:s9], [sflag:$0x4] =	stream.indirect.gather @!p4 [hbm4b:s5+s10], $0x40, s1, s10, $0xb8;
	[tilespmem:$0x16E00] =	vst v63  }
0x82: {  	p2 =	sge.u32 s2, s8;
	_ =	swait.ge @!p1 [sflag:s4], $0x2000  }
0x83: {  	s0 =	sshra.s32 @!p2 s0, $0x2;
	s1 =	simm.s32 @!p2 $0xB000;
	[sflag:s4] =	ssyncset.done @!p1 $0x0  }
0x84: {  	s2 =	simm.s32 @!p2 $0x80;
	s0 =	sadd.s32 @!p2 $0x700, s0;
	[sflag:s4] =	ssyncadd.s32 @!p1 $0xFFFFE000  }
0x85: {  	[tilespmem:s1], [sflag:$0x5] =	stream.indirect.gather @!p2 [hbm4b:s5+s2], $0x40, s0, s2, $0xb8;
	[tilespmem:$0x16E00] =	vst v63  }
0x86: {  	[bflag:$0x0] =	sbarrier.arrive $0xFFFF  }
0x87: {  	s9 =	rddreg [dreg:$0x6]  }
0x88: {  	[hbm:s9], [sflag:s30] =	dma.local [spmem:s31], $0x13C0  }
0x89: {  	_ =	swait.ge [sflag:s15], $0x13C0  }
0x8a: {  	[sflag:s15] =	ssyncset.done $0x0  }
0x8b: {  	[sflag:s15] =	ssyncadd.s32 $0xFFFFEC40  }
0x8c: {  	[bflag:$0x0] =	sbarrier.arrive $0xFFFF  }
0x8d: {  	s10 =	rddreg [dreg:$0x2]  }
0x8e: {  	[spmem:s31], [sflag:s30] =	dma.local [hbm:s10], $0x13C0  }
0x8f: {  	_ =	swait.ge [sflag:s15], $0x13C0  }
0x90: {  	[sflag:s15] =	ssyncset.done $0x0  }
0x91: {  	[sflag:s15] =	ssyncadd.s32 $0xFFFFEC40  }
0x92: {  	s0 =	simm.s32 $0x0;
	[bflag:$0x0] =	sbarrier.arrive $0xFFFF  }
0x93: {  	[tilespmem:s17], [sflag:$0x2] =	stream.indirect.gather [hbm4b:s6+s16], $0x40, s0, s16, $0xb8;
	[tilespmem:$0x16E00] =	vst v63  }
0x94: {  	s11 =	simm.s32 $0x100  }
0x95: {  	[tilespmem:s19], [sflag:$0x3] =	stream.indirect.gather [hbm4b:s6+s16], $0x40, s11, s16, $0xb8;
	[tilespmem:$0x16E00] =	vst v63  }
0x96: {  	s12 =	simm.s32 $0x200  }
0x97: {  	[tilespmem:s21], [sflag:$0x4] =	stream.indirect.gather [hbm4b:s6+s16], $0x40, s12, s16, $0xb8;
	[tilespmem:$0x16E00] =	vst v63  }
0x98: {  	_ = 	snop  }
0x99: {  	[tilespmem:s23], [sflag:$0x5] =	stream.indirect.gather [hbm4b:s6+s16], $0x40, s22, s16, $0xb8;
	[tilespmem:$0x16E00] =	vst v63  }
0x9a: {  	_ =	swait.ge [sflag:s24], $0x2000  }
0x9b: {  	[sflag:s24] =	ssyncset.done $0x0  }
0x9c: {  	s18 =	simm.s32 $0x80;
	[sflag:s24] =	ssyncadd.s32 $0xFFFFE000  }
0x9d: {  	[spmem:s3] =	stream.indirect.scatter.add.f32 [tilespmem:s17], [sflag:$0x6], $0x40, s18, s16, $0xb8;
	[tilespmem:$0x16E00] =	vst v63  }
0x9e: {  	_ =	swait.ge [sflag:s25], $0x2000  }
0x9f: {  	p2 =	sle.u32 s8, $0x40;
	[sflag:s25] =	ssyncset.done $0x0  }
0xa0: {  	s20 =	simm.s32 $0x180;
	s2 =	simm.s32 @!p2 $0x4;
	[sflag:s25] =	ssyncadd.s32 $0xFFFFE000  }
0xa1: {  	[spmem:s3] =	stream.indirect.scatter.add.f32 [tilespmem:s19], [sflag:$0x7], $0x40, s20, s16, $0xb8;
	[tilespmem:$0x16E00] =	vst v63  }
0xa2: {  	p1 =	sle.u32 s8, $0x60;
	_ =	swait.ge @!p2 [sflag:s2], $0x2000  }
0xa3: {  	s1 =	simm.s32 @!p2 $0x280;
	s4 =	simm.s32 @!p2 $0x9000;
	[sflag:s2] =	ssyncset.done @!p2 $0x0  }
0xa4: {  	s9 =	simm.s32 @!p2 $0x80;
	[sflag:s2] =	ssyncadd.s32 @!p2 $0xFFFFE000;
	s2 =	simm.s32 @!p1 $0x5  }
0xa5: {  	[spmem:s3] =	stream.indirect.scatter.add.f32 @!p2 [tilespmem:s4], [sflag:$0x8], $0x40, s1, s9, $0xb8;
	[tilespmem:$0x16E00] =	vst v63  }
0xa6: {  	_ =	swait.ge @!p1 [sflag:s2], $0x2000  }
0xa7: {  	s1 =	simm.s32 @!p1 $0x380;
	[sflag:s2] =	ssyncset.done @!p1 $0x0  }
0xa8: {  	s4 =	simm.s32 @!p1 $0x80;
	[sflag:s2] =	ssyncadd.s32 @!p1 $0xFFFFE000;
	s2 =	simm.s32 @!p1 $0xB000  }
0xa9: {  	[spmem:s3] =	stream.indirect.scatter.add.f32 @!p1 [tilespmem:s2], [sflag:$0x9], $0x40, s1, s4, $0xb8;
	[tilespmem:$0x16E00] =	vst v63  }
0xaa: {  	p3 =	sle.u32 s8, $0x80;
	_ =	swait.ge [sflag:s26], $0x2000  }
0xab: {  	p4 =	sle.u32 s8, $0xC0;
	s9 =	simm.s32 @!p3 $0x5000;
	[sflag:s26] =	ssyncset.done $0x0  }
0xac: {  	s1 =	simm.s32 @!p3 $0x400;
	s4 =	simm.s32 @!p3 $0x80;
	[sflag:s26] =	ssyncadd.s32 $0xFFFFE000  }
0xad: {  	[tilespmem:s9], [sflag:$0x2] =	stream.indirect.gather @!p3 [hbm4b:s6+s4], $0x40, s1, s4, $0xb8;
	[tilespmem:$0x16E00] =	vst v63  }
0xae: {  	s2 =	simm.s32 $0xE0;
	p3 =	sle.u32 s8, $0xA0;
	_ =	swait.ge [sflag:s28], $0x2000  }
0xaf: {  	s9 =	simm.s32 @!p2 $0x8;
	s1 =	simm.s32 @!p3 $0x500;
	[sflag:s28] =	ssyncset.done $0x0  }
0xb0: {  	s10 =	simm.s32 @!p3 $0x80;
	s11 =	simm.s32 @!p3 $0x7000;
	[sflag:s28] =	ssyncadd.s32 $0xFFFFE000  }
0xb1: {  	[tilespmem:s11], [sflag:$0x3] =	stream.indirect.gather @!p3 [hbm4b:s6+s10], $0x40, s1, s10, $0xb8;
	[tilespmem:$0x16E00] =	vst v63  }
0xb2: {  	s4 =	simm.s32 $0x1000;
	s1 =	simm.s32 $0x160;
	_ =	swait.ge @!p2 [sflag:s9], $0x2000  }
0xb3: {  	s11 =	simm.s32 @!p4 $0x0;
	s10 =	simm.s32 @!p4 $0x80;
	[sflag:s9] =	ssyncset.done @!p2 $0x0  }
.LBB2_6:
0xb4: {  	[sflag:s9] =	ssyncadd.s32 @!p2 $0xFFFFE000  }
0xb5: {  	s9 =	sadd.s32 @!p4 $0x600, s11;
	s11 =	simm.s32 @!p1 $0x9;
	s12 =	smov.u32 s4  }
0xb6: {  	s4 =	sadd.s32 $0x1000, s4;
	s18 =	simm.s32 @!p4 $0x9000;
	p2 =	sge.u32 s2, s8  }
0xb7: {  	[tilespmem:s18], [sflag:$0x4] =	stream.indirect.gather @!p4 [hbm4b:s6+s10], $0x40, s9, s10, $0xb8;
	[tilespmem:$0x16E00] =	vst v63  }
0xb8: {  	p3 =	sne.s32 s4, $0x14000;
	s9 =	sshra.s32 s12, $0x2;
	_ =	swait.ge @!p1 [sflag:s11], $0x2000  }
0xb9: {  	s0 =	sshra.s32 @!p2 s0, $0x2;
	s2 =	simm.s32 @!p2 $0xB000;
	[sflag:s11] =	ssyncset.done @!p1 $0x0  }
0xba: {  	s0 =	sadd.s32 @!p2 $0x700, s0;
	s10 =	simm.s32 @!p2 $0x80;
	[sflag:s11] =	ssyncadd.s32 @!p1 $0xFFFFE000  }
0xbb: {  	[tilespmem:s2], [sflag:$0x5] =	stream.indirect.gather @!p2 [hbm4b:s6+s10], $0x40, s0, s10, $0xb8;
	[tilespmem:$0x16E00] =	vst v63  }
0xbc: {  	s10 =	sadd.s32 $0x80, s9;
	s0 =	sadd.s32 $0xFFFFFF60, s1;
	_ =	swait.ge [sflag:s24], $0x2000  }
0xbd: {  	p2 =	sge.u32 s0, s8;
	s0 =	smov.u32 s12;
	[sflag:s24] =	ssyncset.done $0x0  }
0xbe: {  	s2 =	smov.u32 s1;
	s11 =	sshra.s32 @!p2 s0, $0x2;
	[sflag:s24] =	ssyncadd.s32 $0xFFFFE000  }
0xbf: {  	[spmem:s3] =	stream.indirect.scatter.add.f32 [tilespmem:s17], [sflag:$0x6], $0x40, s10, s16, $0xb8;
	[tilespmem:$0x16E00] =	vst v63  }
0xc0: {  	s10 =	sadd.s32 @!p2 $0x280, s11;
	s11 =	sadd.s32 $0xFFFFFF80, s1;
	_ =	swait.ge [sflag:s25], $0x2000  }
0xc1: {  	s9 =	sadd.s32 $0x180, s9;
	s12 =	simm.s32 @!p2 $0x4;
	[sflag:s25] =	ssyncset.done $0x0  }
0xc2: {  	p1 =	sge.u32 s11, s8;
	[sflag:s25] =	ssyncadd.s32 $0xFFFFE000  }
0xc3: {  	[spmem:s3] =	stream.indirect.scatter.add.f32 [tilespmem:s19], [sflag:$0x7], $0x40, s9, s16, $0xb8;
	[tilespmem:$0x16E00] =	vst v63  }
0xc4: {  	s11 =	sshra.s32 @!p1 s0, $0x2;
	s9 =	simm.s32 @!p2 $0x9000;
	_ =	swait.ge @!p2 [sflag:s12], $0x2000  }
0xc5: {  	s18 =	simm.s32 @!p2 $0x80;
	s11 =	sadd.s32 @!p1 $0x380, s11;
	[sflag:s12] =	ssyncset.done @!p2 $0x0  }
0xc6: {  	s20 =	sadd.s32 $0xFFFFFFA0, s1;
	[sflag:s12] =	ssyncadd.s32 @!p2 $0xFFFFE000;
	s12 =	simm.s32 @!p1 $0x5  }
0xc7: {  	[spmem:s3] =	stream.indirect.scatter.add.f32 @!p2 [tilespmem:s9], [sflag:$0x8], $0x40, s10, s18, $0xb8;
	[tilespmem:$0x16E00] =	vst v63  }
0xc8: {  	p4 =	sge.u32 s20, s8;
	s9 =	sadd.s32 $0xFFFFFFC0, s1;
	_ =	swait.ge @!p1 [sflag:s12], $0x2000  }
0xc9: {  	s10 =	simm.s32 @!p1 $0x80;
	s18 =	sshra.s32 @!p4 s0, $0x2;
	[sflag:s12] =	ssyncset.done @!p1 $0x0  }
0xca: {  	s18 =	sadd.s32 @!p4 $0x400, s18;
	[sflag:s12] =	ssyncadd.s32 @!p1 $0xFFFFE000;
	s12 =	simm.s32 @!p1 $0xB000  }
0xcb: {  	[spmem:s3] =	stream.indirect.scatter.add.f32 @!p1 [tilespmem:s12], [sflag:$0x9], $0x40, s11, s10, $0xb8;
	[tilespmem:$0x16E00] =	vst v63  }
0xcc: {  	p5 =	sge.u32 s9, s8;
	_ =	swait.ge [sflag:s26], $0x2000  }
0xcd: {  	s9 =	sshra.s32 @!p5 s0, $0x2;
	[sflag:s26] =	ssyncset.done $0x0  }
0xce: {  	s10 =	simm.s32 @!p4 $0x80;
	s11 =	simm.s32 @!p4 $0x5000;
	[sflag:s26] =	ssyncadd.s32 $0xFFFFE000  }
0xcf: {  	[tilespmem:s11], [sflag:$0x2] =	stream.indirect.gather @!p4 [hbm4b:s6+s10], $0x40, s18, s10, $0xb8;
	[tilespmem:$0x16E00] =	vst v63  }
0xd0: {  	s10 =	sadd.s32 @!p5 $0x500, s9;
	s9 =	simm.s32 @!p2 $0x8;
	_ =	swait.ge [sflag:s28], $0x2000  }
.Ltmp2:
0xd1: {  	s11 =	sadd.s32 $0xFFFFFFE0, s1;
	[sflag:s28] =	ssyncset.done $0x0;
	(pc) =	sbr.rel @p3 .LBB2_6-.Ltmp2, $4  }
0xd2: {  	s12 =	simm.s32 @!p5 $0x80;
	s18 =	simm.s32 @!p5 $0x7000;
	[sflag:s28] =	ssyncadd.s32 $0xFFFFE000  }
0xd3: {  	[tilespmem:s18], [sflag:$0x3] =	stream.indirect.gather @!p5 [hbm4b:s6+s12], $0x40, s10, s12, $0xb8;
	[tilespmem:$0x16E00] =	vst v63  }
0xd4: {  	s1 =	sadd.s32 $0x80, s1;
	p4 =	sge.u32 s11, s8;
	_ =	swait.ge @!p2 [sflag:s9], $0x2000  }
0xd5: {  	s11 =	sshra.s32 @!p4 s0, $0x2;
	s10 =	simm.s32 @!p4 $0x80;
	[sflag:s9] =	ssyncset.done @!p2 $0x0  }
0xd6: {  	[sflag:s9] =	ssyncadd.s32 @!p2 $0xFFFFE000  }
0xd7: {  	s1 =	sadd.s32 @!p4 $0x600, s11;
	s4 =	simm.s32 @!p1 $0x9;
	s9 =	simm.s32 @!p4 $0x9000  }
0xd8: {  	[tilespmem:s9], [sflag:$0x4] =	stream.indirect.gather @!p4 [hbm4b:s6+s10], $0x40, s1, s10, $0xb8;
	[tilespmem:$0x16E00] =	vst v63  }
0xd9: {  	p2 =	sge.u32 s2, s8;
	_ =	swait.ge @!p1 [sflag:s4], $0x2000  }
0xda: {  	s0 =	sshra.s32 @!p2 s0, $0x2;
	s1 =	simm.s32 @!p2 $0xB000;
	[sflag:s4] =	ssyncset.done @!p1 $0x0  }
0xdb: {  	s2 =	simm.s32 @!p2 $0x80;
	s0 =	sadd.s32 @!p2 $0x700, s0;
	[sflag:s4] =	ssyncadd.s32 @!p1 $0xFFFFE000  }
0xdc: {  	[tilespmem:s1], [sflag:$0x5] =	stream.indirect.gather @!p2 [hbm4b:s6+s2], $0x40, s0, s2, $0xb8;
	[tilespmem:$0x16E00] =	vst v63  }
0xdd: {  	[bflag:$0x0] =	sbarrier.arrive $0xFFFF  }
0xde: {  	s20 =	rddreg [dreg:$0x7]  }
0xdf: {  	[hbm:s20], [sflag:s30] =	dma.local [spmem:s31], $0x13C0  }
0xe0: {  	_ =	swait.ge [sflag:s15], $0x13C0  }
0xe1: {  	s29 =	sadd.s32 $0x1, s29;
	s31 =	rddreg [dreg:$0x8]  }
0xe2: {  	p1 =	sne.s32 s29, s31  }
.Ltmp3:
0xe3: {  	_ = 	snop;
	(pc) =	sbr.rel @p1 .LBB2_1-.Ltmp3, $3  }
0xe4: {  	[sflag:s15] =	ssyncset.done $0x0  }
0xe5: {  	[sflag:s15] =	ssyncadd.s32 $0xFFFFEC40  }
0xe6: {  	[bflag:$0x0] =	sbarrier.arrive $0xFFFF;
	_ =	sdelay $0x1  }
0xe7: {  	_ =	sfence.sel $0x180000  }
0xe8: {  	[bflag:$0x0] =	sbarrier.arrive $0xFFFF  }
0xe9: {  	_ =	strace $0x9000004A  }
0xea: {  	s0 =	stileid.u32;
	[bflag:$0x2] =	sbarrier.arrive $0xFFFF  }
0xeb: {  	p0 =	sne.s32 s0, $0x0;
	s0 =	rddreg [dreg:$0x4]  }
0xec: {  	s0 =	sadd.s32 @!p0 $0x100000, s0  }
0xed: {  	[sflag:s0] =	ssyncadd.tile.s32 @!p0 $0x1;
	_ =	shalt  }
.Lfunc_end2:
_tile_overlayer_lowered:
.L_overlay_start_2:
0xee: {  	(tag) =	ssettag $0x2  }
0xef: {  	s0 =	rddreg [dreg:$0x0];
	s2 =	stileid.u32  }
0xf0: {  	s1 =	rddreg [dreg:$0x1];
	p0 =	sne.s32 s2, $0x0  }
0xf1: {  	s3 =	rddreg [dreg:$0x2];
	[bflag:$0x3] =	sbarrier.arrive $0xFFFF;
	s2 =	simm.s32 @!p0 $0x1C0A  }
0xf2: {  	[timem:s3], [sflag:s2] =	dma.local @!p0 [hbm:s0], s1  }
0xf3: {  	s0 =	simm.s32 @!p0 $0xA  }
0xf4: {  	_ =	swait.ge @!p0 [sflag:s0], s1  }
0xf5: {  	s1 =	ssub.s32 @!p0 $0x0, s1;
	[sflag:s0] =	ssyncset.done @!p0 $0x0  }
0xf6: {  	[sflag:s0] =	ssyncadd.s32 @!p0 s1  }
0xf7: {  	[bflag:$0x3] =	sbarrier.arrive $0xFFFF  }
0xf8: {  	_ =	shalt  }

// kernel: kernel.5.cloned.1.call-start
scs
__scs_entry_jumppad:
0x0: {  	(pc) =	sbr.rel $0x88, $3  }
0x1: {  	(tag) =	ssettag $0x0;
	lr =	simm.s32 $0x1  }
0x2: {  	[smem:$0x3F95] =	sst lr;
	_ =	strace $0xD0000000  }
0x3: {  	_ = 	snop  }
0x4: {  	_ = 	snop  }
0x5: {  	_ = 	snop  }
0x6: {  	_ = 	snop  }
0x7: {  	_ = 	snop  }
__scs_overlays_trampoline_lowered:
0x8: {  	[smem:$0x3FA4] =	sst s0  }
0x9: {  	[smem:$0x3FA5] =	sst s1  }
0xa: {  	[smem:$0x3FA6] =	sst s2  }
0xb: {  	[smem:$0x3FA7] =	sst s3  }
0xc: {  	[smem:$0x3FA8] =	sst s4  }
0xd: {  	[smem:$0x3FA9] =	sst s5  }
0xe: {  	[smem:$0x3FAA] =	sst s6  }
0xf: {  	[smem:$0x3FAB] =	sst s7  }
0x10: {  	[smem:$0x3FAC] =	sst s8  }
0x11: {  	[smem:$0x3FAD] =	sst s9;
	s0 =	simm.s32 @!p0 $0x0  }
0x12: {  	s1 =	sld [smem:$0x3F93];
	s0 =	simm.s32 @p0 $0x1  }
0x13: {  	[smem:$0x3FAE] =	sst s0;
	s0 =	simm.s32 @!p1 $0x0  }
0x14: {  	s2 =	sld [smem:$0x3F92];
	s0 =	simm.s32 @p1 $0x1  }
0x15: {  	[smem:$0x3FAF] =	sst s0;
	s0 =	simm.s32 @!p2 $0x0  }
0x16: {  	s3 =	sld [smem:$0x3FDB];
	s0 =	simm.s32 @p2 $0x1  }
0x17: {  	s4 =	simm.s32 $0x1BF5;
	[smem:$0x3FB1] =	sst s0  }
0x18: {  	s0 =	sld [smem:$0x3F94];
	_ =	swait.ge [sflag:s4], $0x0  }
0x19: {  	s7 =	sld [smem:$0x3F95]  }
0x1a: {  	s8 =	sadd.s32 $0xFFFFE003, lr  }
0x1b: {  	s9 =	sadd.s32 $0xFFFFFEF7, lr;
	s5 =	simm.s32 $0xFFFFFFFF;
	p2 =	slt.u32 s8, $0xFFFFF086  }
0x1c: {  	p1 =	slt.u32 s9, $0xF7A;
	s5 =	simm.s32 @!p2 $0x0  }
0x1d: {  	s5 =	simm.s32 @p1 $0x1;
	p0 =	seq.s32 s7, s2  }
0x1e: {  	s7 =	smul.u32 @!p0 $0xF7A, s2;
	p2 =	seq.s32 @!p0 s5, $0x0  }
0x1f: {  	s9 =	smul.u32 $0xF7A, s1;
	s8 =	simm.s32 @!p0 $0x1BF5;
	p2 =	por !p2, p0  }
0x20: {  	[sflag:s8] =	ssyncset.s32 @!p0 $0xFFFFF086;
	s6 =	sadd.s32 @!p0 s3, s7;
	s7 =	simm.s32 @!p0 $0x108  }
0x21: {  	s3 =	sadd.s32 s3, s9;
	s6 =	sadd.s32 @!p0 $0x88, s6;
	s7 =	simm.s32 @p2 $0x1082  }
0x22: {  	[simem:s7], [sflag:s8] =	dma.local @!p0 [hbm:s6], $0xF7A  }
0x23: {  	s9 =	sor.u32 $0xD0000000, s2;
	s6 =	simm.s32 $0x108;
	_ =	swait.ge @!p0 [sflag:s8], $0x0  }
0x24: {  	s3 =	sadd.s32 $0x88, s3;
	s6 =	simm.s32 @!p1 $0x1082;
	[sflag:s4] =	ssyncset.s32 $0xFFFFF086  }
0x25: {  	[simem:s6], [sflag:s4] =	dma.local [hbm:s3], $0xF7A  }
0x26: {  	[smem:$0x3F95] =	sst s1;
	(tag) =	ssettag s2;
	_ =	strace s9  }
0x27: {  	s1 =	sld [smem:$0x3FA5]  }
0x28: {  	s2 =	sld [smem:$0x3FA6]  }
0x29: {  	s4 =	sld [smem:$0x3FA8]  }
0x2a: {  	p0 =	seq.s32 s5, $0x0;
	s5 =	sld [smem:$0x3FA9]  }
0x2b: {  	s6 =	sld [smem:$0x3FAA]  }
0x2c: {  	s7 =	sld [smem:$0x3FAB]  }
0x2d: {  	s3 =	simm.s32 $0x108;
	s8 =	sld [smem:$0x3FAC]  }
0x2e: {  	s3 =	simm.s32 @!p0 $0x1082;
	s9 =	sld [smem:$0x3FAD]  }
0x2f: {  	lr =	sadd.s32 s0, s3;
	s0 =	sld [smem:$0x3FA4]  }
0x30: {  	s3 =	sld [smem:$0x3FA7]  }
0x31: {  	[smem:$0x3FB0] =	sst s10  }
0x32: {  	s10 =	sld [smem:$0x3FAE];
	_ =	sdelay $0x3  }
0x33: {  	p0 =	seq.s32 s10, $0x1;
	s10 =	sld [smem:$0x3FB0];
	_ =	sdelay $0x3  }
0x34: {  	[smem:$0x3FB0] =	sst s10  }
0x35: {  	s10 =	sld [smem:$0x3FAF];
	_ =	sdelay $0x3  }
0x36: {  	p1 =	seq.s32 s10, $0x1;
	s10 =	sld [smem:$0x3FB0];
	_ =	sdelay $0x3  }
0x37: {  	[smem:$0x3FB0] =	sst s10  }
0x38: {  	s10 =	sld [smem:$0x3FB1]  }
0x39: {  	_ = 	snop;
	(pc) =	sbr.ind lr, $3  }
0x3a: {  	_ = 	snop  }
0x3b: {  	_ = 	snop  }
0x3c: {  	p2 =	seq.s32 s10, $0x1;
	s10 =	sld [smem:$0x3FB0]  }
0x3d: {  	_ =	shalt  }
0x3e: {  	_ =	shalt  }
0x3f: {  	_ =	shalt  }
0x40: {  	_ =	shalt  }
0x41: {  	_ =	shalt  }
0x42: {  	_ =	shalt  }
0x43: {  	_ =	shalt  }
0x44: {  	_ =	shalt  }
0x45: {  	_ =	shalt  }
0x46: {  	_ =	shalt  }
0x47: {  	_ =	shalt  }
0x48: {  	_ =	shalt  }
0x49: {  	_ =	shalt  }
0x4a: {  	_ =	shalt  }
0x4b: {  	_ =	shalt  }
0x4c: {  	_ =	shalt  }
0x4d: {  	_ =	shalt  }
0x4e: {  	_ =	shalt  }
0x4f: {  	_ =	shalt  }
0x50: {  	_ =	shalt  }
0x51: {  	_ =	shalt  }
0x52: {  	_ =	shalt  }
0x53: {  	_ =	shalt  }
0x54: {  	_ =	shalt  }
0x55: {  	_ =	shalt  }
0x56: {  	_ =	shalt  }
0x57: {  	_ =	shalt  }
0x58: {  	_ =	shalt  }
0x59: {  	_ =	shalt  }
0x5a: {  	_ =	shalt  }
0x5b: {  	_ =	shalt  }
0x5c: {  	_ =	shalt  }
0x5d: {  	_ =	shalt  }
0x5e: {  	_ =	shalt  }
0x5f: {  	_ =	shalt  }
0x60: {  	_ =	shalt  }
0x61: {  	_ =	shalt  }
0x62: {  	_ =	shalt  }
0x63: {  	_ =	shalt  }
0x64: {  	_ =	shalt  }
0x65: {  	_ =	shalt  }
0x66: {  	_ =	shalt  }
0x67: {  	_ =	shalt  }
0x68: {  	_ =	shalt  }
0x69: {  	_ =	shalt  }
0x6a: {  	_ =	shalt  }
0x6b: {  	_ =	shalt  }
0x6c: {  	_ =	shalt  }
0x6d: {  	_ =	shalt  }
0x6e: {  	_ =	shalt  }
0x6f: {  	_ =	shalt  }
0x70: {  	_ =	shalt  }
0x71: {  	_ =	shalt  }
0x72: {  	_ =	shalt  }
0x73: {  	_ =	shalt  }
0x74: {  	_ =	shalt  }
0x75: {  	_ =	shalt  }
0x76: {  	_ =	shalt  }
0x77: {  	_ =	shalt  }
0x78: {  	_ =	shalt  }
0x79: {  	_ =	shalt  }
0x7a: {  	_ =	shalt  }
0x7b: {  	_ =	shalt  }
0x7c: {  	_ =	shalt  }
0x7d: {  	_ =	shalt  }
0x7e: {  	_ =	shalt  }
0x7f: {  	_ =	shalt  }
0x80: {  	_ =	shalt  }
0x81: {  	_ =	shalt  }
0x82: {  	_ =	shalt  }
0x83: {  	_ =	shalt  }
0x84: {  	_ =	shalt  }
0x85: {  	_ =	shalt  }
0x86: {  	_ =	shalt  }
0x87: {  	_ =	shalt  }
.Lfunc_end0:
.L_simem_size_0:
called_computation.1_lowered:
.L_overlay_start_0:
0x88: {  	s2 =	sld [smem:$0x3FD9]  }
0x89: {  	s3 =	sld [smem:$0x3FFE];
	_ =	sdelay $0x1  }
0x8a: {  	s1 =	srdreg.scid  }
0x8b: {  	s0 =	sand.u32 $0x1, s1  }
0x8c: {  	s17 =	sshll.u32 s0, $0xA;
	s2 =	sadd.s32 s3, s2  }
0x8d: {  	s2 =	sadd.s32 s2, s17  }
0x8e: {  	[smem:$0x3FBC] =	sst s2  }
0x8f: {  	_ = 	snop  }
0x90: {  	s2 =	sld [smem:$0x3FC8]  }
0x91: {  	s18 =	sld [smem:$0x3FD0];
	(tm) =	ssettm $0x1  }
0x92: {  	s4 =	sld [smem:$0x3FFB];
	_ =	sdelay $0x3  }
0x93: {  	_ =	strace s4  }
0x94: {  	s4 =	sld [smem:$0x3FFC];
	_ =	sdelay $0x3  }
0x95: {  	_ =	strace s4  }
0x96: {  	s4 =	sld [smem:$0x3FFD];
	_ =	sdelay $0x3  }
0x97: {  	_ =	strace s4  }
0x98: {  	_ =	strace $0x8FFFFFFF  }
0x99: {  	s19 =	sld [smem:$0x3FDB];
	_ =	sdelay $0x1  }
0x9a: {  	s5 =	simm.s32 $_scs_section_size  }
0x9b: {  	s6 =	simm.s32 $_size__tile_overlayer_lowered;
	s7 =	simm.s32 $_tile_overlayer_lowered  }
0x9c: {  	s22 =	simm.s32 $0x1BFF;
	s21 =	sshll.u32 s7, $0x1;
	s4 =	sadd.s32 s5, s19  }
0x9d: {  	s8 =	simm.s32 $0x0;
	s20 =	sshll.u32 s6, $0x1;
	s6 =	sadd.s32 s21, s4  }
0x9e: {  	[timem:s8], [sflag:s22] =	dma.local [hbm:s6], s20  }
0x9f: {  	_ =	swait.ge [sflag:s22], s20  }
0xa0: {  	s5 =	ssub.s32 $0x0, s20;
	[sflag:s22] =	ssyncset.done $0x0  }
0xa1: {  	[sflag:s22] =	ssyncadd.s32 s5;
	_ =	sdelay $0x1  }
0xa2: {  	s23 =	simm.s32 $0x1B8B  }
0xa3: {  	_ =	swait.ge [sflag:s23], $0x1  }
0xa4: {  	[sflag:s23] =	ssyncset.done $0x0  }
0xa5: {  	s25 =	simm.s32 $0x1B8E;
	s24 =	sld [smem:$0x3FFE];
	[sflag:s23] =	ssyncadd.s32 $0xFFFFFFFF  }
0xa6: {  	s26 =	simm.s32 $execute0_lowered;
	[smem:$0x3FD2] =	sst s25  }
0xa7: {  	s6 =	sshll.u32 s26, $0x1;
	_ =	strace $0x80000046;
	[dreg:$0x1] =	wrdreg $0xFFFFFFFF  }
0xa8: {  	s28 =	simm.s32 $_size_execute0_lowered;
	s4 =	sadd.s32 s4, s6;
	[dreg:$0x0] =	wrdreg $0x0  }
0xa9: {  	s6 =	sshll.u32 s28, $0x1;
	[dreg:$0x2] =	wrdreg s4  }
0xaa: {  	[dreg:$0x3] =	wrdreg s6  }
0xab: {  	[dreg:$0x4] =	wrdreg $0xC0  }
0xac: {  	_ =	task [dreg:s8], $0x5FFFF  }
0xad: {  	[dreg:$0x1] =	wrdreg $0xFFFFFFFF  }
0xae: {  	[dreg:$0x0] =	wrdreg $0x60  }
0xaf: {  	[dreg:$0x2] =	wrdreg s2  }
0xb0: {  	[dreg:$0x3] =	wrdreg s24  }
0xb1: {  	[dreg:$0x4] =	wrdreg s18  }
0xb2: {  	[dreg:$0x5] =	wrdreg $0x18C00  }
0xb3: {  	[dreg:$0x6] =	wrdreg $0x9  }
0xb4: {  	_ =	task.clear_ibuf [dreg:s8], $0x7FFFF;
	_ =	strace $0x90000046  }
0xb5: {  	s29 =	simm.s32 $0x9;
	_ =	strace $0x80000048  }
0xb6: {  	_ =	swait.ge [sflag:s29], $0x1  }
0xb7: {  	[sflag:s29] =	ssyncadd.s32 $0xFFFFFFFF  }
0xb8: {  	_ =	strace $0x90000048  }
0xb9: {  	_ =	sfence  }
0xba: {  	s30 =	sld [smem:$0x0];
	_ =	sdelay $0x2  }
0xbb: {  	s31 =	sshll.u32 s1, $0xD;
	s1 =	sshrl.u32 s1, $0x2  }
0xbc: {  	s3 =	sand.u32 $0x4000, s31;
	s1 =	sadd.s32 s1, s30  }
0xbd: {  	s0 =	sor.u32 s3, s0;
	s1 =	sshll.u32 s1, $0x11  }
0xbe: {  	s0 =	sor.u32 s1, s0  }
0xbf: {  	s0 =	sadd.s32 $0x8F2B, s0  }
0xc0: {  	[sflag:s0] =	ssyncadd.remote.s32 $0x1  }
0xc1: {  	_ =	sfence.sel $0xFFFF  }
0xc2: {  	[dreg:$0x0] =	wrdreg $0xFFFFFFFF;
	(pc) =	sbr.abs _section_cstart, $3  }
0xc3: {  	[dreg:$0x1] =	wrdreg $0xFFFFFFFF  }
0xc4: {  	_ =	task.clear_ibuf [dreg:s8], $0x2FFFF;
	_ =	strace $0x9FFFFFFF  }
0xc5: {  	(tm) =	ssettm $0x7FFFFFFF  }
tec
execute0_lowered:
.L_overlay_start_1:
0x0: {  	(tag) =	ssettag $0x1  }
0x1: {  	s8 =	rddreg [dreg:$0x0]  }
0x2: {  	s3 =	rddreg [dreg:$0x1]  }
0x3: {  	s9 =	rddreg [dreg:$0x2]  }
0x4: {  	s1 =	rddreg [dreg:$0x3]  }
0x5: {  	s0 =	rddreg [dreg:$0x4];
	s2 =	simm.s32 $0x0  }
0x6: {  	s6 =	srdreg.scid;
	s15 =	simm.s32 $0x80;
	s16 =	simm.s32 $0x1  }
0x7: {  	s17 =	simm.s32 $0x4;
	s18 =	simm.s32 $0x2;
	s19 =	simm.s32 $0x0  }
0x8: {  	[smem:$0x7FF] =	sst s2;
	s4 =	sadd.s32 $0x3600, s3;
	s5 =	sadd.s32 $0x3200, s3  }
0x9: {  	s10 =	sand.u32 $0x1, s6;
	s3 =	stileid.u32;
	_ =	strace $0x80000047  }
0xa: {  	s7 =	ssub.s32 $0x2, s10;
	s6 =	sshll.u32 s10, $0x4;
	s12 =	smul.u32 $0x13C0, s3  }
0xb: {  	s14 =	smul.u32 $0x13C00, s10;
	s10 =	sshll.u32 s10, $0x9;
	s30 =	sshll.u32 s3, $0x5  }
0xc: {  	s11 =	sshrl.u32 s7, $0x1;
	s6 =	sor.u32 s3, s6;
	s10 =	sadd.s32 s10, s8  }
0xd: {  	s11 =	ssub.s32 s7, s11;
	s13 =	sshll.u32 s6, $0x5;
	s7 =	sadd.s32 s12, s1  }
0xe: {  	s12 =	sadd.s32 s12, s14;
	s31 =	sadd.s32 s30, s10;
	s14 =	simm.s32 $0x500  }
0xf: {  	p0 =	sgt.u32 s6, $0x3;
	s13 =	sadd.s32 s13, s8;
	s12 =	sshrl.u32 s12, $0x3  }
0x10: {  	s10 =	smax.u32 s11, $0x1;
	s11 =	sadd.s32 $0x410, s31;
	s8 =	sadd.s32 $0x10, s13  }
0x11: {  	s9 =	sadd.s32 s9, s12;
	s12 =	simm.s32 $0x100;
	s13 =	simm.s32 $0x3  }
.LBB2_1:
0x12: {  	[tilespmem:s12], [sflag:$0x3] =	stream.linear.gather [hbm4b:s4+s2], $0x400, $0x38;
	[tilespmem:$0x2C80] =	vst v63  }
0x13: {  	_ =	swait.ge [sflag:s13], $0x400  }
0x14: {  	[sflag:s13] =	ssyncset.done $0x0  }
0x15: {  	[sflag:s13] =	ssyncadd.s32 $0xFFFFFC00  }
0x16: {  	[tilespmem:s14], [sflag:$0x3] =	stream.linear.gather [hbm4b:s5+s2], $0x13C0, $0x38;
	[tilespmem:$0x2C80] =	vst v63  }
0x17: {  	_ =	swait.ge [sflag:s13], $0x13C0  }
0x18: {  	[sflag:s13] =	ssyncset.done $0x0  }
0x19: {  	[sflag:s13] =	ssyncadd.s32 $0xFFFFEC40  }
0x1a: {  	[spmem:s7] =	stream.linear.scatter [tilespmem:s14], [sflag:$0x3], $0x13C0, $0x38;
	[tilespmem:$0x2C80] =	vst v63  }
0x1b: {  	_ =	swait.ge [sflag:s13], $0x13C0  }
0x1c: {  	[sflag:s13] =	ssyncset.done $0x0  }
0x1d: {  	[sflag:s13] =	ssyncadd.s32 $0xFFFFEC40  }
0x1e: {  	[bflag:$0x0] =	sbarrier.arrive $0xFFFF  }
0x1f: {  	[tilespmem:s2], [sflag:$0x1] =	stream.linear.gather [hbm4b:s8+s2], $0x80, $0x38;
	[tilespmem:$0x2C80] =	vst v63  }
0x20: {  	_ = 	snop  }
0x21: {  	[tilespmem:s15], [sflag:$0x2] =	stream.linear.gather [hbm4b:s11+s2], $0x80, $0x38;
	[tilespmem:$0x2C80] =	vst v63  }
0x22: {  	_ =	swait.ge [sflag:s16], $0x80  }
0x23: {  	[sflag:s16] =	ssyncset.done $0x0  }
0x24: {  	[sflag:s16] =	ssyncadd.s32 $0xFFFFFF80  }
0x25: {  	[spmem:s1] =	stream.indirect.scatter.add.f32 [tilespmem:s12], [sflag:$0x4], $0x8, s2, s15, $0xb8;
	[tilespmem:$0x2C80] =	vst v63  }
0x26: {  	s20 =	sadd.s32 $0x40, s6;
	_ =	swait.ge [sflag:s17], $0x400  }
0x27: {  	p1 =	sgt.u32 s20, $0x9C3;
	[sflag:s17] =	ssyncset.done $0x0  }
0x28: {  	s20 =	sadd.s32 @!p1 $0x400, s11;
	s21 =	simm.s32 @!p1 $0x0;
	[sflag:s17] =	ssyncadd.s32 $0xFFFFFC00  }
0x29: {  	[tilespmem:s21], [sflag:$0x1] =	stream.linear.gather @!p1 [hbm4b:s20+s21], $0x80, $0x38;
	[tilespmem:$0x2C80] =	vst v63  }
0x2a: {  	_ =	swait.ge [sflag:s18], $0x80  }
0x2b: {  	[sflag:s18] =	ssyncset.done $0x0  }
0x2c: {  	[sflag:s18] =	ssyncadd.s32 $0xFFFFFF80  }
0x2d: {  	[spmem:s1] =	stream.indirect.scatter.add.f32 [tilespmem:s12], [sflag:$0x3], $0x8, s15, s15, $0xb8;
	[tilespmem:$0x2C80] =	vst v63  }
0x2e: {  	_ =	swait.ge [sflag:s13], $0x400  }
0x2f: {  	s20 =	simm.s32 $0x80;
	s21 =	smov.u32 s11;
	[sflag:s13] =	ssyncset.done $0x0  }
.LBB2_2:
0x30: {  	[sflag:s13] =	ssyncadd.s32 $0xFFFFFC00  }
0x31: {  	s21 =	sadd.s32 $0x800, s21;
	s22 =	smov.u32 s20;
	s20 =	sadd.s32 $0x40, s20  }
0x32: {  	[tilespmem:s15], [sflag:$0x2] =	stream.linear.gather [hbm4b:s21+s2], $0x80, $0x38;
	[tilespmem:$0x2C80] =	vst v63  }
0x33: {  	p1 =	sne.s32 s20, $0xA00;
	_ =	swait.ge [sflag:s16], $0x80  }
0x34: {  	[sflag:s16] =	ssyncset.done $0x0  }
0x35: {  	[sflag:s16] =	ssyncadd.s32 $0xFFFFFF80  }
0x36: {  	[spmem:s1] =	stream.indirect.scatter.add.f32 [tilespmem:s12], [sflag:$0x4], $0x8, s2, s15, $0xb8;
	[tilespmem:$0x2C80] =	vst v63  }
0x37: {  	s22 =	sadd.s32 s22, s6;
	_ =	swait.ge [sflag:s17], $0x400  }
0x38: {  	p2 =	sgt.u32 s22, $0x9C3;
	[sflag:s17] =	ssyncset.done $0x0  }
0x39: {  	s22 =	sadd.s32 @!p2 $0x400, s21;
	s23 =	simm.s32 @!p2 $0x0;
	[sflag:s17] =	ssyncadd.s32 $0xFFFFFC00  }
0x3a: {  	[tilespmem:s23], [sflag:$0x1] =	stream.linear.gather @!p2 [hbm4b:s22+s23], $0x80, $0x38;
	[tilespmem:$0x2C80] =	vst v63  }
0x3b: {  	_ =	swait.ge [sflag:s18], $0x80  }
.Ltmp0:
0x3c: {  	[sflag:s18] =	ssyncset.done $0x0;
	(pc) =	sbr.rel @p1 .LBB2_2-.Ltmp0, $4  }
0x3d: {  	[sflag:s18] =	ssyncadd.s32 $0xFFFFFF80  }
0x3e: {  	[spmem:s1] =	stream.indirect.scatter.add.f32 [tilespmem:s12], [sflag:$0x3], $0x8, s15, s15, $0xb8;
	[tilespmem:$0x2C80] =	vst v63  }
0x3f: {  	_ =	swait.ge [sflag:s13], $0x400  }
0x40: {  	[sflag:s13] =	ssyncset.done $0x0  }
0x41: {  	[sflag:s13] =	ssyncadd.s32 $0xFFFFFC00;
	s20 =	simm.s32 @!p0 $0x1  }
0x42: {  	_ =	swait.ge @!p0 [sflag:s20], $0x80  }
0x43: {  	s21 =	simm.s32 @!p0 $0x0;
	[sflag:s20] =	ssyncset.done @!p0 $0x0  }
0x44: {  	s22 =	simm.s32 @!p0 $0x100;
	[sflag:s20] =	ssyncadd.s32 @!p0 $0xFFFFFF80;
	s20 =	simm.s32 @!p0 $0x80  }
0x45: {  	[spmem:s1] =	stream.indirect.scatter.add.f32 @!p0 [tilespmem:s22], [sflag:$0x4], $0x8, s21, s20, $0xb8;
	[tilespmem:$0x2C80] =	vst v63  }
0x46: {  	s20 =	simm.s32 @!p0 $0x4  }
0x47: {  	_ =	swait.ge @!p0 [sflag:s20], $0x400  }
0x48: {  	[sflag:s20] =	ssyncset.done @!p0 $0x0  }
0x49: {  	[sflag:s20] =	ssyncadd.s32 @!p0 $0xFFFFFC00  }
0x4a: {  	[bflag:$0x0] =	sbarrier.arrive $0xFFFF  }
0x4b: {  	[tilespmem:s14], [sflag:$0x3] =	stream.linear.gather [spmem:s7], $0x13C0, $0x38;
	[tilespmem:$0x2C80] =	vst v63  }
0x4c: {  	s19 =	sadd.s32 $0x1, s19;
	_ =	swait.ge [sflag:s13], $0x13C0  }
0x4d: {  	p1 =	sne.s32 s19, s10;
	[sflag:s13] =	ssyncset.done $0x0  }
.Ltmp1:
0x4e: {  	[sflag:s13] =	ssyncadd.s32 $0xFFFFEC40;
	(pc) =	sbr.rel @p1 .LBB2_1-.Ltmp1, $4  }
0x4f: {  	[hbm4b:s9+s2] =	stream.linear.scatter [tilespmem:s14], [sflag:$0x3], $0x13C0, $0x38;
	[tilespmem:$0x2C80] =	vst v63  }
0x50: {  	_ =	swait.ge [sflag:s13], $0x13C0  }
0x51: {  	[sflag:s13] =	ssyncset.done $0x0  }
0x52: {  	[sflag:s13] =	ssyncadd.s32 $0xFFFFEC40  }
0x53: {  	_ =	sfence.sel $0x180000  }
0x54: {  	[bflag:$0x0] =	sbarrier.arrive $0xFFFF  }
0x55: {  	p0 =	sne.s32 s3, $0x0;
	_ =	strace $0x90000047  }
0x56: {  	s0 =	sadd.s32 @!p0 $0x100000, s0;
	[bflag:$0x2] =	sbarrier.arrive $0xFFFF  }
0x57: {  	[sflag:s0] =	ssyncadd.tile.s32 @!p0 $0x1;
	_ =	shalt  }
.Lfunc_end2:
_tile_overlayer_lowered:
.L_overlay_start_2:
0x58: {  	(tag) =	ssettag $0x2  }
0x59: {  	s0 =	rddreg [dreg:$0x0];
	s2 =	stileid.u32  }
0x5a: {  	s1 =	rddreg [dreg:$0x1];
	p0 =	sne.s32 s2, $0x0  }
0x5b: {  	s3 =	rddreg [dreg:$0x2];
	[bflag:$0x3] =	sbarrier.arrive $0xFFFF;
	s2 =	simm.s32 @!p0 $0x1C03  }
0x5c: {  	[timem:s3], [sflag:s2] =	dma.local @!p0 [hbm:s0], s1  }
0x5d: {  	s0 =	simm.s32 @!p0 $0x3  }
0x5e: {  	_ =	swait.ge @!p0 [sflag:s0], s1  }
0x5f: {  	s1 =	ssub.s32 @!p0 $0x0, s1;
	[sflag:s0] =	ssyncset.done @!p0 $0x0  }
0x60: {  	[sflag:s0] =	ssyncadd.s32 @!p0 s1  }
0x61: {  	[bflag:$0x3] =	sbarrier.arrive $0xFFFF  }
0x62: {  	_ =	shalt  }

</sc_bundles>
